<compile_context>
chip_gen: v7x
topology: tpu7x:2x2x1
jax: 0.10.2.dev20260603
libtpu: 0.0.44.dev20260713+nightly
codegen_flags: <defaults>
</compile_context>

<pallas_src>
import functools

import jax
import jax.numpy as jnp
from jax import lax
from jax.experimental import pallas as pl
from jax.experimental.pallas import tpu as pltpu
from jax.experimental.pallas import tpu_sc as plsc

N = 10000
E = 160000
D_IN = 256
D_H = 256
D_OUT = 64

NP = 10240
EP = 163840
EROWS = EP // 128
DQ = 64

_mesh = plsc.VectorSubcoreMesh(core_axis_name="c", subcore_axis_name="s")
_sc_params = pltpu.CompilerParams(use_tc_tiling_on_sc=False)


@functools.partial(
    pl.kernel,
    out_type=jax.ShapeDtypeStruct((2, NP), jnp.float32),
    mesh=_mesh,
    compiler_params=_sc_params,
    scratch_types=[
        pltpu.VMEM((4, 128), jnp.int32),
        pltpu.VMEM((128,), jnp.float32),
        pltpu.VMEM((640,), jnp.float32),
        pltpu.VMEM_SHARED((NP,), jnp.float32),
    ],
)
def _deg_kernel(edge_hbm, z1d_hbm, out_hbm, idxv, ones, vbuf, acc):
    c = lax.axis_index("c")
    s = lax.axis_index("s")
    pltpu.sync_copy(z1d_hbm.at[pl.ds(0, 640)], vbuf)
    pltpu.sync_copy(vbuf, acc.at[pl.ds(s * 640, 640)])
    for k in range(8):
        ones[pl.ds(k * 16, 16)] = jnp.ones((16,), jnp.float32)
    plsc.subcore_barrier()

    def body(i, carry):
        pltpu.sync_copy(edge_hbm.at[c, pl.ds(s * 80 + i * 4, 4)], idxv)
        for j in range(4):
            pltpu.sync_copy(ones, acc.at[idxv.at[j]], add=True)
        return carry

    lax.fori_loop(0, 20, body, 0)
    plsc.subcore_barrier()
    pltpu.sync_copy(acc.at[pl.ds(s * 640, 640)], vbuf)
    pltpu.sync_copy(vbuf, out_hbm.at[c, pl.ds(s * 640, 640)])


def _agg_pass(table_hbm, zdrain_hbm, srcb, dstb, rows8, acc, gsem, tsem,
              nslots):

    def fire_gather(slot, b):
        pltpu.async_copy(table_hbm.at[srcb.at[slot]], rows8[b], gsem.at[b])

    def fire_scatter(slot, b):
        pltpu.async_copy(rows8[b], acc.at[dstb.at[slot]], tsem.at[b],
                         add=True)

    def drain(b, sem):
        pltpu.make_async_copy(zdrain_hbm.at[pl.ds(0, 128)], rows8[b],
                              sem.at[b]).wait()

    for b in range(4):
        fire_gather(b, b)

    def body(outer, carry):
        for b in range(8):
            it = outer * 8 + b
            drain(b, gsem)
            fire_scatter(it, b)
            b2 = (b + 4) % 8

            @pl.when(it >= 4)
            def _():
                drain(b2, tsem)

            @pl.when(it + 4 < nslots)
            def _():
                fire_gather(it + 4, b2)
        return carry

    lax.fori_loop(0, nslots // 8, body, 0)
    for b in (4, 5, 6, 7):
        drain(b, tsem)


def _zero_acc(zeros_hbm, zb, acc, s):
    pltpu.sync_copy(zeros_hbm.at[pl.ds(0, 128)], zb)
    for z in range(5):
        pltpu.sync_copy(zb, acc.at[pl.ds(s * 640 + z * 128, 128)])


def _readout(acc, zb, out_hbm, s, out_base):
    for z in range(5):
        pltpu.sync_copy(acc.at[pl.ds(s * 640 + z * 128, 128)], zb)
        pltpu.sync_copy(
            zb, out_hbm.at[pl.ds(out_base + s * 640 + z * 128, 128)])


@functools.partial(
    pl.kernel,
    out_type=jax.ShapeDtypeStruct((2 * NP, 128), jnp.float32),
    mesh=_mesh,
    compiler_params=_sc_params,
    scratch_types=[
        pltpu.VMEM((40, 128), jnp.int32),
        pltpu.VMEM((40, 128), jnp.int32),
        pltpu.VMEM((128, 128), jnp.float32),
        pltpu.VMEM((128, 128), jnp.float32),
        pltpu.VMEM_SHARED((NP, 128), jnp.float32),
        pltpu.SemaphoreType.DMA((2,)),
        pltpu.SemaphoreType.DMA((2,)),
    ],
)
def _agg1_kernel(table_hbm, src4_hbm, dst2_hbm, z128_hbm, out_hbm,
                 srcb, dstb, r0, r1, acc, gsem, tsem):
    c = lax.axis_index("c")
    s = lax.axis_index("s")
    rows2 = [r0, r1]
    pltpu.sync_copy(z128_hbm, r0)
    for z in range(5):
        pltpu.sync_copy(r0, acc.at[pl.ds(s * 640 + z * 128, 128)])
    plsc.subcore_barrier()

    def fire_gather(slot, b):
        pltpu.async_copy(table_hbm.at[srcb.at[slot]], rows2[b], gsem.at[b])

    def drain(b, sem):
        pltpu.make_async_copy(table_hbm.at[pl.ds(0, 128)], rows2[b],
                              sem.at[b]).wait()

    for stage in range(2):
        base = s * 80 + stage * 40
        pltpu.sync_copy(src4_hbm.at[c, pl.ds(base, 40)], srcb)
        pltpu.sync_copy(dst2_hbm.at[pl.ds(base, 40)], dstb)
        fire_gather(0, 0)

        def body(outer, carry):
            for b in range(2):
                it = outer * 2 + b
                drain(b, gsem)
                pltpu.async_copy(rows2[b], acc.at[dstb.at[it]],
                                 tsem.at[b], add=True)
                b2 = 1 - b

                @pl.when(it >= 1)
                def _():
                    drain(b2, tsem)

                @pl.when(it + 1 < 40)
                def _():
                    fire_gather(it + 1, b2)
            return carry

        lax.fori_loop(0, 20, body, 0)
        drain(1, tsem)

    plsc.subcore_barrier()
    for z in range(5):
        pltpu.sync_copy(acc.at[pl.ds(s * 640 + z * 128, 128)], r0)
        pltpu.sync_copy(
            r0, out_hbm.at[pl.ds(c * NP + s * 640 + z * 128, 128)])


@functools.partial(
    pl.kernel,
    out_type=jax.ShapeDtypeStruct((2 * NP, D_OUT), jnp.float32),
    mesh=_mesh,
    compiler_params=_sc_params,
    scratch_types=[
        pltpu.VMEM((80, 128), jnp.int32),
        pltpu.VMEM((80, 128), jnp.int32),
    ] + [pltpu.VMEM((128, D_OUT), jnp.float32)] * 8 + [
        pltpu.VMEM_SHARED((NP, D_OUT), jnp.float32),
        pltpu.SemaphoreType.DMA((8,)),
        pltpu.SemaphoreType.DMA((8,)),
    ],
)
def _agg2_kernel(table_hbm, src4_hbm, dst2_hbm, zeros_hbm, out_hbm,
                 srcb, dstb, r0, r1, r2, r3, r4, r5, r6, r7,
                 acc, gsem, tsem):
    c = lax.axis_index("c")
    s = lax.axis_index("s")
    rows8 = [r0, r1, r2, r3, r4, r5, r6, r7]
    _zero_acc(zeros_hbm, r0, acc, s)
    base = c * 640 + s * 40
    pltpu.sync_copy(src4_hbm.at[0, pl.ds(base, 40)], srcb.at[pl.ds(0, 40)])
    pltpu.sync_copy(dst2_hbm.at[pl.ds(base, 40)], dstb.at[pl.ds(0, 40)])
    plsc.subcore_barrier()
    _agg_pass(table_hbm, zeros_hbm, srcb, dstb, rows8, acc, gsem, tsem,
              nslots=40)
    plsc.subcore_barrier()
    _readout(acc, r0, out_hbm, s, c * NP)


def _mm1_body(x_ref, w_ref, cnt_ref, o_ref):
    s = lax.rsqrt(jnp.maximum(cnt_ref[...], 1.0))
    res = jnp.dot(x_ref[...] * s, w_ref[...],
                  preferred_element_type=jnp.float32)
    for h in range(2):
        o_ref[h] = res[:, h * 128:(h + 1) * 128]


def _mm2_body(a_ref, w_ref, b1_ref, ci_ref, co_ref, o_ref):
    si = lax.rsqrt(jnp.maximum(ci_ref[...], 1.0))
    so = lax.rsqrt(jnp.maximum(co_ref[...], 1.0))
    acc = jnp.zeros(o_ref.shape, jnp.float32)
    for h in range(2):
        t = jnp.maximum(a_ref[h] * si + b1_ref[h], 0.0) * so
        acc = acc + jnp.dot(t, w_ref[h], preferred_element_type=jnp.float32)
    o_ref[...] = acc


def _fin_body(p_ref, ci_ref, b2_ref, o_ref):
    si = lax.rsqrt(jnp.maximum(ci_ref[...], 1.0))
    o_ref[...] = (p_ref[0] + p_ref[1]) * si + b2_ref[...]


def kernel(features, edge_index, W1, b1, W2, b2):
    src = edge_index[0]
    dst = edge_index[1]
    pad = EP - E
    fake_dst = N + jnp.arange(pad, dtype=jnp.int32) % (NP - N)
    src_pad = jnp.concatenate([src, jnp.zeros((pad,), jnp.int32)])
    dst_pad = jnp.concatenate([dst, fake_dst])
    src4 = (src_pad[None, :]
            + (jnp.arange(4, dtype=jnp.int32) * N)[:, None]).reshape(
                4, EROWS, 128)
    dst2 = dst_pad.reshape(EROWS, 128)
    edge2 = jnp.concatenate(
        [edge_index, jnp.stack([fake_dst, fake_dst])], axis=1
    ).reshape(2, EROWS, 128)
    zeros_a = jnp.zeros((640, DQ), jnp.float32)
    z128 = jnp.zeros((128, 128), jnp.float32)
    z1d = jnp.zeros((NP,), jnp.float32)

    counts = _deg_kernel(edge2, z1d)
    co_col = counts[0][:, None]
    ci_col = counts[1][:, None]

    h1 = pl.pallas_call(
        _mm1_body,
        grid=(10,),
        in_specs=[
            pl.BlockSpec((1000, D_IN), lambda i: (i, 0)),
            pl.BlockSpec((D_IN, D_H), lambda i: (0, 0)),
            pl.BlockSpec((1000, 1), lambda i: (i, 0)),
        ],
        out_specs=pl.BlockSpec((2, 1000, 128), lambda i: (0, i, 0)),
        out_shape=jax.ShapeDtypeStruct((2, N, 128), jnp.float32),
    )(features, W1, co_col[:N])

    table1 = h1.reshape(2 * N, 128)
    agg1 = _agg1_kernel(table1, src4, dst2, z128)
    agg1 = agg1.reshape(2, NP, 128)

    h2 = pl.pallas_call(
        _mm2_body,
        grid=(10,),
        in_specs=[
            pl.BlockSpec((2, 1024, 128), lambda i: (0, i, 0)),
            pl.BlockSpec((2, 128, D_OUT), lambda i: (0, 0, 0)),
            pl.BlockSpec((2, 1, 128), lambda i: (0, 0, 0)),
            pl.BlockSpec((1024, 1), lambda i: (i, 0)),
            pl.BlockSpec((1024, 1), lambda i: (i, 0)),
        ],
        out_specs=pl.BlockSpec((1024, D_OUT), lambda i: (i, 0)),
        out_shape=jax.ShapeDtypeStruct((NP, D_OUT), jnp.float32),
    )(agg1, W2.reshape(2, 128, D_OUT), b1.reshape(2, 1, 128), ci_col, co_col)

    p = _agg2_kernel(h2, src4, dst2, zeros_a)
    p = p.reshape(2, NP, D_OUT)

    out = pl.pallas_call(
        _fin_body,
        grid=(10,),
        in_specs=[
            pl.BlockSpec((2, 1000, D_OUT), lambda i: (0, i, 0)),
            pl.BlockSpec((1000, 1), lambda i: (i, 0)),
            pl.BlockSpec((1, D_OUT), lambda i: (0, 0)),
        ],
        out_specs=pl.BlockSpec((1000, D_OUT), lambda i: (i, 0)),
        out_shape=jax.ShapeDtypeStruct((N, D_OUT), jnp.float32),
    )(p, ci_col, b2.reshape(1, D_OUT))
    return out

# --- scband reference (transcript-rebuilt; emitter-appended) ---
"""Pipeline reference for scband-gcn-18949395710248 (READ-ONLY COPY).

The authoritative reference and input builder live on the scoring server;
editing this copy changes nothing except your own understanding.
"""

import jax, jax.numpy as jnp
import numpy as np

N = 10000
E = 160000
D_IN = 256
D_H = 256
D_OUT = 64


def setup_inputs(seed: int = 0) -> dict:
    key = jax.random.key(seed)
    k1, k2, k3, k4, k5, k6 = jax.random.split(key, 6)
    features = jax.random.normal(k1, (N, D_IN), dtype=jnp.float32)
    edge_index = jax.random.randint(k2, (2, E), 0, N, dtype=jnp.int32)
    W1 = jax.random.normal(k3, (D_IN, D_H), dtype=jnp.float32) * (1.0 / np.sqrt(D_IN))
    b1 = jnp.zeros((D_H,), dtype=jnp.float32)
    W2 = jax.random.normal(k4, (D_H, D_OUT), dtype=jnp.float32) * (1.0 / np.sqrt(D_H))
    b2 = jnp.zeros((D_OUT,), dtype=jnp.float32)
    return {"features": features, "edge_index": edge_index, "W1": W1, "b1": b1, "W2": W2, "b2": b2}


def _graph_conv(x, W, b, src, dst, n_nodes):
    # DGL GraphConv with norm='both': h = D_in^{-1/2} A D_out^{-1/2} x W + b
    deg_out = jnp.clip(jnp.bincount(src, length=n_nodes).astype(jnp.float32), 1.0)
    deg_in = jnp.clip(jnp.bincount(dst, length=n_nodes).astype(jnp.float32), 1.0)
    x = x * jax.lax.rsqrt(deg_out)[:, None]
    x = x @ W  # weight applied before aggregation (in_feats >= out_feats path)
    msgs = jnp.take(x, src, axis=0)
    agg = jax.ops.segment_sum(msgs, dst, num_segments=n_nodes)
    agg = agg * jax.lax.rsqrt(deg_in)[:, None]
    return agg + b


def reference(features, edge_index, W1, b1, W2, b2):
    src = edge_index[0]
    dst = edge_index[1]
    h = jax.nn.relu(_graph_conv(features, W1, b1, src, dst, N))
    out = _graph_conv(h, W2, b2, src, dst, N)
    return out

if __name__ == "__main__":
    import jax
    _d = setup_inputs()
    print(jax.jit(kernel)(*tuple(_d.values())))

</pallas_src>

<mosaic_0001>
#map = affine_map<(d0, d1) -> (0, 0)>
#map1 = affine_map<(d0, d1) -> (0, 0, 0)>
module attributes {stable_mosaic.version = 14 : i64} {
  func.func @_agg1_kernel(%arg0: i32, %arg1: i32, %arg2: memref<20000x128xf32, #tpu.memory_space<hbm>>, %arg3: memref<4x1280x128xi32, #tpu.memory_space<hbm>>, %arg4: memref<1280x128xi32, #tpu.memory_space<hbm>>, %arg5: memref<128x128xf32, #tpu.memory_space<hbm>>, %arg6: memref<20480x128xf32, #tpu.memory_space<hbm>>, %arg7: memref<40x128xi32, #tpu.memory_space<vmem>>, %arg8: memref<40x128xi32, #tpu.memory_space<vmem>>, %arg9: memref<128x128xf32, #tpu.memory_space<vmem>>, %arg10: memref<128x128xf32, #tpu.memory_space<vmem>>, %arg11: memref<10240x128xf32, #tpu.memory_space<vmem_shared>>, %arg12: memref<2x!tpu.dma_semaphore, #tpu.memory_space<semaphore_mem>>, %arg13: memref<2x!tpu.dma_semaphore, #tpu.memory_space<semaphore_mem>>) attributes {dimension_semantics = [#tpu.dimension_semantics<core_parallel>, #tpu.dimension_semantics<subcore_parallel>], iteration_bounds = array<i64: 2, 16>, scalar_prefetch = 0 : i64, scratch_operands = 7 : i64, tpu.core_type = #tpu.core_type<sc_vector_subcore>, window_params = [{transform_indices = #map}, {transform_indices = #map1}, {transform_indices = #map}, {transform_indices = #map}, {transform_indices = #map}]} {
    "tpu.region"() ({
      %run_scoped3A = tpu.sem_alloc : memref<!tpu.dma_semaphore, #tpu.memory_space<semaphore_mem>>
      tpu.enqueue_dma source(%arg5 : memref<128x128xf32, #tpu.memory_space<hbm>>) target(%arg9 : memref<128x128xf32, #tpu.memory_space<vmem>>) target_semaphore(%run_scoped3A : memref<!tpu.dma_semaphore, #tpu.memory_space<semaphore_mem>>)
      tpu.wait_dma2 semaphore(%run_scoped3A : memref<!tpu.dma_semaphore, #tpu.memory_space<semaphore_mem>>) src(%arg5 : memref<128x128xf32, #tpu.memory_space<hbm>>) dst(%arg9 : memref<128x128xf32, #tpu.memory_space<vmem>>)
      tpu.yield
    }) : () -> ()
    %mul3A = arith.constant 640 : i32
    %mul3A_0 = arith.muli %arg1, %mul3A : i32
    %add3A = arith.constant 0 : i32
    %add3A_1 = arith.addi %mul3A_0, %add3A : i32
    "tpu.region"() ({
      %run_scoped3A = tpu.sem_alloc : memref<!tpu.dma_semaphore, #tpu.memory_space<semaphore_mem>>
      %dma_start3A_129 = arith.constant 0 : i32
      %dma_start3A_130 = tpu.memref_slice %arg11[%add3A_1, %dma_start3A_129] : memref<10240x128xf32, #tpu.memory_space<vmem_shared>> -> memref<128x128xf32, #tpu.memory_space<vmem_shared>>
      %dma_start3A_131 = arith.constant 0 : i32
      %dma_start3A_132 = tpu.memref_slice %arg11[%add3A_1, %dma_start3A_131] : memref<10240x128xf32, #tpu.memory_space<vmem_shared>> -> memref<128x128xf32, #tpu.memory_space<vmem_shared>>
      tpu.enqueue_dma source(%arg9 : memref<128x128xf32, #tpu.memory_space<vmem>>) target(%dma_start3A_132 : memref<128x128xf32, #tpu.memory_space<vmem_shared>>) target_semaphore(%run_scoped3A : memref<!tpu.dma_semaphore, #tpu.memory_space<semaphore_mem>>)
      %dma_wait3A_133 = arith.constant 0 : i32
      %dma_wait3A_134 = tpu.memref_slice %arg11[%add3A_1, %dma_wait3A_133] : memref<10240x128xf32, #tpu.memory_space<vmem_shared>> -> memref<128x128xf32, #tpu.memory_space<vmem_shared>>
      %dma_wait3A_135 = arith.constant 0 : i32
      %dma_wait3A_136 = tpu.memref_slice %arg11[%add3A_1, %dma_wait3A_135] : memref<10240x128xf32, #tpu.memory_space<vmem_shared>> -> memref<128x128xf32, #tpu.memory_space<vmem_shared>>
      tpu.wait_dma2 semaphore(%run_scoped3A : memref<!tpu.dma_semaphore, #tpu.memory_space<semaphore_mem>>) src(%arg9 : memref<128x128xf32, #tpu.memory_space<vmem>>) dst(%dma_wait3A_136 : memref<128x128xf32, #tpu.memory_space<vmem_shared>>)
      tpu.yield
    }) : () -> ()
    %mul3A_2 = arith.constant 640 : i32
    %mul3A_3 = arith.muli %arg1, %mul3A_2 : i32
    %add3A_4 = arith.constant 128 : i32
    %add3A_5 = arith.addi %mul3A_3, %add3A_4 : i32
    "tpu.region"() ({
      %run_scoped3A = tpu.sem_alloc : memref<!tpu.dma_semaphore, #tpu.memory_space<semaphore_mem>>
      %dma_start3A_129 = arith.constant 0 : i32
      %dma_start3A_130 = tpu.memref_slice %arg11[%add3A_5, %dma_start3A_129] : memref<10240x128xf32, #tpu.memory_space<vmem_shared>> -> memref<128x128xf32, #tpu.memory_space<vmem_shared>>
      %dma_start3A_131 = arith.constant 0 : i32
      %dma_start3A_132 = tpu.memref_slice %arg11[%add3A_5, %dma_start3A_131] : memref<10240x128xf32, #tpu.memory_space<vmem_shared>> -> memref<128x128xf32, #tpu.memory_space<vmem_shared>>
      tpu.enqueue_dma source(%arg9 : memref<128x128xf32, #tpu.memory_space<vmem>>) target(%dma_start3A_132 : memref<128x128xf32, #tpu.memory_space<vmem_shared>>) target_semaphore(%run_scoped3A : memref<!tpu.dma_semaphore, #tpu.memory_space<semaphore_mem>>)
      %dma_wait3A_133 = arith.constant 0 : i32
      %dma_wait3A_134 = tpu.memref_slice %arg11[%add3A_5, %dma_wait3A_133] : memref<10240x128xf32, #tpu.memory_space<vmem_shared>> -> memref<128x128xf32, #tpu.memory_space<vmem_shared>>
      %dma_wait3A_135 = arith.constant 0 : i32
      %dma_wait3A_136 = tpu.memref_slice %arg11[%add3A_5, %dma_wait3A_135] : memref<10240x128xf32, #tpu.memory_space<vmem_shared>> -> memref<128x128xf32, #tpu.memory_space<vmem_shared>>
      tpu.wait_dma2 semaphore(%run_scoped3A : memref<!tpu.dma_semaphore, #tpu.memory_space<semaphore_mem>>) src(%arg9 : memref<128x128xf32, #tpu.memory_space<vmem>>) dst(%dma_wait3A_136 : memref<128x128xf32, #tpu.memory_space<vmem_shared>>)
      tpu.yield
    }) : () -> ()
    %mul3A_6 = arith.constant 640 : i32
    %mul3A_7 = arith.muli %arg1, %mul3A_6 : i32
    %add3A_8 = arith.constant 256 : i32
    %add3A_9 = arith.addi %mul3A_7, %add3A_8 : i32
    "tpu.region"() ({
      %run_scoped3A = tpu.sem_alloc : memref<!tpu.dma_semaphore, #tpu.memory_space<semaphore_mem>>
      %dma_start3A_129 = arith.constant 0 : i32
      %dma_start3A_130 = tpu.memref_slice %arg11[%add3A_9, %dma_start3A_129] : memref<10240x128xf32, #tpu.memory_space<vmem_shared>> -> memref<128x128xf32, #tpu.memory_space<vmem_shared>>
      %dma_start3A_131 = arith.constant 0 : i32
      %dma_start3A_132 = tpu.memref_slice %arg11[%add3A_9, %dma_start3A_131] : memref<10240x128xf32, #tpu.memory_space<vmem_shared>> -> memref<128x128xf32, #tpu.memory_space<vmem_shared>>
      tpu.enqueue_dma source(%arg9 : memref<128x128xf32, #tpu.memory_space<vmem>>) target(%dma_start3A_132 : memref<128x128xf32, #tpu.memory_space<vmem_shared>>) target_semaphore(%run_scoped3A : memref<!tpu.dma_semaphore, #tpu.memory_space<semaphore_mem>>)
      %dma_wait3A_133 = arith.constant 0 : i32
      %dma_wait3A_134 = tpu.memref_slice %arg11[%add3A_9, %dma_wait3A_133] : memref<10240x128xf32, #tpu.memory_space<vmem_shared>> -> memref<128x128xf32, #tpu.memory_space<vmem_shared>>
      %dma_wait3A_135 = arith.constant 0 : i32
      %dma_wait3A_136 = tpu.memref_slice %arg11[%add3A_9, %dma_wait3A_135] : memref<10240x128xf32, #tpu.memory_space<vmem_shared>> -> memref<128x128xf32, #tpu.memory_space<vmem_shared>>
      tpu.wait_dma2 semaphore(%run_scoped3A : memref<!tpu.dma_semaphore, #tpu.memory_space<semaphore_mem>>) src(%arg9 : memref<128x128xf32, #tpu.memory_space<vmem>>) dst(%dma_wait3A_136 : memref<128x128xf32, #tpu.memory_space<vmem_shared>>)
      tpu.yield
    }) : () -> ()
    %mul3A_10 = arith.constant 640 : i32
    %mul3A_11 = arith.muli %arg1, %mul3A_10 : i32
    %add3A_12 = arith.constant 384 : i32
    %add3A_13 = arith.addi %mul3A_11, %add3A_12 : i32
    "tpu.region"() ({
      %run_scoped3A = tpu.sem_alloc : memref<!tpu.dma_semaphore, #tpu.memory_space<semaphore_mem>>
      %dma_start3A_129 = arith.constant 0 : i32
      %dma_start3A_130 = tpu.memref_slice %arg11[%add3A_13, %dma_start3A_129] : memref<10240x128xf32, #tpu.memory_space<vmem_shared>> -> memref<128x128xf32, #tpu.memory_space<vmem_shared>>
      %dma_start3A_131 = arith.constant 0 : i32
      %dma_start3A_132 = tpu.memref_slice %arg11[%add3A_13, %dma_start3A_131] : memref<10240x128xf32, #tpu.memory_space<vmem_shared>> -> memref<128x128xf32, #tpu.memory_space<vmem_shared>>
      tpu.enqueue_dma source(%arg9 : memref<128x128xf32, #tpu.memory_space<vmem>>) target(%dma_start3A_132 : memref<128x128xf32, #tpu.memory_space<vmem_shared>>) target_semaphore(%run_scoped3A : memref<!tpu.dma_semaphore, #tpu.memory_space<semaphore_mem>>)
      %dma_wait3A_133 = arith.constant 0 : i32
      %dma_wait3A_134 = tpu.memref_slice %arg11[%add3A_13, %dma_wait3A_133] : memref<10240x128xf32, #tpu.memory_space<vmem_shared>> -> memref<128x128xf32, #tpu.memory_space<vmem_shared>>
      %dma_wait3A_135 = arith.constant 0 : i32
      %dma_wait3A_136 = tpu.memref_slice %arg11[%add3A_13, %dma_wait3A_135] : memref<10240x128xf32, #tpu.memory_space<vmem_shared>> -> memref<128x128xf32, #tpu.memory_space<vmem_shared>>
      tpu.wait_dma2 semaphore(%run_scoped3A : memref<!tpu.dma_semaphore, #tpu.memory_space<semaphore_mem>>) src(%arg9 : memref<128x128xf32, #tpu.memory_space<vmem>>) dst(%dma_wait3A_136 : memref<128x128xf32, #tpu.memory_space<vmem_shared>>)
      tpu.yield
    }) : () -> ()
    %mul3A_14 = arith.constant 640 : i32
    %mul3A_15 = arith.muli %arg1, %mul3A_14 : i32
    %add3A_16 = arith.constant 512 : i32
    %add3A_17 = arith.addi %mul3A_15, %add3A_16 : i32
    "tpu.region"() ({
      %run_scoped3A = tpu.sem_alloc : memref<!tpu.dma_semaphore, #tpu.memory_space<semaphore_mem>>
      %dma_start3A_129 = arith.constant 0 : i32
      %dma_start3A_130 = tpu.memref_slice %arg11[%add3A_17, %dma_start3A_129] : memref<10240x128xf32, #tpu.memory_space<vmem_shared>> -> memref<128x128xf32, #tpu.memory_space<vmem_shared>>
      %dma_start3A_131 = arith.constant 0 : i32
      %dma_start3A_132 = tpu.memref_slice %arg11[%add3A_17, %dma_start3A_131] : memref<10240x128xf32, #tpu.memory_space<vmem_shared>> -> memref<128x128xf32, #tpu.memory_space<vmem_shared>>
      tpu.enqueue_dma source(%arg9 : memref<128x128xf32, #tpu.memory_space<vmem>>) target(%dma_start3A_132 : memref<128x128xf32, #tpu.memory_space<vmem_shared>>) target_semaphore(%run_scoped3A : memref<!tpu.dma_semaphore, #tpu.memory_space<semaphore_mem>>)
      %dma_wait3A_133 = arith.constant 0 : i32
      %dma_wait3A_134 = tpu.memref_slice %arg11[%add3A_17, %dma_wait3A_133] : memref<10240x128xf32, #tpu.memory_space<vmem_shared>> -> memref<128x128xf32, #tpu.memory_space<vmem_shared>>
      %dma_wait3A_135 = arith.constant 0 : i32
      %dma_wait3A_136 = tpu.memref_slice %arg11[%add3A_17, %dma_wait3A_135] : memref<10240x128xf32, #tpu.memory_space<vmem_shared>> -> memref<128x128xf32, #tpu.memory_space<vmem_shared>>
      tpu.wait_dma2 semaphore(%run_scoped3A : memref<!tpu.dma_semaphore, #tpu.memory_space<semaphore_mem>>) src(%arg9 : memref<128x128xf32, #tpu.memory_space<vmem>>) dst(%dma_wait3A_136 : memref<128x128xf32, #tpu.memory_space<vmem_shared>>)
      tpu.yield
    }) : () -> ()
    %barrier3A = arith.constant 0 : index
    tpu.barrier barrier_id(%barrier3A)
    %mul3A_18 = arith.constant 80 : i32
    %mul3A_19 = arith.muli %arg1, %mul3A_18 : i32
    %add3A_20 = arith.constant 0 : i32
    %add3A_21 = arith.addi %mul3A_19, %add3A_20 : i32
    "tpu.region"() ({
      %run_scoped3A = tpu.sem_alloc : memref<!tpu.dma_semaphore, #tpu.memory_space<semaphore_mem>>
      %dma_start3A_129 = arith.constant 0 : i32
      %dma_start3A_130 = tpu.memref_slice %arg3[%arg0, %add3A_21, %dma_start3A_129] : memref<4x1280x128xi32, #tpu.memory_space<hbm>> -> memref<1x40x128xi32, #tpu.memory_space<hbm>>
      %dma_start3A_131 = tpu.memref_squeeze %dma_start3A_130 : memref<1x40x128xi32, #tpu.memory_space<hbm>> -> memref<40x128xi32, #tpu.memory_space<hbm>>
      %dma_start3A_132 = arith.constant 0 : i32
      %dma_start3A_133 = tpu.memref_slice %arg3[%arg0, %add3A_21, %dma_start3A_132] : memref<4x1280x128xi32, #tpu.memory_space<hbm>> -> memref<1x40x128xi32, #tpu.memory_space<hbm>>
      %dma_start3A_134 = tpu.memref_squeeze %dma_start3A_133 : memref<1x40x128xi32, #tpu.memory_space<hbm>> -> memref<40x128xi32, #tpu.memory_space<hbm>>
      tpu.enqueue_dma source(%dma_start3A_134 : memref<40x128xi32, #tpu.memory_space<hbm>>) target(%arg7 : memref<40x128xi32, #tpu.memory_space<vmem>>) target_semaphore(%run_scoped3A : memref<!tpu.dma_semaphore, #tpu.memory_space<semaphore_mem>>)
      %dma_wait3A_135 = arith.constant 0 : i32
      %dma_wait3A_136 = tpu.memref_slice %arg3[%arg0, %add3A_21, %dma_wait3A_135] : memref<4x1280x128xi32, #tpu.memory_space<hbm>> -> memref<1x40x128xi32, #tpu.memory_space<hbm>>
      %dma_wait3A_137 = tpu.memref_squeeze %dma_wait3A_136 : memref<1x40x128xi32, #tpu.memory_space<hbm>> -> memref<40x128xi32, #tpu.memory_space<hbm>>
      %dma_wait3A_138 = arith.constant 0 : i32
      %dma_wait3A_139 = tpu.memref_slice %arg3[%arg0, %add3A_21, %dma_wait3A_138] : memref<4x1280x128xi32, #tpu.memory_space<hbm>> -> memref<1x40x128xi32, #tpu.memory_space<hbm>>
      %dma_wait3A_140 = tpu.memref_squeeze %dma_wait3A_139 : memref<1x40x128xi32, #tpu.memory_space<hbm>> -> memref<40x128xi32, #tpu.memory_space<hbm>>
      tpu.wait_dma2 semaphore(%run_scoped3A : memref<!tpu.dma_semaphore, #tpu.memory_space<semaphore_mem>>) src(%dma_wait3A_140 : memref<40x128xi32, #tpu.memory_space<hbm>>) dst(%arg7 : memref<40x128xi32, #tpu.memory_space<vmem>>)
      tpu.yield
    }) : () -> ()
    "tpu.region"() ({
      %run_scoped3A = tpu.sem_alloc : memref<!tpu.dma_semaphore, #tpu.memory_space<semaphore_mem>>
      %dma_start3A_129 = arith.constant 0 : i32
      %dma_start3A_130 = tpu.memref_slice %arg4[%add3A_21, %dma_start3A_129] : memref<1280x128xi32, #tpu.memory_space<hbm>> -> memref<40x128xi32, #tpu.memory_space<hbm>>
      %dma_start3A_131 = arith.constant 0 : i32
      %dma_start3A_132 = tpu.memref_slice %arg4[%add3A_21, %dma_start3A_131] : memref<1280x128xi32, #tpu.memory_space<hbm>> -> memref<40x128xi32, #tpu.memory_space<hbm>>
      tpu.enqueue_dma source(%dma_start3A_132 : memref<40x128xi32, #tpu.memory_space<hbm>>) target(%arg8 : memref<40x128xi32, #tpu.memory_space<vmem>>) target_semaphore(%run_scoped3A : memref<!tpu.dma_semaphore, #tpu.memory_space<semaphore_mem>>)
      %dma_wait3A_133 = arith.constant 0 : i32
      %dma_wait3A_134 = tpu.memref_slice %arg4[%add3A_21, %dma_wait3A_133] : memref<1280x128xi32, #tpu.memory_space<hbm>> -> memref<40x128xi32, #tpu.memory_space<hbm>>
      %dma_wait3A_135 = arith.constant 0 : i32
      %dma_wait3A_136 = tpu.memref_slice %arg4[%add3A_21, %dma_wait3A_135] : memref<1280x128xi32, #tpu.memory_space<hbm>> -> memref<40x128xi32, #tpu.memory_space<hbm>>
      tpu.wait_dma2 semaphore(%run_scoped3A : memref<!tpu.dma_semaphore, #tpu.memory_space<semaphore_mem>>) src(%dma_wait3A_136 : memref<40x128xi32, #tpu.memory_space<hbm>>) dst(%arg8 : memref<40x128xi32, #tpu.memory_space<vmem>>)
      tpu.yield
    }) : () -> ()
    %dma_start3A = arith.constant 0 : i32
    %dma_start3A_22 = arith.constant 0 : i32
    %dma_start3A_23 = arith.constant 0 : i32
    %dma_start3A_24 = tpu.memref_slice %arg7[%dma_start3A, %dma_start3A_23] : memref<40x128xi32, #tpu.memory_space<vmem>> -> memref<1x128xi32, #tpu.memory_space<vmem>>
    %dma_start3A_25 = tpu.memref_squeeze %dma_start3A_24 : memref<1x128xi32, #tpu.memory_space<vmem>> -> memref<128xi32, #tpu.memory_space<vmem>>
    %dma_start3A_26 = arith.constant 0 : i32
    %dma_start3A_27 = arith.constant 0 : i32
    %dma_start3A_28 = tpu.memref_slice %arg2[%dma_start3A_26, %dma_start3A_27] : memref<20000x128xf32, #tpu.memory_space<hbm>> -> memref<20000x128xf32, #tpu.memory_space<hbm>>
    %dma_start3A_29 = tpu.memref_slice %arg12[%dma_start3A_22] : memref<2x!tpu.dma_semaphore, #tpu.memory_space<semaphore_mem>> -> memref<1x!tpu.dma_semaphore, #tpu.memory_space<semaphore_mem>>
    %dma_start3A_30 = tpu.memref_squeeze %dma_start3A_29 : memref<1x!tpu.dma_semaphore, #tpu.memory_space<semaphore_mem>> -> memref<!tpu.dma_semaphore, #tpu.memory_space<semaphore_mem>>
    tpu.enqueue_indirect_dma source(%dma_start3A_28 : memref<20000x128xf32, #tpu.memory_space<hbm>>) target(%arg9 : memref<128x128xf32, #tpu.memory_space<vmem>>) offsets(%dma_start3A_25 : memref<128xi32, #tpu.memory_space<vmem>>) semaphore(%dma_start3A_30 : memref<!tpu.dma_semaphore, #tpu.memory_space<semaphore_mem>>)
    %scan3A = arith.constant 0 : i32
    %scan3A_31 = arith.constant 0 : i32
    %scan3A_32 = arith.constant 20 : i32
    %scan3A_33 = arith.addi %scan3A_31, %scan3A_32 : i32
    %scan3A_34 = arith.constant 1 : i32
    scf.for %scan3A_129 = %scan3A_31 to %scan3A_33 step %scan3A_34  : i32 {
      %mul3A_130 = arith.constant 2 : i32
      %mul3A_131 = arith.muli %scan3A_129, %mul3A_130 : i32
      %add3A_132 = arith.constant 0 : i32
      %add3A_133 = arith.addi %mul3A_131, %add3A_132 : i32
      %dma_wait3A_134 = arith.constant 0 : i32
      %dma_wait3A_135 = arith.constant 0 : i32
      %dma_wait3A_136 = arith.constant 0 : i32
      %dma_wait3A_137 = tpu.memref_slice %arg2[%dma_wait3A_135, %dma_wait3A_136] : memref<20000x128xf32, #tpu.memory_space<hbm>> -> memref<128x128xf32, #tpu.memory_space<hbm>>
      %dma_wait3A_138 = tpu.memref_slice %arg12[%dma_wait3A_134] : memref<2x!tpu.dma_semaphore, #tpu.memory_space<semaphore_mem>> -> memref<1x!tpu.dma_semaphore, #tpu.memory_space<semaphore_mem>>
      %dma_wait3A_139 = tpu.memref_squeeze %dma_wait3A_138 : memref<1x!tpu.dma_semaphore, #tpu.memory_space<semaphore_mem>> -> memref<!tpu.dma_semaphore, #tpu.memory_space<semaphore_mem>>
      %dma_wait3A_140 = arith.constant 0 : i32
      %dma_wait3A_141 = arith.constant 0 : i32
      %dma_wait3A_142 = tpu.memref_slice %arg2[%dma_wait3A_140, %dma_wait3A_141] : memref<20000x128xf32, #tpu.memory_space<hbm>> -> memref<128x128xf32, #tpu.memory_space<hbm>>
      tpu.wait_dma2 semaphore(%dma_wait3A_139 : memref<!tpu.dma_semaphore, #tpu.memory_space<semaphore_mem>>) src(%dma_wait3A_142 : memref<128x128xf32, #tpu.memory_space<hbm>>) dst(%arg9 : memref<128x128xf32, #tpu.memory_space<vmem>>)
      %dma_start3A_143 = arith.constant 0 : i32
      %dma_start3A_144 = arith.constant 0 : i32
      %dma_start3A_145 = tpu.memref_slice %arg8[%add3A_133, %dma_start3A_144] : memref<40x128xi32, #tpu.memory_space<vmem>> -> memref<1x128xi32, #tpu.memory_space<vmem>>
      %dma_start3A_146 = tpu.memref_squeeze %dma_start3A_145 : memref<1x128xi32, #tpu.memory_space<vmem>> -> memref<128xi32, #tpu.memory_space<vmem>>
      %dma_start3A_147 = arith.constant 0 : i32
      %dma_start3A_148 = arith.constant 0 : i32
      %dma_start3A_149 = tpu.memref_slice %arg11[%dma_start3A_147, %dma_start3A_148] : memref<10240x128xf32, #tpu.memory_space<vmem_shared>> -> memref<10240x128xf32, #tpu.memory_space<vmem_shared>>
      %dma_start3A_150 = tpu.memref_slice %arg13[%dma_start3A_143] : memref<2x!tpu.dma_semaphore, #tpu.memory_space<semaphore_mem>> -> memref<1x!tpu.dma_semaphore, #tpu.memory_space<semaphore_mem>>
      %dma_start3A_151 = tpu.memref_squeeze %dma_start3A_150 : memref<1x!tpu.dma_semaphore, #tpu.memory_space<semaphore_mem>> -> memref<!tpu.dma_semaphore, #tpu.memory_space<semaphore_mem>>
      tpu.enqueue_indirect_dma source(%arg9 : memref<128x128xf32, #tpu.memory_space<vmem>>) target(%dma_start3A_149 : memref<10240x128xf32, #tpu.memory_space<vmem_shared>>) offsets(%dma_start3A_146 : memref<128xi32, #tpu.memory_space<vmem>>) semaphore(%dma_start3A_151 : memref<!tpu.dma_semaphore, #tpu.memory_space<semaphore_mem>>) {add = true}
      %ge3A = arith.constant 1 : i32
      %ge3A_152 = arith.cmpi sge, %add3A_133, %ge3A : i32
      %convert_element_type3A = arith.extui %ge3A_152 : i1 to i32
      %cond3A = arith.constant 0 : i32
      %cond3A_153 = arith.cmpi ne, %convert_element_type3A, %cond3A : i32
      scf.if %cond3A_153 {
        %dma_wait3A_194 = arith.constant 1 : i32
        %dma_wait3A_195 = arith.constant 0 : i32
        %dma_wait3A_196 = arith.constant 0 : i32
        %dma_wait3A_197 = tpu.memref_slice %arg2[%dma_wait3A_195, %dma_wait3A_196] : memref<20000x128xf32, #tpu.memory_space<hbm>> -> memref<128x128xf32, #tpu.memory_space<hbm>>
        %dma_wait3A_198 = tpu.memref_slice %arg13[%dma_wait3A_194] : memref<2x!tpu.dma_semaphore, #tpu.memory_space<semaphore_mem>> -> memref<1x!tpu.dma_semaphore, #tpu.memory_space<semaphore_mem>>
        %dma_wait3A_199 = tpu.memref_squeeze %dma_wait3A_198 : memref<1x!tpu.dma_semaphore, #tpu.memory_space<semaphore_mem>> -> memref<!tpu.dma_semaphore, #tpu.memory_space<semaphore_mem>>
        %dma_wait3A_200 = arith.constant 0 : i32
        %dma_wait3A_201 = arith.constant 0 : i32
        %dma_wait3A_202 = tpu.memref_slice %arg2[%dma_wait3A_200, %dma_wait3A_201] : memref<20000x128xf32, #tpu.memory_space<hbm>> -> memref<128x128xf32, #tpu.memory_space<hbm>>
        tpu.wait_dma2 semaphore(%dma_wait3A_199 : memref<!tpu.dma_semaphore, #tpu.memory_space<semaphore_mem>>) src(%dma_wait3A_202 : memref<128x128xf32, #tpu.memory_space<hbm>>) dst(%arg10 : memref<128x128xf32, #tpu.memory_space<vmem>>)
      } else {
      }
      %add3A_154 = arith.constant 1 : i32
      %add3A_155 = arith.addi %add3A_133, %add3A_154 : i32
      %lt3A = arith.constant 40 : i32
      %lt3A_156 = arith.cmpi slt, %add3A_155, %lt3A : i32
      %convert_element_type3A_157 = arith.extui %lt3A_156 : i1 to i32
      %cond3A_158 = arith.constant 0 : i32
      %cond3A_159 = arith.cmpi ne, %convert_element_type3A_157, %cond3A_158 : i32
      scf.if %cond3A_159 {
        %add3A_194 = arith.constant 1 : i32
        %add3A_195 = arith.addi %add3A_133, %add3A_194 : i32
        %dma_start3A_196 = arith.constant 1 : i32
        %dma_start3A_197 = arith.constant 0 : i32
        %dma_start3A_198 = tpu.memref_slice %arg7[%add3A_195, %dma_start3A_197] : memref<40x128xi32, #tpu.memory_space<vmem>> -> memref<1x128xi32, #tpu.memory_space<vmem>>
        %dma_start3A_199 = tpu.memref_squeeze %dma_start3A_198 : memref<1x128xi32, #tpu.memory_space<vmem>> -> memref<128xi32, #tpu.memory_space<vmem>>
        %dma_start3A_200 = arith.constant 0 : i32
        %dma_start3A_201 = arith.constant 0 : i32
        %dma_start3A_202 = tpu.memref_slice %arg2[%dma_start3A_200, %dma_start3A_201] : memref<20000x128xf32, #tpu.memory_space<hbm>> -> memref<20000x128xf32, #tpu.memory_space<hbm>>
        %dma_start3A_203 = tpu.memref_slice %arg12[%dma_start3A_196] : memref<2x!tpu.dma_semaphore, #tpu.memory_space<semaphore_mem>> -> memref<1x!tpu.dma_semaphore, #tpu.memory_space<semaphore_mem>>
        %dma_start3A_204 = tpu.memref_squeeze %dma_start3A_203 : memref<1x!tpu.dma_semaphore, #tpu.memory_space<semaphore_mem>> -> memref<!tpu.dma_semaphore, #tpu.memory_space<semaphore_mem>>
        tpu.enqueue_indirect_dma source(%dma_start3A_202 : memref<20000x128xf32, #tpu.memory_space<hbm>>) target(%arg10 : memref<128x128xf32, #tpu.memory_space<vmem>>) offsets(%dma_start3A_199 : memref<128xi32, #tpu.memory_space<vmem>>) semaphore(%dma_start3A_204 : memref<!tpu.dma_semaphore, #tpu.memory_space<semaphore_mem>>)
      } else {
      }
      %mul3A_160 = arith.constant 2 : i32
      %mul3A_161 = arith.muli %scan3A_129, %mul3A_160 : i32
      %add3A_162 = arith.constant 1 : i32
      %add3A_163 = arith.addi %mul3A_161, %add3A_162 : i32
      %dma_wait3A_164 = arith.constant 1 : i32
      %dma_wait3A_165 = arith.constant 0 : i32
      %dma_wait3A_166 = arith.constant 0 : i32
      %dma_wait3A_167 = tpu.memref_slice %arg2[%dma_wait3A_165, %dma_wait3A_166] : memref<20000x128xf32, #tpu.memory_space<hbm>> -> memref<128x128xf32, #tpu.memory_space<hbm>>
      %dma_wait3A_168 = tpu.memref_slice %arg12[%dma_wait3A_164] : memref<2x!tpu.dma_semaphore, #tpu.memory_space<semaphore_mem>> -> memref<1x!tpu.dma_semaphore, #tpu.memory_space<semaphore_mem>>
      %dma_wait3A_169 = tpu.memref_squeeze %dma_wait3A_168 : memref<1x!tpu.dma_semaphore, #tpu.memory_space<semaphore_mem>> -> memref<!tpu.dma_semaphore, #tpu.memory_space<semaphore_mem>>
      %dma_wait3A_170 = arith.constant 0 : i32
      %dma_wait3A_171 = arith.constant 0 : i32
      %dma_wait3A_172 = tpu.memref_slice %arg2[%dma_wait3A_170, %dma_wait3A_171] : memref<20000x128xf32, #tpu.memory_space<hbm>> -> memref<128x128xf32, #tpu.memory_space<hbm>>
      tpu.wait_dma2 semaphore(%dma_wait3A_169 : memref<!tpu.dma_semaphore, #tpu.memory_space<semaphore_mem>>) src(%dma_wait3A_172 : memref<128x128xf32, #tpu.memory_space<hbm>>) dst(%arg10 : memref<128x128xf32, #tpu.memory_space<vmem>>)
      %dma_start3A_173 = arith.constant 1 : i32
      %dma_start3A_174 = arith.constant 0 : i32
      %dma_start3A_175 = tpu.memref_slice %arg8[%add3A_163, %dma_start3A_174] : memref<40x128xi32, #tpu.memory_space<vmem>> -> memref<1x128xi32, #tpu.memory_space<vmem>>
      %dma_start3A_176 = tpu.memref_squeeze %dma_start3A_175 : memref<1x128xi32, #tpu.memory_space<vmem>> -> memref<128xi32, #tpu.memory_space<vmem>>
      %dma_start3A_177 = arith.constant 0 : i32
      %dma_start3A_178 = arith.constant 0 : i32
      %dma_start3A_179 = tpu.memref_slice %arg11[%dma_start3A_177, %dma_start3A_178] : memref<10240x128xf32, #tpu.memory_space<vmem_shared>> -> memref<10240x128xf32, #tpu.memory_space<vmem_shared>>
      %dma_start3A_180 = tpu.memref_slice %arg13[%dma_start3A_173] : memref<2x!tpu.dma_semaphore, #tpu.memory_space<semaphore_mem>> -> memref<1x!tpu.dma_semaphore, #tpu.memory_space<semaphore_mem>>
      %dma_start3A_181 = tpu.memref_squeeze %dma_start3A_180 : memref<1x!tpu.dma_semaphore, #tpu.memory_space<semaphore_mem>> -> memref<!tpu.dma_semaphore, #tpu.memory_space<semaphore_mem>>
      tpu.enqueue_indirect_dma source(%arg10 : memref<128x128xf32, #tpu.memory_space<vmem>>) target(%dma_start3A_179 : memref<10240x128xf32, #tpu.memory_space<vmem_shared>>) offsets(%dma_start3A_176 : memref<128xi32, #tpu.memory_space<vmem>>) semaphore(%dma_start3A_181 : memref<!tpu.dma_semaphore, #tpu.memory_space<semaphore_mem>>) {add = true}
      %ge3A_182 = arith.constant 1 : i32
      %ge3A_183 = arith.cmpi sge, %add3A_163, %ge3A_182 : i32
      %convert_element_type3A_184 = arith.extui %ge3A_183 : i1 to i32
      %cond3A_185 = arith.constant 0 : i32
      %cond3A_186 = arith.cmpi ne, %convert_element_type3A_184, %cond3A_185 : i32
      scf.if %cond3A_186 {
        %dma_wait3A_194 = arith.constant 0 : i32
        %dma_wait3A_195 = arith.constant 0 : i32
        %dma_wait3A_196 = arith.constant 0 : i32
        %dma_wait3A_197 = tpu.memref_slice %arg2[%dma_wait3A_195, %dma_wait3A_196] : memref<20000x128xf32, #tpu.memory_space<hbm>> -> memref<128x128xf32, #tpu.memory_space<hbm>>
        %dma_wait3A_198 = tpu.memref_slice %arg13[%dma_wait3A_194] : memref<2x!tpu.dma_semaphore, #tpu.memory_space<semaphore_mem>> -> memref<1x!tpu.dma_semaphore, #tpu.memory_space<semaphore_mem>>
        %dma_wait3A_199 = tpu.memref_squeeze %dma_wait3A_198 : memref<1x!tpu.dma_semaphore, #tpu.memory_space<semaphore_mem>> -> memref<!tpu.dma_semaphore, #tpu.memory_space<semaphore_mem>>
        %dma_wait3A_200 = arith.constant 0 : i32
        %dma_wait3A_201 = arith.constant 0 : i32
        %dma_wait3A_202 = tpu.memref_slice %arg2[%dma_wait3A_200, %dma_wait3A_201] : memref<20000x128xf32, #tpu.memory_space<hbm>> -> memref<128x128xf32, #tpu.memory_space<hbm>>
        tpu.wait_dma2 semaphore(%dma_wait3A_199 : memref<!tpu.dma_semaphore, #tpu.memory_space<semaphore_mem>>) src(%dma_wait3A_202 : memref<128x128xf32, #tpu.memory_space<hbm>>) dst(%arg9 : memref<128x128xf32, #tpu.memory_space<vmem>>)
      } else {
      }
      %add3A_187 = arith.constant 1 : i32
      %add3A_188 = arith.addi %add3A_163, %add3A_187 : i32
      %lt3A_189 = arith.constant 40 : i32
      %lt3A_190 = arith.cmpi slt, %add3A_188, %lt3A_189 : i32
      %convert_element_type3A_191 = arith.extui %lt3A_190 : i1 to i32
      %cond3A_192 = arith.constant 0 : i32
      %cond3A_193 = arith.cmpi ne, %convert_element_type3A_191, %cond3A_192 : i32
      scf.if %cond3A_193 {
        %add3A_194 = arith.constant 1 : i32
        %add3A_195 = arith.addi %add3A_163, %add3A_194 : i32
        %dma_start3A_196 = arith.constant 0 : i32
        %dma_start3A_197 = arith.constant 0 : i32
        %dma_start3A_198 = tpu.memref_slice %arg7[%add3A_195, %dma_start3A_197] : memref<40x128xi32, #tpu.memory_space<vmem>> -> memref<1x128xi32, #tpu.memory_space<vmem>>
        %dma_start3A_199 = tpu.memref_squeeze %dma_start3A_198 : memref<1x128xi32, #tpu.memory_space<vmem>> -> memref<128xi32, #tpu.memory_space<vmem>>
        %dma_start3A_200 = arith.constant 0 : i32
        %dma_start3A_201 = arith.constant 0 : i32
        %dma_start3A_202 = tpu.memref_slice %arg2[%dma_start3A_200, %dma_start3A_201] : memref<20000x128xf32, #tpu.memory_space<hbm>> -> memref<20000x128xf32, #tpu.memory_space<hbm>>
        %dma_start3A_203 = tpu.memref_slice %arg12[%dma_start3A_196] : memref<2x!tpu.dma_semaphore, #tpu.memory_space<semaphore_mem>> -> memref<1x!tpu.dma_semaphore, #tpu.memory_space<semaphore_mem>>
        %dma_start3A_204 = tpu.memref_squeeze %dma_start3A_203 : memref<1x!tpu.dma_semaphore, #tpu.memory_space<semaphore_mem>> -> memref<!tpu.dma_semaphore, #tpu.memory_space<semaphore_mem>>
        tpu.enqueue_indirect_dma source(%dma_start3A_202 : memref<20000x128xf32, #tpu.memory_space<hbm>>) target(%arg9 : memref<128x128xf32, #tpu.memory_space<vmem>>) offsets(%dma_start3A_199 : memref<128xi32, #tpu.memory_space<vmem>>) semaphore(%dma_start3A_204 : memref<!tpu.dma_semaphore, #tpu.memory_space<semaphore_mem>>)
      } else {
      }
    }
    %scan3A_35 = arith.constant 20 : i32
    %dma_wait3A = arith.constant 1 : i32
    %dma_wait3A_36 = arith.constant 0 : i32
    %dma_wait3A_37 = arith.constant 0 : i32
    %dma_wait3A_38 = tpu.memref_slice %arg2[%dma_wait3A_36, %dma_wait3A_37] : memref<20000x128xf32, #tpu.memory_space<hbm>> -> memref<128x128xf32, #tpu.memory_space<hbm>>
    %dma_wait3A_39 = tpu.memref_slice %arg13[%dma_wait3A] : memref<2x!tpu.dma_semaphore, #tpu.memory_space<semaphore_mem>> -> memref<1x!tpu.dma_semaphore, #tpu.memory_space<semaphore_mem>>
    %dma_wait3A_40 = tpu.memref_squeeze %dma_wait3A_39 : memref<1x!tpu.dma_semaphore, #tpu.memory_space<semaphore_mem>> -> memref<!tpu.dma_semaphore, #tpu.memory_space<semaphore_mem>>
    %dma_wait3A_41 = arith.constant 0 : i32
    %dma_wait3A_42 = arith.constant 0 : i32
    %dma_wait3A_43 = tpu.memref_slice %arg2[%dma_wait3A_41, %dma_wait3A_42] : memref<20000x128xf32, #tpu.memory_space<hbm>> -> memref<128x128xf32, #tpu.memory_space<hbm>>
    tpu.wait_dma2 semaphore(%dma_wait3A_40 : memref<!tpu.dma_semaphore, #tpu.memory_space<semaphore_mem>>) src(%dma_wait3A_43 : memref<128x128xf32, #tpu.memory_space<hbm>>) dst(%arg10 : memref<128x128xf32, #tpu.memory_space<vmem>>)
    %mul3A_44 = arith.constant 80 : i32
    %mul3A_45 = arith.muli %arg1, %mul3A_44 : i32
    %add3A_46 = arith.constant 40 : i32
    %add3A_47 = arith.addi %mul3A_45, %add3A_46 : i32
    "tpu.region"() ({
      %run_scoped3A = tpu.sem_alloc : memref<!tpu.dma_semaphore, #tpu.memory_space<semaphore_mem>>
      %dma_start3A_129 = arith.constant 0 : i32
      %dma_start3A_130 = tpu.memref_slice %arg3[%arg0, %add3A_47, %dma_start3A_129] : memref<4x1280x128xi32, #tpu.memory_space<hbm>> -> memref<1x40x128xi32, #tpu.memory_space<hbm>>
      %dma_start3A_131 = tpu.memref_squeeze %dma_start3A_130 : memref<1x40x128xi32, #tpu.memory_space<hbm>> -> memref<40x128xi32, #tpu.memory_space<hbm>>
      %dma_start3A_132 = arith.constant 0 : i32
      %dma_start3A_133 = tpu.memref_slice %arg3[%arg0, %add3A_47, %dma_start3A_132] : memref<4x1280x128xi32, #tpu.memory_space<hbm>> -> memref<1x40x128xi32, #tpu.memory_space<hbm>>
      %dma_start3A_134 = tpu.memref_squeeze %dma_start3A_133 : memref<1x40x128xi32, #tpu.memory_space<hbm>> -> memref<40x128xi32, #tpu.memory_space<hbm>>
      tpu.enqueue_dma source(%dma_start3A_134 : memref<40x128xi32, #tpu.memory_space<hbm>>) target(%arg7 : memref<40x128xi32, #tpu.memory_space<vmem>>) target_semaphore(%run_scoped3A : memref<!tpu.dma_semaphore, #tpu.memory_space<semaphore_mem>>)
      %dma_wait3A_135 = arith.constant 0 : i32
      %dma_wait3A_136 = tpu.memref_slice %arg3[%arg0, %add3A_47, %dma_wait3A_135] : memref<4x1280x128xi32, #tpu.memory_space<hbm>> -> memref<1x40x128xi32, #tpu.memory_space<hbm>>
      %dma_wait3A_137 = tpu.memref_squeeze %dma_wait3A_136 : memref<1x40x128xi32, #tpu.memory_space<hbm>> -> memref<40x128xi32, #tpu.memory_space<hbm>>
      %dma_wait3A_138 = arith.constant 0 : i32
      %dma_wait3A_139 = tpu.memref_slice %arg3[%arg0, %add3A_47, %dma_wait3A_138] : memref<4x1280x128xi32, #tpu.memory_space<hbm>> -> memref<1x40x128xi32, #tpu.memory_space<hbm>>
      %dma_wait3A_140 = tpu.memref_squeeze %dma_wait3A_139 : memref<1x40x128xi32, #tpu.memory_space<hbm>> -> memref<40x128xi32, #tpu.memory_space<hbm>>
      tpu.wait_dma2 semaphore(%run_scoped3A : memref<!tpu.dma_semaphore, #tpu.memory_space<semaphore_mem>>) src(%dma_wait3A_140 : memref<40x128xi32, #tpu.memory_space<hbm>>) dst(%arg7 : memref<40x128xi32, #tpu.memory_space<vmem>>)
      tpu.yield
    }) : () -> ()
    "tpu.region"() ({
      %run_scoped3A = tpu.sem_alloc : memref<!tpu.dma_semaphore, #tpu.memory_space<semaphore_mem>>
      %dma_start3A_129 = arith.constant 0 : i32
      %dma_start3A_130 = tpu.memref_slice %arg4[%add3A_47, %dma_start3A_129] : memref<1280x128xi32, #tpu.memory_space<hbm>> -> memref<40x128xi32, #tpu.memory_space<hbm>>
      %dma_start3A_131 = arith.constant 0 : i32
      %dma_start3A_132 = tpu.memref_slice %arg4[%add3A_47, %dma_start3A_131] : memref<1280x128xi32, #tpu.memory_space<hbm>> -> memref<40x128xi32, #tpu.memory_space<hbm>>
      tpu.enqueue_dma source(%dma_start3A_132 : memref<40x128xi32, #tpu.memory_space<hbm>>) target(%arg8 : memref<40x128xi32, #tpu.memory_space<vmem>>) target_semaphore(%run_scoped3A : memref<!tpu.dma_semaphore, #tpu.memory_space<semaphore_mem>>)
      %dma_wait3A_133 = arith.constant 0 : i32
      %dma_wait3A_134 = tpu.memref_slice %arg4[%add3A_47, %dma_wait3A_133] : memref<1280x128xi32, #tpu.memory_space<hbm>> -> memref<40x128xi32, #tpu.memory_space<hbm>>
      %dma_wait3A_135 = arith.constant 0 : i32
      %dma_wait3A_136 = tpu.memref_slice %arg4[%add3A_47, %dma_wait3A_135] : memref<1280x128xi32, #tpu.memory_space<hbm>> -> memref<40x128xi32, #tpu.memory_space<hbm>>
      tpu.wait_dma2 semaphore(%run_scoped3A : memref<!tpu.dma_semaphore, #tpu.memory_space<semaphore_mem>>) src(%dma_wait3A_136 : memref<40x128xi32, #tpu.memory_space<hbm>>) dst(%arg8 : memref<40x128xi32, #tpu.memory_space<vmem>>)
      tpu.yield
    }) : () -> ()
    %dma_start3A_48 = arith.constant 0 : i32
    %dma_start3A_49 = arith.constant 0 : i32
    %dma_start3A_50 = arith.constant 0 : i32
    %dma_start3A_51 = tpu.memref_slice %arg7[%dma_start3A_48, %dma_start3A_50] : memref<40x128xi32, #tpu.memory_space<vmem>> -> memref<1x128xi32, #tpu.memory_space<vmem>>
    %dma_start3A_52 = tpu.memref_squeeze %dma_start3A_51 : memref<1x128xi32, #tpu.memory_space<vmem>> -> memref<128xi32, #tpu.memory_space<vmem>>
    %dma_start3A_53 = arith.constant 0 : i32
    %dma_start3A_54 = arith.constant 0 : i32
    %dma_start3A_55 = tpu.memref_slice %arg2[%dma_start3A_53, %dma_start3A_54] : memref<20000x128xf32, #tpu.memory_space<hbm>> -> memref<20000x128xf32, #tpu.memory_space<hbm>>
    %dma_start3A_56 = tpu.memref_slice %arg12[%dma_start3A_49] : memref<2x!tpu.dma_semaphore, #tpu.memory_space<semaphore_mem>> -> memref<1x!tpu.dma_semaphore, #tpu.memory_space<semaphore_mem>>
    %dma_start3A_57 = tpu.memref_squeeze %dma_start3A_56 : memref<1x!tpu.dma_semaphore, #tpu.memory_space<semaphore_mem>> -> memref<!tpu.dma_semaphore, #tpu.memory_space<semaphore_mem>>
    tpu.enqueue_indirect_dma source(%dma_start3A_55 : memref<20000x128xf32, #tpu.memory_space<hbm>>) target(%arg9 : memref<128x128xf32, #tpu.memory_space<vmem>>) offsets(%dma_start3A_52 : memref<128xi32, #tpu.memory_space<vmem>>) semaphore(%dma_start3A_57 : memref<!tpu.dma_semaphore, #tpu.memory_space<semaphore_mem>>)
    %scan3A_58 = arith.constant 0 : i32
    %scan3A_59 = arith.constant 0 : i32
    %scan3A_60 = arith.constant 20 : i32
    %scan3A_61 = arith.addi %scan3A_59, %scan3A_60 : i32
    %scan3A_62 = arith.constant 1 : i32
    scf.for %scan3A_129 = %scan3A_59 to %scan3A_61 step %scan3A_62  : i32 {
      %mul3A_130 = arith.constant 2 : i32
      %mul3A_131 = arith.muli %scan3A_129, %mul3A_130 : i32
      %add3A_132 = arith.constant 0 : i32
      %add3A_133 = arith.addi %mul3A_131, %add3A_132 : i32
      %dma_wait3A_134 = arith.constant 0 : i32
      %dma_wait3A_135 = arith.constant 0 : i32
      %dma_wait3A_136 = arith.constant 0 : i32
      %dma_wait3A_137 = tpu.memref_slice %arg2[%dma_wait3A_135, %dma_wait3A_136] : memref<20000x128xf32, #tpu.memory_space<hbm>> -> memref<128x128xf32, #tpu.memory_space<hbm>>
      %dma_wait3A_138 = tpu.memref_slice %arg12[%dma_wait3A_134] : memref<2x!tpu.dma_semaphore, #tpu.memory_space<semaphore_mem>> -> memref<1x!tpu.dma_semaphore, #tpu.memory_space<semaphore_mem>>
      %dma_wait3A_139 = tpu.memref_squeeze %dma_wait3A_138 : memref<1x!tpu.dma_semaphore, #tpu.memory_space<semaphore_mem>> -> memref<!tpu.dma_semaphore, #tpu.memory_space<semaphore_mem>>
      %dma_wait3A_140 = arith.constant 0 : i32
      %dma_wait3A_141 = arith.constant 0 : i32
      %dma_wait3A_142 = tpu.memref_slice %arg2[%dma_wait3A_140, %dma_wait3A_141] : memref<20000x128xf32, #tpu.memory_space<hbm>> -> memref<128x128xf32, #tpu.memory_space<hbm>>
      tpu.wait_dma2 semaphore(%dma_wait3A_139 : memref<!tpu.dma_semaphore, #tpu.memory_space<semaphore_mem>>) src(%dma_wait3A_142 : memref<128x128xf32, #tpu.memory_space<hbm>>) dst(%arg9 : memref<128x128xf32, #tpu.memory_space<vmem>>)
      %dma_start3A_143 = arith.constant 0 : i32
      %dma_start3A_144 = arith.constant 0 : i32
      %dma_start3A_145 = tpu.memref_slice %arg8[%add3A_133, %dma_start3A_144] : memref<40x128xi32, #tpu.memory_space<vmem>> -> memref<1x128xi32, #tpu.memory_space<vmem>>
      %dma_start3A_146 = tpu.memref_squeeze %dma_start3A_145 : memref<1x128xi32, #tpu.memory_space<vmem>> -> memref<128xi32, #tpu.memory_space<vmem>>
      %dma_start3A_147 = arith.constant 0 : i32
      %dma_start3A_148 = arith.constant 0 : i32
      %dma_start3A_149 = tpu.memref_slice %arg11[%dma_start3A_147, %dma_start3A_148] : memref<10240x128xf32, #tpu.memory_space<vmem_shared>> -> memref<10240x128xf32, #tpu.memory_space<vmem_shared>>
      %dma_start3A_150 = tpu.memref_slice %arg13[%dma_start3A_143] : memref<2x!tpu.dma_semaphore, #tpu.memory_space<semaphore_mem>> -> memref<1x!tpu.dma_semaphore, #tpu.memory_space<semaphore_mem>>
      %dma_start3A_151 = tpu.memref_squeeze %dma_start3A_150 : memref<1x!tpu.dma_semaphore, #tpu.memory_space<semaphore_mem>> -> memref<!tpu.dma_semaphore, #tpu.memory_space<semaphore_mem>>
      tpu.enqueue_indirect_dma source(%arg9 : memref<128x128xf32, #tpu.memory_space<vmem>>) target(%dma_start3A_149 : memref<10240x128xf32, #tpu.memory_space<vmem_shared>>) offsets(%dma_start3A_146 : memref<128xi32, #tpu.memory_space<vmem>>) semaphore(%dma_start3A_151 : memref<!tpu.dma_semaphore, #tpu.memory_space<semaphore_mem>>) {add = true}
      %ge3A = arith.constant 1 : i32
      %ge3A_152 = arith.cmpi sge, %add3A_133, %ge3A : i32
      %convert_element_type3A = arith.extui %ge3A_152 : i1 to i32
      %cond3A = arith.constant 0 : i32
      %cond3A_153 = arith.cmpi ne, %convert_element_type3A, %cond3A : i32
      scf.if %cond3A_153 {
        %dma_wait3A_194 = arith.constant 1 : i32
        %dma_wait3A_195 = arith.constant 0 : i32
        %dma_wait3A_196 = arith.constant 0 : i32
        %dma_wait3A_197 = tpu.memref_slice %arg2[%dma_wait3A_195, %dma_wait3A_196] : memref<20000x128xf32, #tpu.memory_space<hbm>> -> memref<128x128xf32, #tpu.memory_space<hbm>>
        %dma_wait3A_198 = tpu.memref_slice %arg13[%dma_wait3A_194] : memref<2x!tpu.dma_semaphore, #tpu.memory_space<semaphore_mem>> -> memref<1x!tpu.dma_semaphore, #tpu.memory_space<semaphore_mem>>
        %dma_wait3A_199 = tpu.memref_squeeze %dma_wait3A_198 : memref<1x!tpu.dma_semaphore, #tpu.memory_space<semaphore_mem>> -> memref<!tpu.dma_semaphore, #tpu.memory_space<semaphore_mem>>
        %dma_wait3A_200 = arith.constant 0 : i32
        %dma_wait3A_201 = arith.constant 0 : i32
        %dma_wait3A_202 = tpu.memref_slice %arg2[%dma_wait3A_200, %dma_wait3A_201] : memref<20000x128xf32, #tpu.memory_space<hbm>> -> memref<128x128xf32, #tpu.memory_space<hbm>>
        tpu.wait_dma2 semaphore(%dma_wait3A_199 : memref<!tpu.dma_semaphore, #tpu.memory_space<semaphore_mem>>) src(%dma_wait3A_202 : memref<128x128xf32, #tpu.memory_space<hbm>>) dst(%arg10 : memref<128x128xf32, #tpu.memory_space<vmem>>)
      } else {
      }
      %add3A_154 = arith.constant 1 : i32
      %add3A_155 = arith.addi %add3A_133, %add3A_154 : i32
      %lt3A = arith.constant 40 : i32
      %lt3A_156 = arith.cmpi slt, %add3A_155, %lt3A : i32
      %convert_element_type3A_157 = arith.extui %lt3A_156 : i1 to i32
      %cond3A_158 = arith.constant 0 : i32
      %cond3A_159 = arith.cmpi ne, %convert_element_type3A_157, %cond3A_158 : i32
      scf.if %cond3A_159 {
        %add3A_194 = arith.constant 1 : i32
        %add3A_195 = arith.addi %add3A_133, %add3A_194 : i32
        %dma_start3A_196 = arith.constant 1 : i32
        %dma_start3A_197 = arith.constant 0 : i32
        %dma_start3A_198 = tpu.memref_slice %arg7[%add3A_195, %dma_start3A_197] : memref<40x128xi32, #tpu.memory_space<vmem>> -> memref<1x128xi32, #tpu.memory_space<vmem>>
        %dma_start3A_199 = tpu.memref_squeeze %dma_start3A_198 : memref<1x128xi32, #tpu.memory_space<vmem>> -> memref<128xi32, #tpu.memory_space<vmem>>
        %dma_start3A_200 = arith.constant 0 : i32
        %dma_start3A_201 = arith.constant 0 : i32
        %dma_start3A_202 = tpu.memref_slice %arg2[%dma_start3A_200, %dma_start3A_201] : memref<20000x128xf32, #tpu.memory_space<hbm>> -> memref<20000x128xf32, #tpu.memory_space<hbm>>
        %dma_start3A_203 = tpu.memref_slice %arg12[%dma_start3A_196] : memref<2x!tpu.dma_semaphore, #tpu.memory_space<semaphore_mem>> -> memref<1x!tpu.dma_semaphore, #tpu.memory_space<semaphore_mem>>
        %dma_start3A_204 = tpu.memref_squeeze %dma_start3A_203 : memref<1x!tpu.dma_semaphore, #tpu.memory_space<semaphore_mem>> -> memref<!tpu.dma_semaphore, #tpu.memory_space<semaphore_mem>>
        tpu.enqueue_indirect_dma source(%dma_start3A_202 : memref<20000x128xf32, #tpu.memory_space<hbm>>) target(%arg10 : memref<128x128xf32, #tpu.memory_space<vmem>>) offsets(%dma_start3A_199 : memref<128xi32, #tpu.memory_space<vmem>>) semaphore(%dma_start3A_204 : memref<!tpu.dma_semaphore, #tpu.memory_space<semaphore_mem>>)
      } else {
      }
      %mul3A_160 = arith.constant 2 : i32
      %mul3A_161 = arith.muli %scan3A_129, %mul3A_160 : i32
      %add3A_162 = arith.constant 1 : i32
      %add3A_163 = arith.addi %mul3A_161, %add3A_162 : i32
      %dma_wait3A_164 = arith.constant 1 : i32
      %dma_wait3A_165 = arith.constant 0 : i32
      %dma_wait3A_166 = arith.constant 0 : i32
      %dma_wait3A_167 = tpu.memref_slice %arg2[%dma_wait3A_165, %dma_wait3A_166] : memref<20000x128xf32, #tpu.memory_space<hbm>> -> memref<128x128xf32, #tpu.memory_space<hbm>>
      %dma_wait3A_168 = tpu.memref_slice %arg12[%dma_wait3A_164] : memref<2x!tpu.dma_semaphore, #tpu.memory_space<semaphore_mem>> -> memref<1x!tpu.dma_semaphore, #tpu.memory_space<semaphore_mem>>
      %dma_wait3A_169 = tpu.memref_squeeze %dma_wait3A_168 : memref<1x!tpu.dma_semaphore, #tpu.memory_space<semaphore_mem>> -> memref<!tpu.dma_semaphore, #tpu.memory_space<semaphore_mem>>
      %dma_wait3A_170 = arith.constant 0 : i32
      %dma_wait3A_171 = arith.constant 0 : i32
      %dma_wait3A_172 = tpu.memref_slice %arg2[%dma_wait3A_170, %dma_wait3A_171] : memref<20000x128xf32, #tpu.memory_space<hbm>> -> memref<128x128xf32, #tpu.memory_space<hbm>>
      tpu.wait_dma2 semaphore(%dma_wait3A_169 : memref<!tpu.dma_semaphore, #tpu.memory_space<semaphore_mem>>) src(%dma_wait3A_172 : memref<128x128xf32, #tpu.memory_space<hbm>>) dst(%arg10 : memref<128x128xf32, #tpu.memory_space<vmem>>)
      %dma_start3A_173 = arith.constant 1 : i32
      %dma_start3A_174 = arith.constant 0 : i32
      %dma_start3A_175 = tpu.memref_slice %arg8[%add3A_163, %dma_start3A_174] : memref<40x128xi32, #tpu.memory_space<vmem>> -> memref<1x128xi32, #tpu.memory_space<vmem>>
      %dma_start3A_176 = tpu.memref_squeeze %dma_start3A_175 : memref<1x128xi32, #tpu.memory_space<vmem>> -> memref<128xi32, #tpu.memory_space<vmem>>
      %dma_start3A_177 = arith.constant 0 : i32
      %dma_start3A_178 = arith.constant 0 : i32
      %dma_start3A_179 = tpu.memref_slice %arg11[%dma_start3A_177, %dma_start3A_178] : memref<10240x128xf32, #tpu.memory_space<vmem_shared>> -> memref<10240x128xf32, #tpu.memory_space<vmem_shared>>
      %dma_start3A_180 = tpu.memref_slice %arg13[%dma_start3A_173] : memref<2x!tpu.dma_semaphore, #tpu.memory_space<semaphore_mem>> -> memref<1x!tpu.dma_semaphore, #tpu.memory_space<semaphore_mem>>
      %dma_start3A_181 = tpu.memref_squeeze %dma_start3A_180 : memref<1x!tpu.dma_semaphore, #tpu.memory_space<semaphore_mem>> -> memref<!tpu.dma_semaphore, #tpu.memory_space<semaphore_mem>>
      tpu.enqueue_indirect_dma source(%arg10 : memref<128x128xf32, #tpu.memory_space<vmem>>) target(%dma_start3A_179 : memref<10240x128xf32, #tpu.memory_space<vmem_shared>>) offsets(%dma_start3A_176 : memref<128xi32, #tpu.memory_space<vmem>>) semaphore(%dma_start3A_181 : memref<!tpu.dma_semaphore, #tpu.memory_space<semaphore_mem>>) {add = true}
      %ge3A_182 = arith.constant 1 : i32
      %ge3A_183 = arith.cmpi sge, %add3A_163, %ge3A_182 : i32
      %convert_element_type3A_184 = arith.extui %ge3A_183 : i1 to i32
      %cond3A_185 = arith.constant 0 : i32
      %cond3A_186 = arith.cmpi ne, %convert_element_type3A_184, %cond3A_185 : i32
      scf.if %cond3A_186 {
        %dma_wait3A_194 = arith.constant 0 : i32
        %dma_wait3A_195 = arith.constant 0 : i32
        %dma_wait3A_196 = arith.constant 0 : i32
        %dma_wait3A_197 = tpu.memref_slice %arg2[%dma_wait3A_195, %dma_wait3A_196] : memref<20000x128xf32, #tpu.memory_space<hbm>> -> memref<128x128xf32, #tpu.memory_space<hbm>>
        %dma_wait3A_198 = tpu.memref_slice %arg13[%dma_wait3A_194] : memref<2x!tpu.dma_semaphore, #tpu.memory_space<semaphore_mem>> -> memref<1x!tpu.dma_semaphore, #tpu.memory_space<semaphore_mem>>
        %dma_wait3A_199 = tpu.memref_squeeze %dma_wait3A_198 : memref<1x!tpu.dma_semaphore, #tpu.memory_space<semaphore_mem>> -> memref<!tpu.dma_semaphore, #tpu.memory_space<semaphore_mem>>
        %dma_wait3A_200 = arith.constant 0 : i32
        %dma_wait3A_201 = arith.constant 0 : i32
        %dma_wait3A_202 = tpu.memref_slice %arg2[%dma_wait3A_200, %dma_wait3A_201] : memref<20000x128xf32, #tpu.memory_space<hbm>> -> memref<128x128xf32, #tpu.memory_space<hbm>>
        tpu.wait_dma2 semaphore(%dma_wait3A_199 : memref<!tpu.dma_semaphore, #tpu.memory_space<semaphore_mem>>) src(%dma_wait3A_202 : memref<128x128xf32, #tpu.memory_space<hbm>>) dst(%arg9 : memref<128x128xf32, #tpu.memory_space<vmem>>)
      } else {
      }
      %add3A_187 = arith.constant 1 : i32
      %add3A_188 = arith.addi %add3A_163, %add3A_187 : i32
      %lt3A_189 = arith.constant 40 : i32
      %lt3A_190 = arith.cmpi slt, %add3A_188, %lt3A_189 : i32
      %convert_element_type3A_191 = arith.extui %lt3A_190 : i1 to i32
      %cond3A_192 = arith.constant 0 : i32
      %cond3A_193 = arith.cmpi ne, %convert_element_type3A_191, %cond3A_192 : i32
      scf.if %cond3A_193 {
        %add3A_194 = arith.constant 1 : i32
        %add3A_195 = arith.addi %add3A_163, %add3A_194 : i32
        %dma_start3A_196 = arith.constant 0 : i32
        %dma_start3A_197 = arith.constant 0 : i32
        %dma_start3A_198 = tpu.memref_slice %arg7[%add3A_195, %dma_start3A_197] : memref<40x128xi32, #tpu.memory_space<vmem>> -> memref<1x128xi32, #tpu.memory_space<vmem>>
        %dma_start3A_199 = tpu.memref_squeeze %dma_start3A_198 : memref<1x128xi32, #tpu.memory_space<vmem>> -> memref<128xi32, #tpu.memory_space<vmem>>
        %dma_start3A_200 = arith.constant 0 : i32
        %dma_start3A_201 = arith.constant 0 : i32
        %dma_start3A_202 = tpu.memref_slice %arg2[%dma_start3A_200, %dma_start3A_201] : memref<20000x128xf32, #tpu.memory_space<hbm>> -> memref<20000x128xf32, #tpu.memory_space<hbm>>
        %dma_start3A_203 = tpu.memref_slice %arg12[%dma_start3A_196] : memref<2x!tpu.dma_semaphore, #tpu.memory_space<semaphore_mem>> -> memref<1x!tpu.dma_semaphore, #tpu.memory_space<semaphore_mem>>
        %dma_start3A_204 = tpu.memref_squeeze %dma_start3A_203 : memref<1x!tpu.dma_semaphore, #tpu.memory_space<semaphore_mem>> -> memref<!tpu.dma_semaphore, #tpu.memory_space<semaphore_mem>>
        tpu.enqueue_indirect_dma source(%dma_start3A_202 : memref<20000x128xf32, #tpu.memory_space<hbm>>) target(%arg9 : memref<128x128xf32, #tpu.memory_space<vmem>>) offsets(%dma_start3A_199 : memref<128xi32, #tpu.memory_space<vmem>>) semaphore(%dma_start3A_204 : memref<!tpu.dma_semaphore, #tpu.memory_space<semaphore_mem>>)
      } else {
      }
    }
    %scan3A_63 = arith.constant 20 : i32
    %dma_wait3A_64 = arith.constant 1 : i32
    %dma_wait3A_65 = arith.constant 0 : i32
    %dma_wait3A_66 = arith.constant 0 : i32
    %dma_wait3A_67 = tpu.memref_slice %arg2[%dma_wait3A_65, %dma_wait3A_66] : memref<20000x128xf32, #tpu.memory_space<hbm>> -> memref<128x128xf32, #tpu.memory_space<hbm>>
    %dma_wait3A_68 = tpu.memref_slice %arg13[%dma_wait3A_64] : memref<2x!tpu.dma_semaphore, #tpu.memory_space<semaphore_mem>> -> memref<1x!tpu.dma_semaphore, #tpu.memory_space<semaphore_mem>>
    %dma_wait3A_69 = tpu.memref_squeeze %dma_wait3A_68 : memref<1x!tpu.dma_semaphore, #tpu.memory_space<semaphore_mem>> -> memref<!tpu.dma_semaphore, #tpu.memory_space<semaphore_mem>>
    %dma_wait3A_70 = arith.constant 0 : i32
    %dma_wait3A_71 = arith.constant 0 : i32
    %dma_wait3A_72 = tpu.memref_slice %arg2[%dma_wait3A_70, %dma_wait3A_71] : memref<20000x128xf32, #tpu.memory_space<hbm>> -> memref<128x128xf32, #tpu.memory_space<hbm>>
    tpu.wait_dma2 semaphore(%dma_wait3A_69 : memref<!tpu.dma_semaphore, #tpu.memory_space<semaphore_mem>>) src(%dma_wait3A_72 : memref<128x128xf32, #tpu.memory_space<hbm>>) dst(%arg10 : memref<128x128xf32, #tpu.memory_space<vmem>>)
    %barrier3A_73 = arith.constant 0 : index
    tpu.barrier barrier_id(%barrier3A_73)
    %mul3A_74 = arith.constant 640 : i32
    %mul3A_75 = arith.muli %arg1, %mul3A_74 : i32
    %add3A_76 = arith.constant 0 : i32
    %add3A_77 = arith.addi %mul3A_75, %add3A_76 : i32
    "tpu.region"() ({
      %run_scoped3A = tpu.sem_alloc : memref<!tpu.dma_semaphore, #tpu.memory_space<semaphore_mem>>
      %dma_start3A_129 = arith.constant 0 : i32
      %dma_start3A_130 = tpu.memref_slice %arg11[%add3A_77, %dma_start3A_129] : memref<10240x128xf32, #tpu.memory_space<vmem_shared>> -> memref<128x128xf32, #tpu.memory_space<vmem_shared>>
      %dma_start3A_131 = arith.constant 0 : i32
      %dma_start3A_132 = tpu.memref_slice %arg11[%add3A_77, %dma_start3A_131] : memref<10240x128xf32, #tpu.memory_space<vmem_shared>> -> memref<128x128xf32, #tpu.memory_space<vmem_shared>>
      tpu.enqueue_dma source(%dma_start3A_132 : memref<128x128xf32, #tpu.memory_space<vmem_shared>>) target(%arg9 : memref<128x128xf32, #tpu.memory_space<vmem>>) target_semaphore(%run_scoped3A : memref<!tpu.dma_semaphore, #tpu.memory_space<semaphore_mem>>)
      %dma_wait3A_133 = arith.constant 0 : i32
      %dma_wait3A_134 = tpu.memref_slice %arg11[%add3A_77, %dma_wait3A_133] : memref<10240x128xf32, #tpu.memory_space<vmem_shared>> -> memref<128x128xf32, #tpu.memory_space<vmem_shared>>
      %dma_wait3A_135 = arith.constant 0 : i32
      %dma_wait3A_136 = tpu.memref_slice %arg11[%add3A_77, %dma_wait3A_135] : memref<10240x128xf32, #tpu.memory_space<vmem_shared>> -> memref<128x128xf32, #tpu.memory_space<vmem_shared>>
      tpu.wait_dma2 semaphore(%run_scoped3A : memref<!tpu.dma_semaphore, #tpu.memory_space<semaphore_mem>>) src(%dma_wait3A_136 : memref<128x128xf32, #tpu.memory_space<vmem_shared>>) dst(%arg9 : memref<128x128xf32, #tpu.memory_space<vmem>>)
      tpu.yield
    }) : () -> ()
    %mul3A_78 = arith.constant 10240 : i32
    %mul3A_79 = arith.muli %arg0, %mul3A_78 : i32
    %mul3A_80 = arith.constant 640 : i32
    %mul3A_81 = arith.muli %arg1, %mul3A_80 : i32
    %add3A_82 = arith.addi %mul3A_79, %mul3A_81 : i32
    %add3A_83 = arith.constant 0 : i32
    %add3A_84 = arith.addi %add3A_82, %add3A_83 : i32
    "tpu.region"() ({
      %run_scoped3A = tpu.sem_alloc : memref<!tpu.dma_semaphore, #tpu.memory_space<semaphore_mem>>
      %dma_start3A_129 = arith.constant 0 : i32
      %dma_start3A_130 = tpu.memref_slice %arg6[%add3A_84, %dma_start3A_129] : memref<20480x128xf32, #tpu.memory_space<hbm>> -> memref<128x128xf32, #tpu.memory_space<hbm>>
      %dma_start3A_131 = arith.constant 0 : i32
      %dma_start3A_132 = tpu.memref_slice %arg6[%add3A_84, %dma_start3A_131] : memref<20480x128xf32, #tpu.memory_space<hbm>> -> memref<128x128xf32, #tpu.memory_space<hbm>>
      tpu.enqueue_dma source(%arg9 : memref<128x128xf32, #tpu.memory_space<vmem>>) target(%dma_start3A_132 : memref<128x128xf32, #tpu.memory_space<hbm>>) target_semaphore(%run_scoped3A : memref<!tpu.dma_semaphore, #tpu.memory_space<semaphore_mem>>)
      %dma_wait3A_133 = arith.constant 0 : i32
      %dma_wait3A_134 = tpu.memref_slice %arg6[%add3A_84, %dma_wait3A_133] : memref<20480x128xf32, #tpu.memory_space<hbm>> -> memref<128x128xf32, #tpu.memory_space<hbm>>
      %dma_wait3A_135 = arith.constant 0 : i32
      %dma_wait3A_136 = tpu.memref_slice %arg6[%add3A_84, %dma_wait3A_135] : memref<20480x128xf32, #tpu.memory_space<hbm>> -> memref<128x128xf32, #tpu.memory_space<hbm>>
      tpu.wait_dma2 semaphore(%run_scoped3A : memref<!tpu.dma_semaphore, #tpu.memory_space<semaphore_mem>>) src(%arg9 : memref<128x128xf32, #tpu.memory_space<vmem>>) dst(%dma_wait3A_136 : memref<128x128xf32, #tpu.memory_space<hbm>>)
      tpu.yield
    }) : () -> ()
    %mul3A_85 = arith.constant 640 : i32
    %mul3A_86 = arith.muli %arg1, %mul3A_85 : i32
    %add3A_87 = arith.constant 128 : i32
    %add3A_88 = arith.addi %mul3A_86, %add3A_87 : i32
    "tpu.region"() ({
      %run_scoped3A = tpu.sem_alloc : memref<!tpu.dma_semaphore, #tpu.memory_space<semaphore_mem>>
      %dma_start3A_129 = arith.constant 0 : i32
      %dma_start3A_130 = tpu.memref_slice %arg11[%add3A_88, %dma_start3A_129] : memref<10240x128xf32, #tpu.memory_space<vmem_shared>> -> memref<128x128xf32, #tpu.memory_space<vmem_shared>>
      %dma_start3A_131 = arith.constant 0 : i32
      %dma_start3A_132 = tpu.memref_slice %arg11[%add3A_88, %dma_start3A_131] : memref<10240x128xf32, #tpu.memory_space<vmem_shared>> -> memref<128x128xf32, #tpu.memory_space<vmem_shared>>
      tpu.enqueue_dma source(%dma_start3A_132 : memref<128x128xf32, #tpu.memory_space<vmem_shared>>) target(%arg9 : memref<128x128xf32, #tpu.memory_space<vmem>>) target_semaphore(%run_scoped3A : memref<!tpu.dma_semaphore, #tpu.memory_space<semaphore_mem>>)
      %dma_wait3A_133 = arith.constant 0 : i32
      %dma_wait3A_134 = tpu.memref_slice %arg11[%add3A_88, %dma_wait3A_133] : memref<10240x128xf32, #tpu.memory_space<vmem_shared>> -> memref<128x128xf32, #tpu.memory_space<vmem_shared>>
      %dma_wait3A_135 = arith.constant 0 : i32
      %dma_wait3A_136 = tpu.memref_slice %arg11[%add3A_88, %dma_wait3A_135] : memref<10240x128xf32, #tpu.memory_space<vmem_shared>> -> memref<128x128xf32, #tpu.memory_space<vmem_shared>>
      tpu.wait_dma2 semaphore(%run_scoped3A : memref<!tpu.dma_semaphore, #tpu.memory_space<semaphore_mem>>) src(%dma_wait3A_136 : memref<128x128xf32, #tpu.memory_space<vmem_shared>>) dst(%arg9 : memref<128x128xf32, #tpu.memory_space<vmem>>)
      tpu.yield
    }) : () -> ()
    %mul3A_89 = arith.constant 10240 : i32
    %mul3A_90 = arith.muli %arg0, %mul3A_89 : i32
    %mul3A_91 = arith.constant 640 : i32
    %mul3A_92 = arith.muli %arg1, %mul3A_91 : i32
    %add3A_93 = arith.addi %mul3A_90, %mul3A_92 : i32
    %add3A_94 = arith.constant 128 : i32
    %add3A_95 = arith.addi %add3A_93, %add3A_94 : i32
    "tpu.region"() ({
      %run_scoped3A = tpu.sem_alloc : memref<!tpu.dma_semaphore, #tpu.memory_space<semaphore_mem>>
      %dma_start3A_129 = arith.constant 0 : i32
      %dma_start3A_130 = tpu.memref_slice %arg6[%add3A_95, %dma_start3A_129] : memref<20480x128xf32, #tpu.memory_space<hbm>> -> memref<128x128xf32, #tpu.memory_space<hbm>>
      %dma_start3A_131 = arith.constant 0 : i32
      %dma_start3A_132 = tpu.memref_slice %arg6[%add3A_95, %dma_start3A_131] : memref<20480x128xf32, #tpu.memory_space<hbm>> -> memref<128x128xf32, #tpu.memory_space<hbm>>
      tpu.enqueue_dma source(%arg9 : memref<128x128xf32, #tpu.memory_space<vmem>>) target(%dma_start3A_132 : memref<128x128xf32, #tpu.memory_space<hbm>>) target_semaphore(%run_scoped3A : memref<!tpu.dma_semaphore, #tpu.memory_space<semaphore_mem>>)
      %dma_wait3A_133 = arith.constant 0 : i32
      %dma_wait3A_134 = tpu.memref_slice %arg6[%add3A_95, %dma_wait3A_133] : memref<20480x128xf32, #tpu.memory_space<hbm>> -> memref<128x128xf32, #tpu.memory_space<hbm>>
      %dma_wait3A_135 = arith.constant 0 : i32
      %dma_wait3A_136 = tpu.memref_slice %arg6[%add3A_95, %dma_wait3A_135] : memref<20480x128xf32, #tpu.memory_space<hbm>> -> memref<128x128xf32, #tpu.memory_space<hbm>>
      tpu.wait_dma2 semaphore(%run_scoped3A : memref<!tpu.dma_semaphore, #tpu.memory_space<semaphore_mem>>) src(%arg9 : memref<128x128xf32, #tpu.memory_space<vmem>>) dst(%dma_wait3A_136 : memref<128x128xf32, #tpu.memory_space<hbm>>)
      tpu.yield
    }) : () -> ()
    %mul3A_96 = arith.constant 640 : i32
    %mul3A_97 = arith.muli %arg1, %mul3A_96 : i32
    %add3A_98 = arith.constant 256 : i32
    %add3A_99 = arith.addi %mul3A_97, %add3A_98 : i32
    "tpu.region"() ({
      %run_scoped3A = tpu.sem_alloc : memref<!tpu.dma_semaphore, #tpu.memory_space<semaphore_mem>>
      %dma_start3A_129 = arith.constant 0 : i32
      %dma_start3A_130 = tpu.memref_slice %arg11[%add3A_99, %dma_start3A_129] : memref<10240x128xf32, #tpu.memory_space<vmem_shared>> -> memref<128x128xf32, #tpu.memory_space<vmem_shared>>
      %dma_start3A_131 = arith.constant 0 : i32
      %dma_start3A_132 = tpu.memref_slice %arg11[%add3A_99, %dma_start3A_131] : memref<10240x128xf32, #tpu.memory_space<vmem_shared>> -> memref<128x128xf32, #tpu.memory_space<vmem_shared>>
      tpu.enqueue_dma source(%dma_start3A_132 : memref<128x128xf32, #tpu.memory_space<vmem_shared>>) target(%arg9 : memref<128x128xf32, #tpu.memory_space<vmem>>) target_semaphore(%run_scoped3A : memref<!tpu.dma_semaphore, #tpu.memory_space<semaphore_mem>>)
      %dma_wait3A_133 = arith.constant 0 : i32
      %dma_wait3A_134 = tpu.memref_slice %arg11[%add3A_99, %dma_wait3A_133] : memref<10240x128xf32, #tpu.memory_space<vmem_shared>> -> memref<128x128xf32, #tpu.memory_space<vmem_shared>>
      %dma_wait3A_135 = arith.constant 0 : i32
      %dma_wait3A_136 = tpu.memref_slice %arg11[%add3A_99, %dma_wait3A_135] : memref<10240x128xf32, #tpu.memory_space<vmem_shared>> -> memref<128x128xf32, #tpu.memory_space<vmem_shared>>
      tpu.wait_dma2 semaphore(%run_scoped3A : memref<!tpu.dma_semaphore, #tpu.memory_space<semaphore_mem>>) src(%dma_wait3A_136 : memref<128x128xf32, #tpu.memory_space<vmem_shared>>) dst(%arg9 : memref<128x128xf32, #tpu.memory_space<vmem>>)
      tpu.yield
    }) : () -> ()
    %mul3A_100 = arith.constant 10240 : i32
    %mul3A_101 = arith.muli %arg0, %mul3A_100 : i32
    %mul3A_102 = arith.constant 640 : i32
    %mul3A_103 = arith.muli %arg1, %mul3A_102 : i32
    %add3A_104 = arith.addi %mul3A_101, %mul3A_103 : i32
    %add3A_105 = arith.constant 256 : i32
    %add3A_106 = arith.addi %add3A_104, %add3A_105 : i32
    "tpu.region"() ({
      %run_scoped3A = tpu.sem_alloc : memref<!tpu.dma_semaphore, #tpu.memory_space<semaphore_mem>>
      %dma_start3A_129 = arith.constant 0 : i32
      %dma_start3A_130 = tpu.memref_slice %arg6[%add3A_106, %dma_start3A_129] : memref<20480x128xf32, #tpu.memory_space<hbm>> -> memref<128x128xf32, #tpu.memory_space<hbm>>
      %dma_start3A_131 = arith.constant 0 : i32
      %dma_start3A_132 = tpu.memref_slice %arg6[%add3A_106, %dma_start3A_131] : memref<20480x128xf32, #tpu.memory_space<hbm>> -> memref<128x128xf32, #tpu.memory_space<hbm>>
      tpu.enqueue_dma source(%arg9 : memref<128x128xf32, #tpu.memory_space<vmem>>) target(%dma_start3A_132 : memref<128x128xf32, #tpu.memory_space<hbm>>) target_semaphore(%run_scoped3A : memref<!tpu.dma_semaphore, #tpu.memory_space<semaphore_mem>>)
      %dma_wait3A_133 = arith.constant 0 : i32
      %dma_wait3A_134 = tpu.memref_slice %arg6[%add3A_106, %dma_wait3A_133] : memref<20480x128xf32, #tpu.memory_space<hbm>> -> memref<128x128xf32, #tpu.memory_space<hbm>>
      %dma_wait3A_135 = arith.constant 0 : i32
      %dma_wait3A_136 = tpu.memref_slice %arg6[%add3A_106, %dma_wait3A_135] : memref<20480x128xf32, #tpu.memory_space<hbm>> -> memref<128x128xf32, #tpu.memory_space<hbm>>
      tpu.wait_dma2 semaphore(%run_scoped3A : memref<!tpu.dma_semaphore, #tpu.memory_space<semaphore_mem>>) src(%arg9 : memref<128x128xf32, #tpu.memory_space<vmem>>) dst(%dma_wait3A_136 : memref<128x128xf32, #tpu.memory_space<hbm>>)
      tpu.yield
    }) : () -> ()
    %mul3A_107 = arith.constant 640 : i32
    %mul3A_108 = arith.muli %arg1, %mul3A_107 : i32
    %add3A_109 = arith.constant 384 : i32
    %add3A_110 = arith.addi %mul3A_108, %add3A_109 : i32
    "tpu.region"() ({
      %run_scoped3A = tpu.sem_alloc : memref<!tpu.dma_semaphore, #tpu.memory_space<semaphore_mem>>
      %dma_start3A_129 = arith.constant 0 : i32
      %dma_start3A_130 = tpu.memref_slice %arg11[%add3A_110, %dma_start3A_129] : memref<10240x128xf32, #tpu.memory_space<vmem_shared>> -> memref<128x128xf32, #tpu.memory_space<vmem_shared>>
      %dma_start3A_131 = arith.constant 0 : i32
      %dma_start3A_132 = tpu.memref_slice %arg11[%add3A_110, %dma_start3A_131] : memref<10240x128xf32, #tpu.memory_space<vmem_shared>> -> memref<128x128xf32, #tpu.memory_space<vmem_shared>>
      tpu.enqueue_dma source(%dma_start3A_132 : memref<128x128xf32, #tpu.memory_space<vmem_shared>>) target(%arg9 : memref<128x128xf32, #tpu.memory_space<vmem>>) target_semaphore(%run_scoped3A : memref<!tpu.dma_semaphore, #tpu.memory_space<semaphore_mem>>)
      %dma_wait3A_133 = arith.constant 0 : i32
      %dma_wait3A_134 = tpu.memref_slice %arg11[%add3A_110, %dma_wait3A_133] : memref<10240x128xf32, #tpu.memory_space<vmem_shared>> -> memref<128x128xf32, #tpu.memory_space<vmem_shared>>
      %dma_wait3A_135 = arith.constant 0 : i32
      %dma_wait3A_136 = tpu.memref_slice %arg11[%add3A_110, %dma_wait3A_135] : memref<10240x128xf32, #tpu.memory_space<vmem_shared>> -> memref<128x128xf32, #tpu.memory_space<vmem_shared>>
      tpu.wait_dma2 semaphore(%run_scoped3A : memref<!tpu.dma_semaphore, #tpu.memory_space<semaphore_mem>>) src(%dma_wait3A_136 : memref<128x128xf32, #tpu.memory_space<vmem_shared>>) dst(%arg9 : memref<128x128xf32, #tpu.memory_space<vmem>>)
      tpu.yield
    }) : () -> ()
    %mul3A_111 = arith.constant 10240 : i32
    %mul3A_112 = arith.muli %arg0, %mul3A_111 : i32
    %mul3A_113 = arith.constant 640 : i32
    %mul3A_114 = arith.muli %arg1, %mul3A_113 : i32
    %add3A_115 = arith.addi %mul3A_112, %mul3A_114 : i32
    %add3A_116 = arith.constant 384 : i32
    %add3A_117 = arith.addi %add3A_115, %add3A_116 : i32
    "tpu.region"() ({
      %run_scoped3A = tpu.sem_alloc : memref<!tpu.dma_semaphore, #tpu.memory_space<semaphore_mem>>
      %dma_start3A_129 = arith.constant 0 : i32
      %dma_start3A_130 = tpu.memref_slice %arg6[%add3A_117, %dma_start3A_129] : memref<20480x128xf32, #tpu.memory_space<hbm>> -> memref<128x128xf32, #tpu.memory_space<hbm>>
      %dma_start3A_131 = arith.constant 0 : i32
      %dma_start3A_132 = tpu.memref_slice %arg6[%add3A_117, %dma_start3A_131] : memref<20480x128xf32, #tpu.memory_space<hbm>> -> memref<128x128xf32, #tpu.memory_space<hbm>>
      tpu.enqueue_dma source(%arg9 : memref<128x128xf32, #tpu.memory_space<vmem>>) target(%dma_start3A_132 : memref<128x128xf32, #tpu.memory_space<hbm>>) target_semaphore(%run_scoped3A : memref<!tpu.dma_semaphore, #tpu.memory_space<semaphore_mem>>)
      %dma_wait3A_133 = arith.constant 0 : i32
      %dma_wait3A_134 = tpu.memref_slice %arg6[%add3A_117, %dma_wait3A_133] : memref<20480x128xf32, #tpu.memory_space<hbm>> -> memref<128x128xf32, #tpu.memory_space<hbm>>
      %dma_wait3A_135 = arith.constant 0 : i32
      %dma_wait3A_136 = tpu.memref_slice %arg6[%add3A_117, %dma_wait3A_135] : memref<20480x128xf32, #tpu.memory_space<hbm>> -> memref<128x128xf32, #tpu.memory_space<hbm>>
      tpu.wait_dma2 semaphore(%run_scoped3A : memref<!tpu.dma_semaphore, #tpu.memory_space<semaphore_mem>>) src(%arg9 : memref<128x128xf32, #tpu.memory_space<vmem>>) dst(%dma_wait3A_136 : memref<128x128xf32, #tpu.memory_space<hbm>>)
      tpu.yield
    }) : () -> ()
    %mul3A_118 = arith.constant 640 : i32
    %mul3A_119 = arith.muli %arg1, %mul3A_118 : i32
    %add3A_120 = arith.constant 512 : i32
    %add3A_121 = arith.addi %mul3A_119, %add3A_120 : i32
    "tpu.region"() ({
      %run_scoped3A = tpu.sem_alloc : memref<!tpu.dma_semaphore, #tpu.memory_space<semaphore_mem>>
      %dma_start3A_129 = arith.constant 0 : i32
      %dma_start3A_130 = tpu.memref_slice %arg11[%add3A_121, %dma_start3A_129] : memref<10240x128xf32, #tpu.memory_space<vmem_shared>> -> memref<128x128xf32, #tpu.memory_space<vmem_shared>>
      %dma_start3A_131 = arith.constant 0 : i32
      %dma_start3A_132 = tpu.memref_slice %arg11[%add3A_121, %dma_start3A_131] : memref<10240x128xf32, #tpu.memory_space<vmem_shared>> -> memref<128x128xf32, #tpu.memory_space<vmem_shared>>
      tpu.enqueue_dma source(%dma_start3A_132 : memref<128x128xf32, #tpu.memory_space<vmem_shared>>) target(%arg9 : memref<128x128xf32, #tpu.memory_space<vmem>>) target_semaphore(%run_scoped3A : memref<!tpu.dma_semaphore, #tpu.memory_space<semaphore_mem>>)
      %dma_wait3A_133 = arith.constant 0 : i32
      %dma_wait3A_134 = tpu.memref_slice %arg11[%add3A_121, %dma_wait3A_133] : memref<10240x128xf32, #tpu.memory_space<vmem_shared>> -> memref<128x128xf32, #tpu.memory_space<vmem_shared>>
      %dma_wait3A_135 = arith.constant 0 : i32
      %dma_wait3A_136 = tpu.memref_slice %arg11[%add3A_121, %dma_wait3A_135] : memref<10240x128xf32, #tpu.memory_space<vmem_shared>> -> memref<128x128xf32, #tpu.memory_space<vmem_shared>>
      tpu.wait_dma2 semaphore(%run_scoped3A : memref<!tpu.dma_semaphore, #tpu.memory_space<semaphore_mem>>) src(%dma_wait3A_136 : memref<128x128xf32, #tpu.memory_space<vmem_shared>>) dst(%arg9 : memref<128x128xf32, #tpu.memory_space<vmem>>)
      tpu.yield
    }) : () -> ()
    %mul3A_122 = arith.constant 10240 : i32
    %mul3A_123 = arith.muli %arg0, %mul3A_122 : i32
    %mul3A_124 = arith.constant 640 : i32
    %mul3A_125 = arith.muli %arg1, %mul3A_124 : i32
    %add3A_126 = arith.addi %mul3A_123, %mul3A_125 : i32
    %add3A_127 = arith.constant 512 : i32
    %add3A_128 = arith.addi %add3A_126, %add3A_127 : i32
    "tpu.region"() ({
      %run_scoped3A = tpu.sem_alloc : memref<!tpu.dma_semaphore, #tpu.memory_space<semaphore_mem>>
      %dma_start3A_129 = arith.constant 0 : i32
      %dma_start3A_130 = tpu.memref_slice %arg6[%add3A_128, %dma_start3A_129] : memref<20480x128xf32, #tpu.memory_space<hbm>> -> memref<128x128xf32, #tpu.memory_space<hbm>>
      %dma_start3A_131 = arith.constant 0 : i32
      %dma_start3A_132 = tpu.memref_slice %arg6[%add3A_128, %dma_start3A_131] : memref<20480x128xf32, #tpu.memory_space<hbm>> -> memref<128x128xf32, #tpu.memory_space<hbm>>
      tpu.enqueue_dma source(%arg9 : memref<128x128xf32, #tpu.memory_space<vmem>>) target(%dma_start3A_132 : memref<128x128xf32, #tpu.memory_space<hbm>>) target_semaphore(%run_scoped3A : memref<!tpu.dma_semaphore, #tpu.memory_space<semaphore_mem>>)
      %dma_wait3A_133 = arith.constant 0 : i32
      %dma_wait3A_134 = tpu.memref_slice %arg6[%add3A_128, %dma_wait3A_133] : memref<20480x128xf32, #tpu.memory_space<hbm>> -> memref<128x128xf32, #tpu.memory_space<hbm>>
      %dma_wait3A_135 = arith.constant 0 : i32
      %dma_wait3A_136 = tpu.memref_slice %arg6[%add3A_128, %dma_wait3A_135] : memref<20480x128xf32, #tpu.memory_space<hbm>> -> memref<128x128xf32, #tpu.memory_space<hbm>>
      tpu.wait_dma2 semaphore(%run_scoped3A : memref<!tpu.dma_semaphore, #tpu.memory_space<semaphore_mem>>) src(%arg9 : memref<128x128xf32, #tpu.memory_space<vmem>>) dst(%dma_wait3A_136 : memref<128x128xf32, #tpu.memory_space<hbm>>)
      tpu.yield
    }) : () -> ()
    return
  }
}

#map = affine_map<(d0, d1) -> (0, 0, 0)>
#map1 = affine_map<(d0, d1) -> (0)>
#map2 = affine_map<(d0, d1) -> (0, 0)>
module attributes {stable_mosaic.version = 14 : i64} {
  func.func @_deg_kernel(%arg0: i32, %arg1: i32, %arg2: memref<2x1280x128xi32, #tpu.memory_space<hbm>>, %arg3: memref<10240xf32, #tpu.memory_space<hbm>>, %arg4: memref<2x10240xf32, #tpu.memory_space<hbm>>, %arg5: memref<4x128xi32, #tpu.memory_space<vmem>>, %arg6: memref<128xf32, #tpu.memory_space<vmem>>, %arg7: memref<640xf32, #tpu.memory_space<vmem>>, %arg8: memref<10240xf32, #tpu.memory_space<vmem_shared>>) attributes {dimension_semantics = [#tpu.dimension_semantics<core_parallel>, #tpu.dimension_semantics<subcore_parallel>], iteration_bounds = array<i64: 2, 16>, scalar_prefetch = 0 : i64, scratch_operands = 4 : i64, tpu.core_type = #tpu.core_type<sc_vector_subcore>, window_params = [{transform_indices = #map}, {transform_indices = #map1}, {transform_indices = #map2}]} {
    "tpu.region"() ({
      %run_scoped3A = tpu.sem_alloc : memref<!tpu.dma_semaphore, #tpu.memory_space<semaphore_mem>>
      %dma_start3A = arith.constant 0 : i32
      %dma_start3A_57 = tpu.memref_slice %arg3[%dma_start3A] : memref<10240xf32, #tpu.memory_space<hbm>> -> memref<640xf32, #tpu.memory_space<hbm>>
      %dma_start3A_58 = arith.constant 0 : i32
      %dma_start3A_59 = tpu.memref_slice %arg3[%dma_start3A_58] : memref<10240xf32, #tpu.memory_space<hbm>> -> memref<640xf32, #tpu.memory_space<hbm>>
      tpu.enqueue_dma source(%dma_start3A_59 : memref<640xf32, #tpu.memory_space<hbm>>) target(%arg7 : memref<640xf32, #tpu.memory_space<vmem>>) target_semaphore(%run_scoped3A : memref<!tpu.dma_semaphore, #tpu.memory_space<semaphore_mem>>)
      %dma_wait3A = arith.constant 0 : i32
      %dma_wait3A_60 = tpu.memref_slice %arg3[%dma_wait3A] : memref<10240xf32, #tpu.memory_space<hbm>> -> memref<640xf32, #tpu.memory_space<hbm>>
      %dma_wait3A_61 = arith.constant 0 : i32
      %dma_wait3A_62 = tpu.memref_slice %arg3[%dma_wait3A_61] : memref<10240xf32, #tpu.memory_space<hbm>> -> memref<640xf32, #tpu.memory_space<hbm>>
      tpu.wait_dma2 semaphore(%run_scoped3A : memref<!tpu.dma_semaphore, #tpu.memory_space<semaphore_mem>>) src(%dma_wait3A_62 : memref<640xf32, #tpu.memory_space<hbm>>) dst(%arg7 : memref<640xf32, #tpu.memory_space<vmem>>)
      tpu.yield
    }) : () -> ()
    %mul3A = arith.constant 640 : i32
    %mul3A_0 = arith.muli %arg1, %mul3A : i32
    "tpu.region"() ({
      %run_scoped3A = tpu.sem_alloc : memref<!tpu.dma_semaphore, #tpu.memory_space<semaphore_mem>>
      %dma_start3A = tpu.memref_slice %arg8[%mul3A_0] : memref<10240xf32, #tpu.memory_space<vmem_shared>> -> memref<640xf32, #tpu.memory_space<vmem_shared>>
      %dma_start3A_57 = tpu.memref_slice %arg8[%mul3A_0] : memref<10240xf32, #tpu.memory_space<vmem_shared>> -> memref<640xf32, #tpu.memory_space<vmem_shared>>
      tpu.enqueue_dma source(%arg7 : memref<640xf32, #tpu.memory_space<vmem>>) target(%dma_start3A_57 : memref<640xf32, #tpu.memory_space<vmem_shared>>) target_semaphore(%run_scoped3A : memref<!tpu.dma_semaphore, #tpu.memory_space<semaphore_mem>>)
      %dma_wait3A = tpu.memref_slice %arg8[%mul3A_0] : memref<10240xf32, #tpu.memory_space<vmem_shared>> -> memref<640xf32, #tpu.memory_space<vmem_shared>>
      %dma_wait3A_58 = tpu.memref_slice %arg8[%mul3A_0] : memref<10240xf32, #tpu.memory_space<vmem_shared>> -> memref<640xf32, #tpu.memory_space<vmem_shared>>
      tpu.wait_dma2 semaphore(%run_scoped3A : memref<!tpu.dma_semaphore, #tpu.memory_space<semaphore_mem>>) src(%arg7 : memref<640xf32, #tpu.memory_space<vmem>>) dst(%dma_wait3A_58 : memref<640xf32, #tpu.memory_space<vmem_shared>>)
      tpu.yield
    }) : () -> ()
    %broadcast_in_dim3A = arith.constant 1.000000e+00 : f32
    %broadcast_in_dim3A_1 = vector.broadcast %broadcast_in_dim3A : f32 to vector<16xf32>
    %swap3A = arith.constant 0 : index
    %swap3A_2 = tpu.vector_load %arg6[%swap3A] {strides = array<i32>} : memref<128xf32, #tpu.memory_space<vmem>>, vector<16xf32>,
    %swap3A_3 = vector.shape_cast %swap3A_2 : vector<16xf32> to vector<16xf32>
    %swap3A_4 = vector.shape_cast %broadcast_in_dim3A_1 : vector<16xf32> to vector<16xf32>
    tpu.vector_store %arg6[%swap3A], %swap3A_4 {strides = array<i32>} : memref<128xf32, #tpu.memory_space<vmem>>, vector<16xf32>,
    %broadcast_in_dim3A_5 = arith.constant 1.000000e+00 : f32
    %broadcast_in_dim3A_6 = vector.broadcast %broadcast_in_dim3A_5 : f32 to vector<16xf32>
    %swap3A_7 = arith.constant 16 : index
    %swap3A_8 = tpu.vector_load %arg6[%swap3A_7] {strides = array<i32>} : memref<128xf32, #tpu.memory_space<vmem>>, vector<16xf32>,
    %swap3A_9 = vector.shape_cast %swap3A_8 : vector<16xf32> to vector<16xf32>
    %swap3A_10 = vector.shape_cast %broadcast_in_dim3A_6 : vector<16xf32> to vector<16xf32>
    tpu.vector_store %arg6[%swap3A_7], %swap3A_10 {strides = array<i32>} : memref<128xf32, #tpu.memory_space<vmem>>, vector<16xf32>,
    %broadcast_in_dim3A_11 = arith.constant 1.000000e+00 : f32
    %broadcast_in_dim3A_12 = vector.broadcast %broadcast_in_dim3A_11 : f32 to vector<16xf32>
    %swap3A_13 = arith.constant 32 : index
    %swap3A_14 = tpu.vector_load %arg6[%swap3A_13] {strides = array<i32>} : memref<128xf32, #tpu.memory_space<vmem>>, vector<16xf32>,
    %swap3A_15 = vector.shape_cast %swap3A_14 : vector<16xf32> to vector<16xf32>
    %swap3A_16 = vector.shape_cast %broadcast_in_dim3A_12 : vector<16xf32> to vector<16xf32>
    tpu.vector_store %arg6[%swap3A_13], %swap3A_16 {strides = array<i32>} : memref<128xf32, #tpu.memory_space<vmem>>, vector<16xf32>,
    %broadcast_in_dim3A_17 = arith.constant 1.000000e+00 : f32
    %broadcast_in_dim3A_18 = vector.broadcast %broadcast_in_dim3A_17 : f32 to vector<16xf32>
    %swap3A_19 = arith.constant 48 : index
    %swap3A_20 = tpu.vector_load %arg6[%swap3A_19] {strides = array<i32>} : memref<128xf32, #tpu.memory_space<vmem>>, vector<16xf32>,
    %swap3A_21 = vector.shape_cast %swap3A_20 : vector<16xf32> to vector<16xf32>
    %swap3A_22 = vector.shape_cast %broadcast_in_dim3A_18 : vector<16xf32> to vector<16xf32>
    tpu.vector_store %arg6[%swap3A_19], %swap3A_22 {strides = array<i32>} : memref<128xf32, #tpu.memory_space<vmem>>, vector<16xf32>,
    %broadcast_in_dim3A_23 = arith.constant 1.000000e+00 : f32
    %broadcast_in_dim3A_24 = vector.broadcast %broadcast_in_dim3A_23 : f32 to vector<16xf32>
    %swap3A_25 = arith.constant 64 : index
    %swap3A_26 = tpu.vector_load %arg6[%swap3A_25] {strides = array<i32>} : memref<128xf32, #tpu.memory_space<vmem>>, vector<16xf32>,
    %swap3A_27 = vector.shape_cast %swap3A_26 : vector<16xf32> to vector<16xf32>
    %swap3A_28 = vector.shape_cast %broadcast_in_dim3A_24 : vector<16xf32> to vector<16xf32>
    tpu.vector_store %arg6[%swap3A_25], %swap3A_28 {strides = array<i32>} : memref<128xf32, #tpu.memory_space<vmem>>, vector<16xf32>,
    %broadcast_in_dim3A_29 = arith.constant 1.000000e+00 : f32
    %broadcast_in_dim3A_30 = vector.broadcast %broadcast_in_dim3A_29 : f32 to vector<16xf32>
    %swap3A_31 = arith.constant 80 : index
    %swap3A_32 = tpu.vector_load %arg6[%swap3A_31] {strides = array<i32>} : memref<128xf32, #tpu.memory_space<vmem>>, vector<16xf32>,
    %swap3A_33 = vector.shape_cast %swap3A_32 : vector<16xf32> to vector<16xf32>
    %swap3A_34 = vector.shape_cast %broadcast_in_dim3A_30 : vector<16xf32> to vector<16xf32>
    tpu.vector_store %arg6[%swap3A_31], %swap3A_34 {strides = array<i32>} : memref<128xf32, #tpu.memory_space<vmem>>, vector<16xf32>,
    %broadcast_in_dim3A_35 = arith.constant 1.000000e+00 : f32
    %broadcast_in_dim3A_36 = vector.broadcast %broadcast_in_dim3A_35 : f32 to vector<16xf32>
    %swap3A_37 = arith.constant 96 : index
    %swap3A_38 = tpu.vector_load %arg6[%swap3A_37] {strides = array<i32>} : memref<128xf32, #tpu.memory_space<vmem>>, vector<16xf32>,
    %swap3A_39 = vector.shape_cast %swap3A_38 : vector<16xf32> to vector<16xf32>
    %swap3A_40 = vector.shape_cast %broadcast_in_dim3A_36 : vector<16xf32> to vector<16xf32>
    tpu.vector_store %arg6[%swap3A_37], %swap3A_40 {strides = array<i32>} : memref<128xf32, #tpu.memory_space<vmem>>, vector<16xf32>,
    %broadcast_in_dim3A_41 = arith.constant 1.000000e+00 : f32
    %broadcast_in_dim3A_42 = vector.broadcast %broadcast_in_dim3A_41 : f32 to vector<16xf32>
    %swap3A_43 = arith.constant 112 : index
    %swap3A_44 = tpu.vector_load %arg6[%swap3A_43] {strides = array<i32>} : memref<128xf32, #tpu.memory_space<vmem>>, vector<16xf32>,
    %swap3A_45 = vector.shape_cast %swap3A_44 : vector<16xf32> to vector<16xf32>
    %swap3A_46 = vector.shape_cast %broadcast_in_dim3A_42 : vector<16xf32> to vector<16xf32>
    tpu.vector_store %arg6[%swap3A_43], %swap3A_46 {strides = array<i32>} : memref<128xf32, #tpu.memory_space<vmem>>, vector<16xf32>,
    %barrier3A = arith.constant 0 : index
    tpu.barrier barrier_id(%barrier3A)
    %scan3A = arith.constant 0 : i32
    %scan3A_47 = arith.constant 0 : i32
    %scan3A_48 = arith.constant 20 : i32
    %scan3A_49 = arith.addi %scan3A_47, %scan3A_48 : i32
    %scan3A_50 = arith.constant 1 : i32
    scf.for %scan3A_57 = %scan3A_47 to %scan3A_49 step %scan3A_50  : i32 {
      %mul3A_58 = arith.constant 80 : i32
      %mul3A_59 = arith.muli %arg1, %mul3A_58 : i32
      %mul3A_60 = arith.constant 4 : i32
      %mul3A_61 = arith.muli %scan3A_57, %mul3A_60 : i32
      %add3A = arith.addi %mul3A_59, %mul3A_61 : i32
      "tpu.region"() ({
        %run_scoped3A_65 = tpu.sem_alloc : memref<!tpu.dma_semaphore, #tpu.memory_space<semaphore_mem>>
        %dma_start3A = arith.constant 0 : i32
        %dma_start3A_66 = tpu.memref_slice %arg2[%arg0, %add3A, %dma_start3A] : memref<2x1280x128xi32, #tpu.memory_space<hbm>> -> memref<1x4x128xi32, #tpu.memory_space<hbm>>
        %dma_start3A_67 = tpu.memref_squeeze %dma_start3A_66 : memref<1x4x128xi32, #tpu.memory_space<hbm>> -> memref<4x128xi32, #tpu.memory_space<hbm>>
        %dma_start3A_68 = arith.constant 0 : i32
        %dma_start3A_69 = tpu.memref_slice %arg2[%arg0, %add3A, %dma_start3A_68] : memref<2x1280x128xi32, #tpu.memory_space<hbm>> -> memref<1x4x128xi32, #tpu.memory_space<hbm>>
        %dma_start3A_70 = tpu.memref_squeeze %dma_start3A_69 : memref<1x4x128xi32, #tpu.memory_space<hbm>> -> memref<4x128xi32, #tpu.memory_space<hbm>>
        tpu.enqueue_dma source(%dma_start3A_70 : memref<4x128xi32, #tpu.memory_space<hbm>>) target(%arg5 : memref<4x128xi32, #tpu.memory_space<vmem>>) target_semaphore(%run_scoped3A_65 : memref<!tpu.dma_semaphore, #tpu.memory_space<semaphore_mem>>)
        %dma_wait3A = arith.constant 0 : i32
        %dma_wait3A_71 = tpu.memref_slice %arg2[%arg0, %add3A, %dma_wait3A] : memref<2x1280x128xi32, #tpu.memory_space<hbm>> -> memref<1x4x128xi32, #tpu.memory_space<hbm>>
        %dma_wait3A_72 = tpu.memref_squeeze %dma_wait3A_71 : memref<1x4x128xi32, #tpu.memory_space<hbm>> -> memref<4x128xi32, #tpu.memory_space<hbm>>
        %dma_wait3A_73 = arith.constant 0 : i32
        %dma_wait3A_74 = tpu.memref_slice %arg2[%arg0, %add3A, %dma_wait3A_73] : memref<2x1280x128xi32, #tpu.memory_space<hbm>> -> memref<1x4x128xi32, #tpu.memory_space<hbm>>
        %dma_wait3A_75 = tpu.memref_squeeze %dma_wait3A_74 : memref<1x4x128xi32, #tpu.memory_space<hbm>> -> memref<4x128xi32, #tpu.memory_space<hbm>>
        tpu.wait_dma2 semaphore(%run_scoped3A_65 : memref<!tpu.dma_semaphore, #tpu.memory_space<semaphore_mem>>) src(%dma_wait3A_75 : memref<4x128xi32, #tpu.memory_space<hbm>>) dst(%arg5 : memref<4x128xi32, #tpu.memory_space<vmem>>)
        tpu.yield
      }) : () -> ()
      %run_scoped3A = arith.constant 0 : i32
      "tpu.region"() ({
        %run_scoped3A_65 = tpu.sem_alloc : memref<!tpu.dma_semaphore, #tpu.memory_space<semaphore_mem>>
        %dma_start3A = arith.constant 0 : i32
        %dma_start3A_66 = tpu.memref_slice %arg5[%run_scoped3A, %dma_start3A] : memref<4x128xi32, #tpu.memory_space<vmem>> -> memref<1x128xi32, #tpu.memory_space<vmem>>
        %dma_start3A_67 = tpu.memref_squeeze %dma_start3A_66 : memref<1x128xi32, #tpu.memory_space<vmem>> -> memref<128xi32, #tpu.memory_space<vmem>>
        %dma_start3A_68 = arith.constant 0 : i32
        %dma_start3A_69 = tpu.memref_slice %arg8[%dma_start3A_68] : memref<10240xf32, #tpu.memory_space<vmem_shared>> -> memref<10240xf32, #tpu.memory_space<vmem_shared>>
        tpu.enqueue_indirect_dma source(%arg6 : memref<128xf32, #tpu.memory_space<vmem>>) target(%dma_start3A_69 : memref<10240xf32, #tpu.memory_space<vmem_shared>>) offsets(%dma_start3A_67 : memref<128xi32, #tpu.memory_space<vmem>>) semaphore(%run_scoped3A_65 : memref<!tpu.dma_semaphore, #tpu.memory_space<semaphore_mem>>) {add = true}
        %dma_wait3A = arith.constant 0 : i32
        %dma_wait3A_70 = tpu.memref_slice %arg5[%run_scoped3A, %dma_wait3A] : memref<4x128xi32, #tpu.memory_space<vmem>> -> memref<1x128xi32, #tpu.memory_space<vmem>>
        %dma_wait3A_71 = tpu.memref_squeeze %dma_wait3A_70 : memref<1x128xi32, #tpu.memory_space<vmem>> -> memref<128xi32, #tpu.memory_space<vmem>>
        %dma_wait3A_72 = arith.constant 0 : i32
        %dma_wait3A_73 = tpu.memref_slice %arg8[%dma_wait3A_72] : memref<10240xf32, #tpu.memory_space<vmem_shared>> -> memref<10240xf32, #tpu.memory_space<vmem_shared>>
        tpu.wait_indirect_dma semaphore(%run_scoped3A_65 : memref<!tpu.dma_semaphore, #tpu.memory_space<semaphore_mem>>) src(%arg6 : memref<128xf32, #tpu.memory_space<vmem>>) dst(%dma_wait3A_73 : memref<10240xf32, #tpu.memory_space<vmem_shared>>)
        tpu.yield
      }) : () -> ()
      %run_scoped3A_62 = arith.constant 1 : i32
      "tpu.region"() ({
        %run_scoped3A_65 = tpu.sem_alloc : memref<!tpu.dma_semaphore, #tpu.memory_space<semaphore_mem>>
        %dma_start3A = arith.constant 0 : i32
        %dma_start3A_66 = tpu.memref_slice %arg5[%run_scoped3A_62, %dma_start3A] : memref<4x128xi32, #tpu.memory_space<vmem>> -> memref<1x128xi32, #tpu.memory_space<vmem>>
        %dma_start3A_67 = tpu.memref_squeeze %dma_start3A_66 : memref<1x128xi32, #tpu.memory_space<vmem>> -> memref<128xi32, #tpu.memory_space<vmem>>
        %dma_start3A_68 = arith.constant 0 : i32
        %dma_start3A_69 = tpu.memref_slice %arg8[%dma_start3A_68] : memref<10240xf32, #tpu.memory_space<vmem_shared>> -> memref<10240xf32, #tpu.memory_space<vmem_shared>>
        tpu.enqueue_indirect_dma source(%arg6 : memref<128xf32, #tpu.memory_space<vmem>>) target(%dma_start3A_69 : memref<10240xf32, #tpu.memory_space<vmem_shared>>) offsets(%dma_start3A_67 : memref<128xi32, #tpu.memory_space<vmem>>) semaphore(%run_scoped3A_65 : memref<!tpu.dma_semaphore, #tpu.memory_space<semaphore_mem>>) {add = true}
        %dma_wait3A = arith.constant 0 : i32
        %dma_wait3A_70 = tpu.memref_slice %arg5[%run_scoped3A_62, %dma_wait3A] : memref<4x128xi32, #tpu.memory_space<vmem>> -> memref<1x128xi32, #tpu.memory_space<vmem>>
        %dma_wait3A_71 = tpu.memref_squeeze %dma_wait3A_70 : memref<1x128xi32, #tpu.memory_space<vmem>> -> memref<128xi32, #tpu.memory_space<vmem>>
        %dma_wait3A_72 = arith.constant 0 : i32
        %dma_wait3A_73 = tpu.memref_slice %arg8[%dma_wait3A_72] : memref<10240xf32, #tpu.memory_space<vmem_shared>> -> memref<10240xf32, #tpu.memory_space<vmem_shared>>
        tpu.wait_indirect_dma semaphore(%run_scoped3A_65 : memref<!tpu.dma_semaphore, #tpu.memory_space<semaphore_mem>>) src(%arg6 : memref<128xf32, #tpu.memory_space<vmem>>) dst(%dma_wait3A_73 : memref<10240xf32, #tpu.memory_space<vmem_shared>>)
        tpu.yield
      }) : () -> ()
      %run_scoped3A_63 = arith.constant 2 : i32
      "tpu.region"() ({
        %run_scoped3A_65 = tpu.sem_alloc : memref<!tpu.dma_semaphore, #tpu.memory_space<semaphore_mem>>
        %dma_start3A = arith.constant 0 : i32
        %dma_start3A_66 = tpu.memref_slice %arg5[%run_scoped3A_63, %dma_start3A] : memref<4x128xi32, #tpu.memory_space<vmem>> -> memref<1x128xi32, #tpu.memory_space<vmem>>
        %dma_start3A_67 = tpu.memref_squeeze %dma_start3A_66 : memref<1x128xi32, #tpu.memory_space<vmem>> -> memref<128xi32, #tpu.memory_space<vmem>>
        %dma_start3A_68 = arith.constant 0 : i32
        %dma_start3A_69 = tpu.memref_slice %arg8[%dma_start3A_68] : memref<10240xf32, #tpu.memory_space<vmem_shared>> -> memref<10240xf32, #tpu.memory_space<vmem_shared>>
        tpu.enqueue_indirect_dma source(%arg6 : memref<128xf32, #tpu.memory_space<vmem>>) target(%dma_start3A_69 : memref<10240xf32, #tpu.memory_space<vmem_shared>>) offsets(%dma_start3A_67 : memref<128xi32, #tpu.memory_space<vmem>>) semaphore(%run_scoped3A_65 : memref<!tpu.dma_semaphore, #tpu.memory_space<semaphore_mem>>) {add = true}
        %dma_wait3A = arith.constant 0 : i32
        %dma_wait3A_70 = tpu.memref_slice %arg5[%run_scoped3A_63, %dma_wait3A] : memref<4x128xi32, #tpu.memory_space<vmem>> -> memref<1x128xi32, #tpu.memory_space<vmem>>
        %dma_wait3A_71 = tpu.memref_squeeze %dma_wait3A_70 : memref<1x128xi32, #tpu.memory_space<vmem>> -> memref<128xi32, #tpu.memory_space<vmem>>
        %dma_wait3A_72 = arith.constant 0 : i32
        %dma_wait3A_73 = tpu.memref_slice %arg8[%dma_wait3A_72] : memref<10240xf32, #tpu.memory_space<vmem_shared>> -> memref<10240xf32, #tpu.memory_space<vmem_shared>>
        tpu.wait_indirect_dma semaphore(%run_scoped3A_65 : memref<!tpu.dma_semaphore, #tpu.memory_space<semaphore_mem>>) src(%arg6 : memref<128xf32, #tpu.memory_space<vmem>>) dst(%dma_wait3A_73 : memref<10240xf32, #tpu.memory_space<vmem_shared>>)
        tpu.yield
      }) : () -> ()
      %run_scoped3A_64 = arith.constant 3 : i32
      "tpu.region"() ({
        %run_scoped3A_65 = tpu.sem_alloc : memref<!tpu.dma_semaphore, #tpu.memory_space<semaphore_mem>>
        %dma_start3A = arith.constant 0 : i32
        %dma_start3A_66 = tpu.memref_slice %arg5[%run_scoped3A_64, %dma_start3A] : memref<4x128xi32, #tpu.memory_space<vmem>> -> memref<1x128xi32, #tpu.memory_space<vmem>>
        %dma_start3A_67 = tpu.memref_squeeze %dma_start3A_66 : memref<1x128xi32, #tpu.memory_space<vmem>> -> memref<128xi32, #tpu.memory_space<vmem>>
        %dma_start3A_68 = arith.constant 0 : i32
        %dma_start3A_69 = tpu.memref_slice %arg8[%dma_start3A_68] : memref<10240xf32, #tpu.memory_space<vmem_shared>> -> memref<10240xf32, #tpu.memory_space<vmem_shared>>
        tpu.enqueue_indirect_dma source(%arg6 : memref<128xf32, #tpu.memory_space<vmem>>) target(%dma_start3A_69 : memref<10240xf32, #tpu.memory_space<vmem_shared>>) offsets(%dma_start3A_67 : memref<128xi32, #tpu.memory_space<vmem>>) semaphore(%run_scoped3A_65 : memref<!tpu.dma_semaphore, #tpu.memory_space<semaphore_mem>>) {add = true}
        %dma_wait3A = arith.constant 0 : i32
        %dma_wait3A_70 = tpu.memref_slice %arg5[%run_scoped3A_64, %dma_wait3A] : memref<4x128xi32, #tpu.memory_space<vmem>> -> memref<1x128xi32, #tpu.memory_space<vmem>>
        %dma_wait3A_71 = tpu.memref_squeeze %dma_wait3A_70 : memref<1x128xi32, #tpu.memory_space<vmem>> -> memref<128xi32, #tpu.memory_space<vmem>>
        %dma_wait3A_72 = arith.constant 0 : i32
        %dma_wait3A_73 = tpu.memref_slice %arg8[%dma_wait3A_72] : memref<10240xf32, #tpu.memory_space<vmem_shared>> -> memref<10240xf32, #tpu.memory_space<vmem_shared>>
        tpu.wait_indirect_dma semaphore(%run_scoped3A_65 : memref<!tpu.dma_semaphore, #tpu.memory_space<semaphore_mem>>) src(%arg6 : memref<128xf32, #tpu.memory_space<vmem>>) dst(%dma_wait3A_73 : memref<10240xf32, #tpu.memory_space<vmem_shared>>)
        tpu.yield
      }) : () -> ()
    }
    %scan3A_51 = arith.constant 20 : i32
    %barrier3A_52 = arith.constant 0 : index
    tpu.barrier barrier_id(%barrier3A_52)
    %mul3A_53 = arith.constant 640 : i32
    %mul3A_54 = arith.muli %arg1, %mul3A_53 : i32
    "tpu.region"() ({
      %run_scoped3A = tpu.sem_alloc : memref<!tpu.dma_semaphore, #tpu.memory_space<semaphore_mem>>
      %dma_start3A = tpu.memref_slice %arg8[%mul3A_54] : memref<10240xf32, #tpu.memory_space<vmem_shared>> -> memref<640xf32, #tpu.memory_space<vmem_shared>>
      %dma_start3A_57 = tpu.memref_slice %arg8[%mul3A_54] : memref<10240xf32, #tpu.memory_space<vmem_shared>> -> memref<640xf32, #tpu.memory_space<vmem_shared>>
      tpu.enqueue_dma source(%dma_start3A_57 : memref<640xf32, #tpu.memory_space<vmem_shared>>) target(%arg7 : memref<640xf32, #tpu.memory_space<vmem>>) target_semaphore(%run_scoped3A : memref<!tpu.dma_semaphore, #tpu.memory_space<semaphore_mem>>)
      %dma_wait3A = tpu.memref_slice %arg8[%mul3A_54] : memref<10240xf32, #tpu.memory_space<vmem_shared>> -> memref<640xf32, #tpu.memory_space<vmem_shared>>
      %dma_wait3A_58 = tpu.memref_slice %arg8[%mul3A_54] : memref<10240xf32, #tpu.memory_space<vmem_shared>> -> memref<640xf32, #tpu.memory_space<vmem_shared>>
      tpu.wait_dma2 semaphore(%run_scoped3A : memref<!tpu.dma_semaphore, #tpu.memory_space<semaphore_mem>>) src(%dma_wait3A_58 : memref<640xf32, #tpu.memory_space<vmem_shared>>) dst(%arg7 : memref<640xf32, #tpu.memory_space<vmem>>)
      tpu.yield
    }) : () -> ()
    %mul3A_55 = arith.constant 640 : i32
    %mul3A_56 = arith.muli %arg1, %mul3A_55 : i32
    "tpu.region"() ({
      %run_scoped3A = tpu.sem_alloc : memref<!tpu.dma_semaphore, #tpu.memory_space<semaphore_mem>>
      %dma_start3A = tpu.memref_slice %arg4[%arg0, %mul3A_56] : memref<2x10240xf32, #tpu.memory_space<hbm>> -> memref<1x640xf32, #tpu.memory_space<hbm>>
      %dma_start3A_57 = tpu.memref_squeeze %dma_start3A : memref<1x640xf32, #tpu.memory_space<hbm>> -> memref<640xf32, #tpu.memory_space<hbm>>
      %dma_start3A_58 = tpu.memref_slice %arg4[%arg0, %mul3A_56] : memref<2x10240xf32, #tpu.memory_space<hbm>> -> memref<1x640xf32, #tpu.memory_space<hbm>>
      %dma_start3A_59 = tpu.memref_squeeze %dma_start3A_58 : memref<1x640xf32, #tpu.memory_space<hbm>> -> memref<640xf32, #tpu.memory_space<hbm>>
      tpu.enqueue_dma source(%arg7 : memref<640xf32, #tpu.memory_space<vmem>>) target(%dma_start3A_59 : memref<640xf32, #tpu.memory_space<hbm>>) target_semaphore(%run_scoped3A : memref<!tpu.dma_semaphore, #tpu.memory_space<semaphore_mem>>)
      %dma_wait3A = tpu.memref_slice %arg4[%arg0, %mul3A_56] : memref<2x10240xf32, #tpu.memory_space<hbm>> -> memref<1x640xf32, #tpu.memory_space<hbm>>
      %dma_wait3A_60 = tpu.memref_squeeze %dma_wait3A : memref<1x640xf32, #tpu.memory_space<hbm>> -> memref<640xf32, #tpu.memory_space<hbm>>
      %dma_wait3A_61 = tpu.memref_slice %arg4[%arg0, %mul3A_56] : memref<2x10240xf32, #tpu.memory_space<hbm>> -> memref<1x640xf32, #tpu.memory_space<hbm>>
      %dma_wait3A_62 = tpu.memref_squeeze %dma_wait3A_61 : memref<1x640xf32, #tpu.memory_space<hbm>> -> memref<640xf32, #tpu.memory_space<hbm>>
      tpu.wait_dma2 semaphore(%run_scoped3A : memref<!tpu.dma_semaphore, #tpu.memory_space<semaphore_mem>>) src(%arg7 : memref<640xf32, #tpu.memory_space<vmem>>) dst(%dma_wait3A_62 : memref<640xf32, #tpu.memory_space<hbm>>)
      tpu.yield
    }) : () -> ()
    return
  }
}

#map = affine_map<(d0, d1) -> (0, 0)>
#map1 = affine_map<(d0, d1) -> (0, 0, 0)>
module attributes {stable_mosaic.version = 14 : i64} {
  func.func @_agg2_kernel(%arg0: i32, %arg1: i32, %arg2: memref<10240x64xf32, #tpu.memory_space<hbm>>, %arg3: memref<4x1280x128xi32, #tpu.memory_space<hbm>>, %arg4: memref<1280x128xi32, #tpu.memory_space<hbm>>, %arg5: memref<640x64xf32, #tpu.memory_space<hbm>>, %arg6: memref<20480x64xf32, #tpu.memory_space<hbm>>, %arg7: memref<80x128xi32, #tpu.memory_space<vmem>>, %arg8: memref<80x128xi32, #tpu.memory_space<vmem>>, %arg9: memref<128x64xf32, #tpu.memory_space<vmem>>, %arg10: memref<128x64xf32, #tpu.memory_space<vmem>>, %arg11: memref<128x64xf32, #tpu.memory_space<vmem>>, %arg12: memref<128x64xf32, #tpu.memory_space<vmem>>, %arg13: memref<128x64xf32, #tpu.memory_space<vmem>>, %arg14: memref<128x64xf32, #tpu.memory_space<vmem>>, %arg15: memref<128x64xf32, #tpu.memory_space<vmem>>, %arg16: memref<128x64xf32, #tpu.memory_space<vmem>>, %arg17: memref<10240x64xf32, #tpu.memory_space<vmem_shared>>, %arg18: memref<8x!tpu.dma_semaphore, #tpu.memory_space<semaphore_mem>>, %arg19: memref<8x!tpu.dma_semaphore, #tpu.memory_space<semaphore_mem>>) attributes {dimension_semantics = [#tpu.dimension_semantics<core_parallel>, #tpu.dimension_semantics<subcore_parallel>], iteration_bounds = array<i64: 2, 16>, scalar_prefetch = 0 : i64, scratch_operands = 13 : i64, tpu.core_type = #tpu.core_type<sc_vector_subcore>, window_params = [{transform_indices = #map}, {transform_indices = #map1}, {transform_indices = #map}, {transform_indices = #map}, {transform_indices = #map}]} {
    "tpu.region"() ({
      %run_scoped3A_150 = tpu.sem_alloc : memref<!tpu.dma_semaphore, #tpu.memory_space<semaphore_mem>>
      %dma_start3A_151 = arith.constant 0 : i32
      %dma_start3A_152 = arith.constant 0 : i32
      %dma_start3A_153 = tpu.memref_slice %arg5[%dma_start3A_151, %dma_start3A_152] : memref<640x64xf32, #tpu.memory_space<hbm>> -> memref<128x64xf32, #tpu.memory_space<hbm>>
      %dma_start3A_154 = arith.constant 0 : i32
      %dma_start3A_155 = arith.constant 0 : i32
      %dma_start3A_156 = tpu.memref_slice %arg5[%dma_start3A_154, %dma_start3A_155] : memref<640x64xf32, #tpu.memory_space<hbm>> -> memref<128x64xf32, #tpu.memory_space<hbm>>
      tpu.enqueue_dma source(%dma_start3A_156 : memref<128x64xf32, #tpu.memory_space<hbm>>) target(%arg9 : memref<128x64xf32, #tpu.memory_space<vmem>>) target_semaphore(%run_scoped3A_150 : memref<!tpu.dma_semaphore, #tpu.memory_space<semaphore_mem>>)
      %dma_wait3A_157 = arith.constant 0 : i32
      %dma_wait3A_158 = arith.constant 0 : i32
      %dma_wait3A_159 = tpu.memref_slice %arg5[%dma_wait3A_157, %dma_wait3A_158] : memref<640x64xf32, #tpu.memory_space<hbm>> -> memref<128x64xf32, #tpu.memory_space<hbm>>
      %dma_wait3A_160 = arith.constant 0 : i32
      %dma_wait3A_161 = arith.constant 0 : i32
      %dma_wait3A_162 = tpu.memref_slice %arg5[%dma_wait3A_160, %dma_wait3A_161] : memref<640x64xf32, #tpu.memory_space<hbm>> -> memref<128x64xf32, #tpu.memory_space<hbm>>
      tpu.wait_dma2 semaphore(%run_scoped3A_150 : memref<!tpu.dma_semaphore, #tpu.memory_space<semaphore_mem>>) src(%dma_wait3A_162 : memref<128x64xf32, #tpu.memory_space<hbm>>) dst(%arg9 : memref<128x64xf32, #tpu.memory_space<vmem>>)
      tpu.yield
    }) : () -> ()
    %mul3A = arith.constant 640 : i32
    %mul3A_0 = arith.muli %arg1, %mul3A : i32
    %add3A = arith.constant 0 : i32
    %add3A_1 = arith.addi %mul3A_0, %add3A : i32
    "tpu.region"() ({
      %run_scoped3A_150 = tpu.sem_alloc : memref<!tpu.dma_semaphore, #tpu.memory_space<semaphore_mem>>
      %dma_start3A_151 = arith.constant 0 : i32
      %dma_start3A_152 = tpu.memref_slice %arg17[%add3A_1, %dma_start3A_151] : memref<10240x64xf32, #tpu.memory_space<vmem_shared>> -> memref<128x64xf32, #tpu.memory_space<vmem_shared>>
      %dma_start3A_153 = arith.constant 0 : i32
      %dma_start3A_154 = tpu.memref_slice %arg17[%add3A_1, %dma_start3A_153] : memref<10240x64xf32, #tpu.memory_space<vmem_shared>> -> memref<128x64xf32, #tpu.memory_space<vmem_shared>>
      tpu.enqueue_dma source(%arg9 : memref<128x64xf32, #tpu.memory_space<vmem>>) target(%dma_start3A_154 : memref<128x64xf32, #tpu.memory_space<vmem_shared>>) target_semaphore(%run_scoped3A_150 : memref<!tpu.dma_semaphore, #tpu.memory_space<semaphore_mem>>)
      %dma_wait3A_155 = arith.constant 0 : i32
      %dma_wait3A_156 = tpu.memref_slice %arg17[%add3A_1, %dma_wait3A_155] : memref<10240x64xf32, #tpu.memory_space<vmem_shared>> -> memref<128x64xf32, #tpu.memory_space<vmem_shared>>
      %dma_wait3A_157 = arith.constant 0 : i32
      %dma_wait3A_158 = tpu.memref_slice %arg17[%add3A_1, %dma_wait3A_157] : memref<10240x64xf32, #tpu.memory_space<vmem_shared>> -> memref<128x64xf32, #tpu.memory_space<vmem_shared>>
      tpu.wait_dma2 semaphore(%run_scoped3A_150 : memref<!tpu.dma_semaphore, #tpu.memory_space<semaphore_mem>>) src(%arg9 : memref<128x64xf32, #tpu.memory_space<vmem>>) dst(%dma_wait3A_158 : memref<128x64xf32, #tpu.memory_space<vmem_shared>>)
      tpu.yield
    }) : () -> ()
    %mul3A_2 = arith.constant 640 : i32
    %mul3A_3 = arith.muli %arg1, %mul3A_2 : i32
    %add3A_4 = arith.constant 128 : i32
    %add3A_5 = arith.addi %mul3A_3, %add3A_4 : i32
    "tpu.region"() ({
      %run_scoped3A_150 = tpu.sem_alloc : memref<!tpu.dma_semaphore, #tpu.memory_space<semaphore_mem>>
      %dma_start3A_151 = arith.constant 0 : i32
      %dma_start3A_152 = tpu.memref_slice %arg17[%add3A_5, %dma_start3A_151] : memref<10240x64xf32, #tpu.memory_space<vmem_shared>> -> memref<128x64xf32, #tpu.memory_space<vmem_shared>>
      %dma_start3A_153 = arith.constant 0 : i32
      %dma_start3A_154 = tpu.memref_slice %arg17[%add3A_5, %dma_start3A_153] : memref<10240x64xf32, #tpu.memory_space<vmem_shared>> -> memref<128x64xf32, #tpu.memory_space<vmem_shared>>
      tpu.enqueue_dma source(%arg9 : memref<128x64xf32, #tpu.memory_space<vmem>>) target(%dma_start3A_154 : memref<128x64xf32, #tpu.memory_space<vmem_shared>>) target_semaphore(%run_scoped3A_150 : memref<!tpu.dma_semaphore, #tpu.memory_space<semaphore_mem>>)
      %dma_wait3A_155 = arith.constant 0 : i32
      %dma_wait3A_156 = tpu.memref_slice %arg17[%add3A_5, %dma_wait3A_155] : memref<10240x64xf32, #tpu.memory_space<vmem_shared>> -> memref<128x64xf32, #tpu.memory_space<vmem_shared>>
      %dma_wait3A_157 = arith.constant 0 : i32
      %dma_wait3A_158 = tpu.memref_slice %arg17[%add3A_5, %dma_wait3A_157] : memref<10240x64xf32, #tpu.memory_space<vmem_shared>> -> memref<128x64xf32, #tpu.memory_space<vmem_shared>>
      tpu.wait_dma2 semaphore(%run_scoped3A_150 : memref<!tpu.dma_semaphore, #tpu.memory_space<semaphore_mem>>) src(%arg9 : memref<128x64xf32, #tpu.memory_space<vmem>>) dst(%dma_wait3A_158 : memref<128x64xf32, #tpu.memory_space<vmem_shared>>)
      tpu.yield
    }) : () -> ()
    %mul3A_6 = arith.constant 640 : i32
    %mul3A_7 = arith.muli %arg1, %mul3A_6 : i32
    %add3A_8 = arith.constant 256 : i32
    %add3A_9 = arith.addi %mul3A_7, %add3A_8 : i32
    "tpu.region"() ({
      %run_scoped3A_150 = tpu.sem_alloc : memref<!tpu.dma_semaphore, #tpu.memory_space<semaphore_mem>>
      %dma_start3A_151 = arith.constant 0 : i32
      %dma_start3A_152 = tpu.memref_slice %arg17[%add3A_9, %dma_start3A_151] : memref<10240x64xf32, #tpu.memory_space<vmem_shared>> -> memref<128x64xf32, #tpu.memory_space<vmem_shared>>
      %dma_start3A_153 = arith.constant 0 : i32
      %dma_start3A_154 = tpu.memref_slice %arg17[%add3A_9, %dma_start3A_153] : memref<10240x64xf32, #tpu.memory_space<vmem_shared>> -> memref<128x64xf32, #tpu.memory_space<vmem_shared>>
      tpu.enqueue_dma source(%arg9 : memref<128x64xf32, #tpu.memory_space<vmem>>) target(%dma_start3A_154 : memref<128x64xf32, #tpu.memory_space<vmem_shared>>) target_semaphore(%run_scoped3A_150 : memref<!tpu.dma_semaphore, #tpu.memory_space<semaphore_mem>>)
      %dma_wait3A_155 = arith.constant 0 : i32
      %dma_wait3A_156 = tpu.memref_slice %arg17[%add3A_9, %dma_wait3A_155] : memref<10240x64xf32, #tpu.memory_space<vmem_shared>> -> memref<128x64xf32, #tpu.memory_space<vmem_shared>>
      %dma_wait3A_157 = arith.constant 0 : i32
      %dma_wait3A_158 = tpu.memref_slice %arg17[%add3A_9, %dma_wait3A_157] : memref<10240x64xf32, #tpu.memory_space<vmem_shared>> -> memref<128x64xf32, #tpu.memory_space<vmem_shared>>
      tpu.wait_dma2 semaphore(%run_scoped3A_150 : memref<!tpu.dma_semaphore, #tpu.memory_space<semaphore_mem>>) src(%arg9 : memref<128x64xf32, #tpu.memory_space<vmem>>) dst(%dma_wait3A_158 : memref<128x64xf32, #tpu.memory_space<vmem_shared>>)
      tpu.yield
    }) : () -> ()
    %mul3A_10 = arith.constant 640 : i32
    %mul3A_11 = arith.muli %arg1, %mul3A_10 : i32
    %add3A_12 = arith.constant 384 : i32
    %add3A_13 = arith.addi %mul3A_11, %add3A_12 : i32
    "tpu.region"() ({
      %run_scoped3A_150 = tpu.sem_alloc : memref<!tpu.dma_semaphore, #tpu.memory_space<semaphore_mem>>
      %dma_start3A_151 = arith.constant 0 : i32
      %dma_start3A_152 = tpu.memref_slice %arg17[%add3A_13, %dma_start3A_151] : memref<10240x64xf32, #tpu.memory_space<vmem_shared>> -> memref<128x64xf32, #tpu.memory_space<vmem_shared>>
      %dma_start3A_153 = arith.constant 0 : i32
      %dma_start3A_154 = tpu.memref_slice %arg17[%add3A_13, %dma_start3A_153] : memref<10240x64xf32, #tpu.memory_space<vmem_shared>> -> memref<128x64xf32, #tpu.memory_space<vmem_shared>>
      tpu.enqueue_dma source(%arg9 : memref<128x64xf32, #tpu.memory_space<vmem>>) target(%dma_start3A_154 : memref<128x64xf32, #tpu.memory_space<vmem_shared>>) target_semaphore(%run_scoped3A_150 : memref<!tpu.dma_semaphore, #tpu.memory_space<semaphore_mem>>)
      %dma_wait3A_155 = arith.constant 0 : i32
      %dma_wait3A_156 = tpu.memref_slice %arg17[%add3A_13, %dma_wait3A_155] : memref<10240x64xf32, #tpu.memory_space<vmem_shared>> -> memref<128x64xf32, #tpu.memory_space<vmem_shared>>
      %dma_wait3A_157 = arith.constant 0 : i32
      %dma_wait3A_158 = tpu.memref_slice %arg17[%add3A_13, %dma_wait3A_157] : memref<10240x64xf32, #tpu.memory_space<vmem_shared>> -> memref<128x64xf32, #tpu.memory_space<vmem_shared>>
      tpu.wait_dma2 semaphore(%run_scoped3A_150 : memref<!tpu.dma_semaphore, #tpu.memory_space<semaphore_mem>>) src(%arg9 : memref<128x64xf32, #tpu.memory_space<vmem>>) dst(%dma_wait3A_158 : memref<128x64xf32, #tpu.memory_space<vmem_shared>>)
      tpu.yield
    }) : () -> ()
    %mul3A_14 = arith.constant 640 : i32
    %mul3A_15 = arith.muli %arg1, %mul3A_14 : i32
    %add3A_16 = arith.constant 512 : i32
    %add3A_17 = arith.addi %mul3A_15, %add3A_16 : i32
    "tpu.region"() ({
      %run_scoped3A_150 = tpu.sem_alloc : memref<!tpu.dma_semaphore, #tpu.memory_space<semaphore_mem>>
      %dma_start3A_151 = arith.constant 0 : i32
      %dma_start3A_152 = tpu.memref_slice %arg17[%add3A_17, %dma_start3A_151] : memref<10240x64xf32, #tpu.memory_space<vmem_shared>> -> memref<128x64xf32, #tpu.memory_space<vmem_shared>>
      %dma_start3A_153 = arith.constant 0 : i32
      %dma_start3A_154 = tpu.memref_slice %arg17[%add3A_17, %dma_start3A_153] : memref<10240x64xf32, #tpu.memory_space<vmem_shared>> -> memref<128x64xf32, #tpu.memory_space<vmem_shared>>
      tpu.enqueue_dma source(%arg9 : memref<128x64xf32, #tpu.memory_space<vmem>>) target(%dma_start3A_154 : memref<128x64xf32, #tpu.memory_space<vmem_shared>>) target_semaphore(%run_scoped3A_150 : memref<!tpu.dma_semaphore, #tpu.memory_space<semaphore_mem>>)
      %dma_wait3A_155 = arith.constant 0 : i32
      %dma_wait3A_156 = tpu.memref_slice %arg17[%add3A_17, %dma_wait3A_155] : memref<10240x64xf32, #tpu.memory_space<vmem_shared>> -> memref<128x64xf32, #tpu.memory_space<vmem_shared>>
      %dma_wait3A_157 = arith.constant 0 : i32
      %dma_wait3A_158 = tpu.memref_slice %arg17[%add3A_17, %dma_wait3A_157] : memref<10240x64xf32, #tpu.memory_space<vmem_shared>> -> memref<128x64xf32, #tpu.memory_space<vmem_shared>>
      tpu.wait_dma2 semaphore(%run_scoped3A_150 : memref<!tpu.dma_semaphore, #tpu.memory_space<semaphore_mem>>) src(%arg9 : memref<128x64xf32, #tpu.memory_space<vmem>>) dst(%dma_wait3A_158 : memref<128x64xf32, #tpu.memory_space<vmem_shared>>)
      tpu.yield
    }) : () -> ()
    %mul3A_18 = arith.constant 640 : i32
    %mul3A_19 = arith.muli %arg0, %mul3A_18 : i32
    %mul3A_20 = arith.constant 40 : i32
    %mul3A_21 = arith.muli %arg1, %mul3A_20 : i32
    %add3A_22 = arith.addi %mul3A_19, %mul3A_21 : i32
    %run_scoped3A = arith.constant 0 : i32
    "tpu.region"() ({
      %run_scoped3A_150 = tpu.sem_alloc : memref<!tpu.dma_semaphore, #tpu.memory_space<semaphore_mem>>
      %dma_start3A_151 = arith.constant 0 : i32
      %dma_start3A_152 = arith.constant 0 : i32
      %dma_start3A_153 = tpu.memref_slice %arg7[%dma_start3A_151, %dma_start3A_152] : memref<80x128xi32, #tpu.memory_space<vmem>> -> memref<40x128xi32, #tpu.memory_space<vmem>>
      %dma_start3A_154 = arith.constant 0 : i32
      %dma_start3A_155 = tpu.memref_slice %arg3[%run_scoped3A, %add3A_22, %dma_start3A_154] : memref<4x1280x128xi32, #tpu.memory_space<hbm>> -> memref<1x40x128xi32, #tpu.memory_space<hbm>>
      %dma_start3A_156 = tpu.memref_squeeze %dma_start3A_155 : memref<1x40x128xi32, #tpu.memory_space<hbm>> -> memref<40x128xi32, #tpu.memory_space<hbm>>
      %dma_start3A_157 = arith.constant 0 : i32
      %dma_start3A_158 = arith.constant 0 : i32
      %dma_start3A_159 = tpu.memref_slice %arg7[%dma_start3A_157, %dma_start3A_158] : memref<80x128xi32, #tpu.memory_space<vmem>> -> memref<40x128xi32, #tpu.memory_space<vmem>>
      %dma_start3A_160 = arith.constant 0 : i32
      %dma_start3A_161 = tpu.memref_slice %arg3[%run_scoped3A, %add3A_22, %dma_start3A_160] : memref<4x1280x128xi32, #tpu.memory_space<hbm>> -> memref<1x40x128xi32, #tpu.memory_space<hbm>>
      %dma_start3A_162 = tpu.memref_squeeze %dma_start3A_161 : memref<1x40x128xi32, #tpu.memory_space<hbm>> -> memref<40x128xi32, #tpu.memory_space<hbm>>
      tpu.enqueue_dma source(%dma_start3A_162 : memref<40x128xi32, #tpu.memory_space<hbm>>) target(%dma_start3A_159 : memref<40x128xi32, #tpu.memory_space<vmem>>) target_semaphore(%run_scoped3A_150 : memref<!tpu.dma_semaphore, #tpu.memory_space<semaphore_mem>>)
      %dma_wait3A_163 = arith.constant 0 : i32
      %dma_wait3A_164 = arith.constant 0 : i32
      %dma_wait3A_165 = tpu.memref_slice %arg7[%dma_wait3A_163, %dma_wait3A_164] : memref<80x128xi32, #tpu.memory_space<vmem>> -> memref<40x128xi32, #tpu.memory_space<vmem>>
      %dma_wait3A_166 = arith.constant 0 : i32
      %dma_wait3A_167 = tpu.memref_slice %arg3[%run_scoped3A, %add3A_22, %dma_wait3A_166] : memref<4x1280x128xi32, #tpu.memory_space<hbm>> -> memref<1x40x128xi32, #tpu.memory_space<hbm>>
      %dma_wait3A_168 = tpu.memref_squeeze %dma_wait3A_167 : memref<1x40x128xi32, #tpu.memory_space<hbm>> -> memref<40x128xi32, #tpu.memory_space<hbm>>
      %dma_wait3A_169 = arith.constant 0 : i32
      %dma_wait3A_170 = arith.constant 0 : i32
      %dma_wait3A_171 = tpu.memref_slice %arg7[%dma_wait3A_169, %dma_wait3A_170] : memref<80x128xi32, #tpu.memory_space<vmem>> -> memref<40x128xi32, #tpu.memory_space<vmem>>
      %dma_wait3A_172 = arith.constant 0 : i32
      %dma_wait3A_173 = tpu.memref_slice %arg3[%run_scoped3A, %add3A_22, %dma_wait3A_172] : memref<4x1280x128xi32, #tpu.memory_space<hbm>> -> memref<1x40x128xi32, #tpu.memory_space<hbm>>
      %dma_wait3A_174 = tpu.memref_squeeze %dma_wait3A_173 : memref<1x40x128xi32, #tpu.memory_space<hbm>> -> memref<40x128xi32, #tpu.memory_space<hbm>>
      tpu.wait_dma2 semaphore(%run_scoped3A_150 : memref<!tpu.dma_semaphore, #tpu.memory_space<semaphore_mem>>) src(%dma_wait3A_174 : memref<40x128xi32, #tpu.memory_space<hbm>>) dst(%dma_wait3A_171 : memref<40x128xi32, #tpu.memory_space<vmem>>)
      tpu.yield
    }) : () -> ()
    "tpu.region"() ({
      %run_scoped3A_150 = tpu.sem_alloc : memref<!tpu.dma_semaphore, #tpu.memory_space<semaphore_mem>>
      %dma_start3A_151 = arith.constant 0 : i32
      %dma_start3A_152 = arith.constant 0 : i32
      %dma_start3A_153 = tpu.memref_slice %arg8[%dma_start3A_151, %dma_start3A_152] : memref<80x128xi32, #tpu.memory_space<vmem>> -> memref<40x128xi32, #tpu.memory_space<vmem>>
      %dma_start3A_154 = arith.constant 0 : i32
      %dma_start3A_155 = tpu.memref_slice %arg4[%add3A_22, %dma_start3A_154] : memref<1280x128xi32, #tpu.memory_space<hbm>> -> memref<40x128xi32, #tpu.memory_space<hbm>>
      %dma_start3A_156 = arith.constant 0 : i32
      %dma_start3A_157 = arith.constant 0 : i32
      %dma_start3A_158 = tpu.memref_slice %arg8[%dma_start3A_156, %dma_start3A_157] : memref<80x128xi32, #tpu.memory_space<vmem>> -> memref<40x128xi32, #tpu.memory_space<vmem>>
      %dma_start3A_159 = arith.constant 0 : i32
      %dma_start3A_160 = tpu.memref_slice %arg4[%add3A_22, %dma_start3A_159] : memref<1280x128xi32, #tpu.memory_space<hbm>> -> memref<40x128xi32, #tpu.memory_space<hbm>>
      tpu.enqueue_dma source(%dma_start3A_160 : memref<40x128xi32, #tpu.memory_space<hbm>>) target(%dma_start3A_158 : memref<40x128xi32, #tpu.memory_space<vmem>>) target_semaphore(%run_scoped3A_150 : memref<!tpu.dma_semaphore, #tpu.memory_space<semaphore_mem>>)
      %dma_wait3A_161 = arith.constant 0 : i32
      %dma_wait3A_162 = arith.constant 0 : i32
      %dma_wait3A_163 = tpu.memref_slice %arg8[%dma_wait3A_161, %dma_wait3A_162] : memref<80x128xi32, #tpu.memory_space<vmem>> -> memref<40x128xi32, #tpu.memory_space<vmem>>
      %dma_wait3A_164 = arith.constant 0 : i32
      %dma_wait3A_165 = tpu.memref_slice %arg4[%add3A_22, %dma_wait3A_164] : memref<1280x128xi32, #tpu.memory_space<hbm>> -> memref<40x128xi32, #tpu.memory_space<hbm>>
      %dma_wait3A_166 = arith.constant 0 : i32
      %dma_wait3A_167 = arith.constant 0 : i32
      %dma_wait3A_168 = tpu.memref_slice %arg8[%dma_wait3A_166, %dma_wait3A_167] : memref<80x128xi32, #tpu.memory_space<vmem>> -> memref<40x128xi32, #tpu.memory_space<vmem>>
      %dma_wait3A_169 = arith.constant 0 : i32
      %dma_wait3A_170 = tpu.memref_slice %arg4[%add3A_22, %dma_wait3A_169] : memref<1280x128xi32, #tpu.memory_space<hbm>> -> memref<40x128xi32, #tpu.memory_space<hbm>>
      tpu.wait_dma2 semaphore(%run_scoped3A_150 : memref<!tpu.dma_semaphore, #tpu.memory_space<semaphore_mem>>) src(%dma_wait3A_170 : memref<40x128xi32, #tpu.memory_space<hbm>>) dst(%dma_wait3A_168 : memref<40x128xi32, #tpu.memory_space<vmem>>)
      tpu.yield
    }) : () -> ()
    %barrier3A = arith.constant 0 : index
    tpu.barrier barrier_id(%barrier3A)
    %dma_start3A = arith.constant 0 : i32
    %dma_start3A_23 = arith.constant 0 : i32
    %dma_start3A_24 = arith.constant 0 : i32
    %dma_start3A_25 = tpu.memref_slice %arg7[%dma_start3A, %dma_start3A_24] : memref<80x128xi32, #tpu.memory_space<vmem>> -> memref<1x128xi32, #tpu.memory_space<vmem>>
    %dma_start3A_26 = tpu.memref_squeeze %dma_start3A_25 : memref<1x128xi32, #tpu.memory_space<vmem>> -> memref<128xi32, #tpu.memory_space<vmem>>
    %dma_start3A_27 = arith.constant 0 : i32
    %dma_start3A_28 = arith.constant 0 : i32
    %dma_start3A_29 = tpu.memref_slice %arg2[%dma_start3A_27, %dma_start3A_28] : memref<10240x64xf32, #tpu.memory_space<hbm>> -> memref<10240x64xf32, #tpu.memory_space<hbm>>
    %dma_start3A_30 = tpu.memref_slice %arg18[%dma_start3A_23] : memref<8x!tpu.dma_semaphore, #tpu.memory_space<semaphore_mem>> -> memref<1x!tpu.dma_semaphore, #tpu.memory_space<semaphore_mem>>
    %dma_start3A_31 = tpu.memref_squeeze %dma_start3A_30 : memref<1x!tpu.dma_semaphore, #tpu.memory_space<semaphore_mem>> -> memref<!tpu.dma_semaphore, #tpu.memory_space<semaphore_mem>>
    tpu.enqueue_indirect_dma source(%dma_start3A_29 : memref<10240x64xf32, #tpu.memory_space<hbm>>) target(%arg9 : memref<128x64xf32, #tpu.memory_space<vmem>>) offsets(%dma_start3A_26 : memref<128xi32, #tpu.memory_space<vmem>>) semaphore(%dma_start3A_31 : memref<!tpu.dma_semaphore, #tpu.memory_space<semaphore_mem>>)
    %dma_start3A_32 = arith.constant 1 : i32
    %dma_start3A_33 = arith.constant 1 : i32
    %dma_start3A_34 = arith.constant 0 : i32
    %dma_start3A_35 = tpu.memref_slice %arg7[%dma_start3A_32, %dma_start3A_34] : memref<80x128xi32, #tpu.memory_space<vmem>> -> memref<1x128xi32, #tpu.memory_space<vmem>>
    %dma_start3A_36 = tpu.memref_squeeze %dma_start3A_35 : memref<1x128xi32, #tpu.memory_space<vmem>> -> memref<128xi32, #tpu.memory_space<vmem>>
    %dma_start3A_37 = arith.constant 0 : i32
    %dma_start3A_38 = arith.constant 0 : i32
    %dma_start3A_39 = tpu.memref_slice %arg2[%dma_start3A_37, %dma_start3A_38] : memref<10240x64xf32, #tpu.memory_space<hbm>> -> memref<10240x64xf32, #tpu.memory_space<hbm>>
    %dma_start3A_40 = tpu.memref_slice %arg18[%dma_start3A_33] : memref<8x!tpu.dma_semaphore, #tpu.memory_space<semaphore_mem>> -> memref<1x!tpu.dma_semaphore, #tpu.memory_space<semaphore_mem>>
    %dma_start3A_41 = tpu.memref_squeeze %dma_start3A_40 : memref<1x!tpu.dma_semaphore, #tpu.memory_space<semaphore_mem>> -> memref<!tpu.dma_semaphore, #tpu.memory_space<semaphore_mem>>
    tpu.enqueue_indirect_dma source(%dma_start3A_39 : memref<10240x64xf32, #tpu.memory_space<hbm>>) target(%arg10 : memref<128x64xf32, #tpu.memory_space<vmem>>) offsets(%dma_start3A_36 : memref<128xi32, #tpu.memory_space<vmem>>) semaphore(%dma_start3A_41 : memref<!tpu.dma_semaphore, #tpu.memory_space<semaphore_mem>>)
    %dma_start3A_42 = arith.constant 2 : i32
    %dma_start3A_43 = arith.constant 2 : i32
    %dma_start3A_44 = arith.constant 0 : i32
    %dma_start3A_45 = tpu.memref_slice %arg7[%dma_start3A_42, %dma_start3A_44] : memref<80x128xi32, #tpu.memory_space<vmem>> -> memref<1x128xi32, #tpu.memory_space<vmem>>
    %dma_start3A_46 = tpu.memref_squeeze %dma_start3A_45 : memref<1x128xi32, #tpu.memory_space<vmem>> -> memref<128xi32, #tpu.memory_space<vmem>>
    %dma_start3A_47 = arith.constant 0 : i32
    %dma_start3A_48 = arith.constant 0 : i32
    %dma_start3A_49 = tpu.memref_slice %arg2[%dma_start3A_47, %dma_start3A_48] : memref<10240x64xf32, #tpu.memory_space<hbm>> -> memref<10240x64xf32, #tpu.memory_space<hbm>>
    %dma_start3A_50 = tpu.memref_slice %arg18[%dma_start3A_43] : memref<8x!tpu.dma_semaphore, #tpu.memory_space<semaphore_mem>> -> memref<1x!tpu.dma_semaphore, #tpu.memory_space<semaphore_mem>>
    %dma_start3A_51 = tpu.memref_squeeze %dma_start3A_50 : memref<1x!tpu.dma_semaphore, #tpu.memory_space<semaphore_mem>> -> memref<!tpu.dma_semaphore, #tpu.memory_space<semaphore_mem>>
    tpu.enqueue_indirect_dma source(%dma_start3A_49 : memref<10240x64xf32, #tpu.memory_space<hbm>>) target(%arg11 : memref<128x64xf32, #tpu.memory_space<vmem>>) offsets(%dma_start3A_46 : memref<128xi32, #tpu.memory_space<vmem>>) semaphore(%dma_start3A_51 : memref<!tpu.dma_semaphore, #tpu.memory_space<semaphore_mem>>)
    %dma_start3A_52 = arith.constant 3 : i32
    %dma_start3A_53 = arith.constant 3 : i32
    %dma_start3A_54 = arith.constant 0 : i32
    %dma_start3A_55 = tpu.memref_slice %arg7[%dma_start3A_52, %dma_start3A_54] : memref<80x128xi32, #tpu.memory_space<vmem>> -> memref<1x128xi32, #tpu.memory_space<vmem>>
    %dma_start3A_56 = tpu.memref_squeeze %dma_start3A_55 : memref<1x128xi32, #tpu.memory_space<vmem>> -> memref<128xi32, #tpu.memory_space<vmem>>
    %dma_start3A_57 = arith.constant 0 : i32
    %dma_start3A_58 = arith.constant 0 : i32
    %dma_start3A_59 = tpu.memref_slice %arg2[%dma_start3A_57, %dma_start3A_58] : memref<10240x64xf32, #tpu.memory_space<hbm>> -> memref<10240x64xf32, #tpu.memory_space<hbm>>
    %dma_start3A_60 = tpu.memref_slice %arg18[%dma_start3A_53] : memref<8x!tpu.dma_semaphore, #tpu.memory_space<semaphore_mem>> -> memref<1x!tpu.dma_semaphore, #tpu.memory_space<semaphore_mem>>
    %dma_start3A_61 = tpu.memref_squeeze %dma_start3A_60 : memref<1x!tpu.dma_semaphore, #tpu.memory_space<semaphore_mem>> -> memref<!tpu.dma_semaphore, #tpu.memory_space<semaphore_mem>>
    tpu.enqueue_indirect_dma source(%dma_start3A_59 : memref<10240x64xf32, #tpu.memory_space<hbm>>) target(%arg12 : memref<128x64xf32, #tpu.memory_space<vmem>>) offsets(%dma_start3A_56 : memref<128xi32, #tpu.memory_space<vmem>>) semaphore(%dma_start3A_61 : memref<!tpu.dma_semaphore, #tpu.memory_space<semaphore_mem>>)
    %scan3A = arith.constant 0 : i32
    %scan3A_62 = arith.constant 0 : i32
    %scan3A_63 = arith.constant 5 : i32
    %scan3A_64 = arith.addi %scan3A_62, %scan3A_63 : i32
    %scan3A_65 = arith.constant 1 : i32
    scf.for %scan3A_150 = %scan3A_62 to %scan3A_64 step %scan3A_65  : i32 {
      %mul3A_151 = arith.constant 8 : i32
      %mul3A_152 = arith.muli %scan3A_150, %mul3A_151 : i32
      %add3A_153 = arith.constant 0 : i32
      %add3A_154 = arith.addi %mul3A_152, %add3A_153 : i32
      %dma_wait3A_155 = arith.constant 0 : i32
      %dma_wait3A_156 = arith.constant 0 : i32
      %dma_wait3A_157 = arith.constant 0 : i32
      %dma_wait3A_158 = tpu.memref_slice %arg5[%dma_wait3A_156, %dma_wait3A_157] : memref<640x64xf32, #tpu.memory_space<hbm>> -> memref<128x64xf32, #tpu.memory_space<hbm>>
      %dma_wait3A_159 = tpu.memref_slice %arg18[%dma_wait3A_155] : memref<8x!tpu.dma_semaphore, #tpu.memory_space<semaphore_mem>> -> memref<1x!tpu.dma_semaphore, #tpu.memory_space<semaphore_mem>>
      %dma_wait3A_160 = tpu.memref_squeeze %dma_wait3A_159 : memref<1x!tpu.dma_semaphore, #tpu.memory_space<semaphore_mem>> -> memref<!tpu.dma_semaphore, #tpu.memory_space<semaphore_mem>>
      %dma_wait3A_161 = arith.constant 0 : i32
      %dma_wait3A_162 = arith.constant 0 : i32
      %dma_wait3A_163 = tpu.memref_slice %arg5[%dma_wait3A_161, %dma_wait3A_162] : memref<640x64xf32, #tpu.memory_space<hbm>> -> memref<128x64xf32, #tpu.memory_space<hbm>>
      tpu.wait_dma2 semaphore(%dma_wait3A_160 : memref<!tpu.dma_semaphore, #tpu.memory_space<semaphore_mem>>) src(%dma_wait3A_163 : memref<128x64xf32, #tpu.memory_space<hbm>>) dst(%arg9 : memref<128x64xf32, #tpu.memory_space<vmem>>)
      %dma_start3A_164 = arith.constant 0 : i32
      %dma_start3A_165 = arith.constant 0 : i32
      %dma_start3A_166 = tpu.memref_slice %arg8[%add3A_154, %dma_start3A_165] : memref<80x128xi32, #tpu.memory_space<vmem>> -> memref<1x128xi32, #tpu.memory_space<vmem>>
      %dma_start3A_167 = tpu.memref_squeeze %dma_start3A_166 : memref<1x128xi32, #tpu.memory_space<vmem>> -> memref<128xi32, #tpu.memory_space<vmem>>
      %dma_start3A_168 = arith.constant 0 : i32
      %dma_start3A_169 = arith.constant 0 : i32
      %dma_start3A_170 = tpu.memref_slice %arg17[%dma_start3A_168, %dma_start3A_169] : memref<10240x64xf32, #tpu.memory_space<vmem_shared>> -> memref<10240x64xf32, #tpu.memory_space<vmem_shared>>
      %dma_start3A_171 = tpu.memref_slice %arg19[%dma_start3A_164] : memref<8x!tpu.dma_semaphore, #tpu.memory_space<semaphore_mem>> -> memref<1x!tpu.dma_semaphore, #tpu.memory_space<semaphore_mem>>
      %dma_start3A_172 = tpu.memref_squeeze %dma_start3A_171 : memref<1x!tpu.dma_semaphore, #tpu.memory_space<semaphore_mem>> -> memref<!tpu.dma_semaphore, #tpu.memory_space<semaphore_mem>>
      tpu.enqueue_indirect_dma source(%arg9 : memref<128x64xf32, #tpu.memory_space<vmem>>) target(%dma_start3A_170 : memref<10240x64xf32, #tpu.memory_space<vmem_shared>>) offsets(%dma_start3A_167 : memref<128xi32, #tpu.memory_space<vmem>>) semaphore(%dma_start3A_172 : memref<!tpu.dma_semaphore, #tpu.memory_space<semaphore_mem>>) {add = true}
      %ge3A = arith.constant 4 : i32
      %ge3A_173 = arith.cmpi sge, %add3A_154, %ge3A : i32
      %convert_element_type3A = arith.extui %ge3A_173 : i1 to i32
      %cond3A = arith.constant 0 : i32
      %cond3A_174 = arith.cmpi ne, %convert_element_type3A, %cond3A : i32
      scf.if %cond3A_174 {
        %dma_wait3A_419 = arith.constant 4 : i32
        %dma_wait3A_420 = arith.constant 0 : i32
        %dma_wait3A_421 = arith.constant 0 : i32
        %dma_wait3A_422 = tpu.memref_slice %arg5[%dma_wait3A_420, %dma_wait3A_421] : memref<640x64xf32, #tpu.memory_space<hbm>> -> memref<128x64xf32, #tpu.memory_space<hbm>>
        %dma_wait3A_423 = tpu.memref_slice %arg19[%dma_wait3A_419] : memref<8x!tpu.dma_semaphore, #tpu.memory_space<semaphore_mem>> -> memref<1x!tpu.dma_semaphore, #tpu.memory_space<semaphore_mem>>
        %dma_wait3A_424 = tpu.memref_squeeze %dma_wait3A_423 : memref<1x!tpu.dma_semaphore, #tpu.memory_space<semaphore_mem>> -> memref<!tpu.dma_semaphore, #tpu.memory_space<semaphore_mem>>
        %dma_wait3A_425 = arith.constant 0 : i32
        %dma_wait3A_426 = arith.constant 0 : i32
        %dma_wait3A_427 = tpu.memref_slice %arg5[%dma_wait3A_425, %dma_wait3A_426] : memref<640x64xf32, #tpu.memory_space<hbm>> -> memref<128x64xf32, #tpu.memory_space<hbm>>
        tpu.wait_dma2 semaphore(%dma_wait3A_424 : memref<!tpu.dma_semaphore, #tpu.memory_space<semaphore_mem>>) src(%dma_wait3A_427 : memref<128x64xf32, #tpu.memory_space<hbm>>) dst(%arg13 : memref<128x64xf32, #tpu.memory_space<vmem>>)
      } else {
      }
      %add3A_175 = arith.constant 4 : i32
      %add3A_176 = arith.addi %add3A_154, %add3A_175 : i32
      %lt3A = arith.constant 40 : i32
      %lt3A_177 = arith.cmpi slt, %add3A_176, %lt3A : i32
      %convert_element_type3A_178 = arith.extui %lt3A_177 : i1 to i32
      %cond3A_179 = arith.constant 0 : i32
      %cond3A_180 = arith.cmpi ne, %convert_element_type3A_178, %cond3A_179 : i32
      scf.if %cond3A_180 {
        %add3A_419 = arith.constant 4 : i32
        %add3A_420 = arith.addi %add3A_154, %add3A_419 : i32
        %dma_start3A_421 = arith.constant 4 : i32
        %dma_start3A_422 = arith.constant 0 : i32
        %dma_start3A_423 = tpu.memref_slice %arg7[%add3A_420, %dma_start3A_422] : memref<80x128xi32, #tpu.memory_space<vmem>> -> memref<1x128xi32, #tpu.memory_space<vmem>>
        %dma_start3A_424 = tpu.memref_squeeze %dma_start3A_423 : memref<1x128xi32, #tpu.memory_space<vmem>> -> memref<128xi32, #tpu.memory_space<vmem>>
        %dma_start3A_425 = arith.constant 0 : i32
        %dma_start3A_426 = arith.constant 0 : i32
        %dma_start3A_427 = tpu.memref_slice %arg2[%dma_start3A_425, %dma_start3A_426] : memref<10240x64xf32, #tpu.memory_space<hbm>> -> memref<10240x64xf32, #tpu.memory_space<hbm>>
        %dma_start3A_428 = tpu.memref_slice %arg18[%dma_start3A_421] : memref<8x!tpu.dma_semaphore, #tpu.memory_space<semaphore_mem>> -> memref<1x!tpu.dma_semaphore, #tpu.memory_space<semaphore_mem>>
        %dma_start3A_429 = tpu.memref_squeeze %dma_start3A_428 : memref<1x!tpu.dma_semaphore, #tpu.memory_space<semaphore_mem>> -> memref<!tpu.dma_semaphore, #tpu.memory_space<semaphore_mem>>
        tpu.enqueue_indirect_dma source(%dma_start3A_427 : memref<10240x64xf32, #tpu.memory_space<hbm>>) target(%arg13 : memref<128x64xf32, #tpu.memory_space<vmem>>) offsets(%dma_start3A_424 : memref<128xi32, #tpu.memory_space<vmem>>) semaphore(%dma_start3A_429 : memref<!tpu.dma_semaphore, #tpu.memory_space<semaphore_mem>>)
      } else {
      }
      %mul3A_181 = arith.constant 8 : i32
      %mul3A_182 = arith.muli %scan3A_150, %mul3A_181 : i32
      %add3A_183 = arith.constant 1 : i32
      %add3A_184 = arith.addi %mul3A_182, %add3A_183 : i32
      %dma_wait3A_185 = arith.constant 1 : i32
      %dma_wait3A_186 = arith.constant 0 : i32
      %dma_wait3A_187 = arith.constant 0 : i32
      %dma_wait3A_188 = tpu.memref_slice %arg5[%dma_wait3A_186, %dma_wait3A_187] : memref<640x64xf32, #tpu.memory_space<hbm>> -> memref<128x64xf32, #tpu.memory_space<hbm>>
      %dma_wait3A_189 = tpu.memref_slice %arg18[%dma_wait3A_185] : memref<8x!tpu.dma_semaphore, #tpu.memory_space<semaphore_mem>> -> memref<1x!tpu.dma_semaphore, #tpu.memory_space<semaphore_mem>>
      %dma_wait3A_190 = tpu.memref_squeeze %dma_wait3A_189 : memref<1x!tpu.dma_semaphore, #tpu.memory_space<semaphore_mem>> -> memref<!tpu.dma_semaphore, #tpu.memory_space<semaphore_mem>>
      %dma_wait3A_191 = arith.constant 0 : i32
      %dma_wait3A_192 = arith.constant 0 : i32
      %dma_wait3A_193 = tpu.memref_slice %arg5[%dma_wait3A_191, %dma_wait3A_192] : memref<640x64xf32, #tpu.memory_space<hbm>> -> memref<128x64xf32, #tpu.memory_space<hbm>>
      tpu.wait_dma2 semaphore(%dma_wait3A_190 : memref<!tpu.dma_semaphore, #tpu.memory_space<semaphore_mem>>) src(%dma_wait3A_193 : memref<128x64xf32, #tpu.memory_space<hbm>>) dst(%arg10 : memref<128x64xf32, #tpu.memory_space<vmem>>)
      %dma_start3A_194 = arith.constant 1 : i32
      %dma_start3A_195 = arith.constant 0 : i32
      %dma_start3A_196 = tpu.memref_slice %arg8[%add3A_184, %dma_start3A_195] : memref<80x128xi32, #tpu.memory_space<vmem>> -> memref<1x128xi32, #tpu.memory_space<vmem>>
      %dma_start3A_197 = tpu.memref_squeeze %dma_start3A_196 : memref<1x128xi32, #tpu.memory_space<vmem>> -> memref<128xi32, #tpu.memory_space<vmem>>
      %dma_start3A_198 = arith.constant 0 : i32
      %dma_start3A_199 = arith.constant 0 : i32
      %dma_start3A_200 = tpu.memref_slice %arg17[%dma_start3A_198, %dma_start3A_199] : memref<10240x64xf32, #tpu.memory_space<vmem_shared>> -> memref<10240x64xf32, #tpu.memory_space<vmem_shared>>
      %dma_start3A_201 = tpu.memref_slice %arg19[%dma_start3A_194] : memref<8x!tpu.dma_semaphore, #tpu.memory_space<semaphore_mem>> -> memref<1x!tpu.dma_semaphore, #tpu.memory_space<semaphore_mem>>
      %dma_start3A_202 = tpu.memref_squeeze %dma_start3A_201 : memref<1x!tpu.dma_semaphore, #tpu.memory_space<semaphore_mem>> -> memref<!tpu.dma_semaphore, #tpu.memory_space<semaphore_mem>>
      tpu.enqueue_indirect_dma source(%arg10 : memref<128x64xf32, #tpu.memory_space<vmem>>) target(%dma_start3A_200 : memref<10240x64xf32, #tpu.memory_space<vmem_shared>>) offsets(%dma_start3A_197 : memref<128xi32, #tpu.memory_space<vmem>>) semaphore(%dma_start3A_202 : memref<!tpu.dma_semaphore, #tpu.memory_space<semaphore_mem>>) {add = true}
      %ge3A_203 = arith.constant 4 : i32
      %ge3A_204 = arith.cmpi sge, %add3A_184, %ge3A_203 : i32
      %convert_element_type3A_205 = arith.extui %ge3A_204 : i1 to i32
      %cond3A_206 = arith.constant 0 : i32
      %cond3A_207 = arith.cmpi ne, %convert_element_type3A_205, %cond3A_206 : i32
      scf.if %cond3A_207 {
        %dma_wait3A_419 = arith.constant 5 : i32
        %dma_wait3A_420 = arith.constant 0 : i32
        %dma_wait3A_421 = arith.constant 0 : i32
        %dma_wait3A_422 = tpu.memref_slice %arg5[%dma_wait3A_420, %dma_wait3A_421] : memref<640x64xf32, #tpu.memory_space<hbm>> -> memref<128x64xf32, #tpu.memory_space<hbm>>
        %dma_wait3A_423 = tpu.memref_slice %arg19[%dma_wait3A_419] : memref<8x!tpu.dma_semaphore, #tpu.memory_space<semaphore_mem>> -> memref<1x!tpu.dma_semaphore, #tpu.memory_space<semaphore_mem>>
        %dma_wait3A_424 = tpu.memref_squeeze %dma_wait3A_423 : memref<1x!tpu.dma_semaphore, #tpu.memory_space<semaphore_mem>> -> memref<!tpu.dma_semaphore, #tpu.memory_space<semaphore_mem>>
        %dma_wait3A_425 = arith.constant 0 : i32
        %dma_wait3A_426 = arith.constant 0 : i32
        %dma_wait3A_427 = tpu.memref_slice %arg5[%dma_wait3A_425, %dma_wait3A_426] : memref<640x64xf32, #tpu.memory_space<hbm>> -> memref<128x64xf32, #tpu.memory_space<hbm>>
        tpu.wait_dma2 semaphore(%dma_wait3A_424 : memref<!tpu.dma_semaphore, #tpu.memory_space<semaphore_mem>>) src(%dma_wait3A_427 : memref<128x64xf32, #tpu.memory_space<hbm>>) dst(%arg14 : memref<128x64xf32, #tpu.memory_space<vmem>>)
      } else {
      }
      %add3A_208 = arith.constant 4 : i32
      %add3A_209 = arith.addi %add3A_184, %add3A_208 : i32
      %lt3A_210 = arith.constant 40 : i32
      %lt3A_211 = arith.cmpi slt, %add3A_209, %lt3A_210 : i32
      %convert_element_type3A_212 = arith.extui %lt3A_211 : i1 to i32
      %cond3A_213 = arith.constant 0 : i32
      %cond3A_214 = arith.cmpi ne, %convert_element_type3A_212, %cond3A_213 : i32
      scf.if %cond3A_214 {
        %add3A_419 = arith.constant 4 : i32
        %add3A_420 = arith.addi %add3A_184, %add3A_419 : i32
        %dma_start3A_421 = arith.constant 5 : i32
        %dma_start3A_422 = arith.constant 0 : i32
        %dma_start3A_423 = tpu.memref_slice %arg7[%add3A_420, %dma_start3A_422] : memref<80x128xi32, #tpu.memory_space<vmem>> -> memref<1x128xi32, #tpu.memory_space<vmem>>
        %dma_start3A_424 = tpu.memref_squeeze %dma_start3A_423 : memref<1x128xi32, #tpu.memory_space<vmem>> -> memref<128xi32, #tpu.memory_space<vmem>>
        %dma_start3A_425 = arith.constant 0 : i32
        %dma_start3A_426 = arith.constant 0 : i32
        %dma_start3A_427 = tpu.memref_slice %arg2[%dma_start3A_425, %dma_start3A_426] : memref<10240x64xf32, #tpu.memory_space<hbm>> -> memref<10240x64xf32, #tpu.memory_space<hbm>>
        %dma_start3A_428 = tpu.memref_slice %arg18[%dma_start3A_421] : memref<8x!tpu.dma_semaphore, #tpu.memory_space<semaphore_mem>> -> memref<1x!tpu.dma_semaphore, #tpu.memory_space<semaphore_mem>>
        %dma_start3A_429 = tpu.memref_squeeze %dma_start3A_428 : memref<1x!tpu.dma_semaphore, #tpu.memory_space<semaphore_mem>> -> memref<!tpu.dma_semaphore, #tpu.memory_space<semaphore_mem>>
        tpu.enqueue_indirect_dma source(%dma_start3A_427 : memref<10240x64xf32, #tpu.memory_space<hbm>>) target(%arg14 : memref<128x64xf32, #tpu.memory_space<vmem>>) offsets(%dma_start3A_424 : memref<128xi32, #tpu.memory_space<vmem>>) semaphore(%dma_start3A_429 : memref<!tpu.dma_semaphore, #tpu.memory_space<semaphore_mem>>)
      } else {
      }
      %mul3A_215 = arith.constant 8 : i32
      %mul3A_216 = arith.muli %scan3A_150, %mul3A_215 : i32
      %add3A_217 = arith.constant 2 : i32
      %add3A_218 = arith.addi %mul3A_216, %add3A_217 : i32
      %dma_wait3A_219 = arith.constant 2 : i32
      %dma_wait3A_220 = arith.constant 0 : i32
      %dma_wait3A_221 = arith.constant 0 : i32
      %dma_wait3A_222 = tpu.memref_slice %arg5[%dma_wait3A_220, %dma_wait3A_221] : memref<640x64xf32, #tpu.memory_space<hbm>> -> memref<128x64xf32, #tpu.memory_space<hbm>>
      %dma_wait3A_223 = tpu.memref_slice %arg18[%dma_wait3A_219] : memref<8x!tpu.dma_semaphore, #tpu.memory_space<semaphore_mem>> -> memref<1x!tpu.dma_semaphore, #tpu.memory_space<semaphore_mem>>
      %dma_wait3A_224 = tpu.memref_squeeze %dma_wait3A_223 : memref<1x!tpu.dma_semaphore, #tpu.memory_space<semaphore_mem>> -> memref<!tpu.dma_semaphore, #tpu.memory_space<semaphore_mem>>
      %dma_wait3A_225 = arith.constant 0 : i32
      %dma_wait3A_226 = arith.constant 0 : i32
      %dma_wait3A_227 = tpu.memref_slice %arg5[%dma_wait3A_225, %dma_wait3A_226] : memref<640x64xf32, #tpu.memory_space<hbm>> -> memref<128x64xf32, #tpu.memory_space<hbm>>
      tpu.wait_dma2 semaphore(%dma_wait3A_224 : memref<!tpu.dma_semaphore, #tpu.memory_space<semaphore_mem>>) src(%dma_wait3A_227 : memref<128x64xf32, #tpu.memory_space<hbm>>) dst(%arg11 : memref<128x64xf32, #tpu.memory_space<vmem>>)
      %dma_start3A_228 = arith.constant 2 : i32
      %dma_start3A_229 = arith.constant 0 : i32
      %dma_start3A_230 = tpu.memref_slice %arg8[%add3A_218, %dma_start3A_229] : memref<80x128xi32, #tpu.memory_space<vmem>> -> memref<1x128xi32, #tpu.memory_space<vmem>>
      %dma_start3A_231 = tpu.memref_squeeze %dma_start3A_230 : memref<1x128xi32, #tpu.memory_space<vmem>> -> memref<128xi32, #tpu.memory_space<vmem>>
      %dma_start3A_232 = arith.constant 0 : i32
      %dma_start3A_233 = arith.constant 0 : i32
      %dma_start3A_234 = tpu.memref_slice %arg17[%dma_start3A_232, %dma_start3A_233] : memref<10240x64xf32, #tpu.memory_space<vmem_shared>> -> memref<10240x64xf32, #tpu.memory_space<vmem_shared>>
      %dma_start3A_235 = tpu.memref_slice %arg19[%dma_start3A_228] : memref<8x!tpu.dma_semaphore, #tpu.memory_space<semaphore_mem>> -> memref<1x!tpu.dma_semaphore, #tpu.memory_space<semaphore_mem>>
      %dma_start3A_236 = tpu.memref_squeeze %dma_start3A_235 : memref<1x!tpu.dma_semaphore, #tpu.memory_space<semaphore_mem>> -> memref<!tpu.dma_semaphore, #tpu.memory_space<semaphore_mem>>
      tpu.enqueue_indirect_dma source(%arg11 : memref<128x64xf32, #tpu.memory_space<vmem>>) target(%dma_start3A_234 : memref<10240x64xf32, #tpu.memory_space<vmem_shared>>) offsets(%dma_start3A_231 : memref<128xi32, #tpu.memory_space<vmem>>) semaphore(%dma_start3A_236 : memref<!tpu.dma_semaphore, #tpu.memory_space<semaphore_mem>>) {add = true}
      %ge3A_237 = arith.constant 4 : i32
      %ge3A_238 = arith.cmpi sge, %add3A_218, %ge3A_237 : i32
      %convert_element_type3A_239 = arith.extui %ge3A_238 : i1 to i32
      %cond3A_240 = arith.constant 0 : i32
      %cond3A_241 = arith.cmpi ne, %convert_element_type3A_239, %cond3A_240 : i32
      scf.if %cond3A_241 {
        %dma_wait3A_419 = arith.constant 6 : i32
        %dma_wait3A_420 = arith.constant 0 : i32
        %dma_wait3A_421 = arith.constant 0 : i32
        %dma_wait3A_422 = tpu.memref_slice %arg5[%dma_wait3A_420, %dma_wait3A_421] : memref<640x64xf32, #tpu.memory_space<hbm>> -> memref<128x64xf32, #tpu.memory_space<hbm>>
        %dma_wait3A_423 = tpu.memref_slice %arg19[%dma_wait3A_419] : memref<8x!tpu.dma_semaphore, #tpu.memory_space<semaphore_mem>> -> memref<1x!tpu.dma_semaphore, #tpu.memory_space<semaphore_mem>>
        %dma_wait3A_424 = tpu.memref_squeeze %dma_wait3A_423 : memref<1x!tpu.dma_semaphore, #tpu.memory_space<semaphore_mem>> -> memref<!tpu.dma_semaphore, #tpu.memory_space<semaphore_mem>>
        %dma_wait3A_425 = arith.constant 0 : i32
        %dma_wait3A_426 = arith.constant 0 : i32
        %dma_wait3A_427 = tpu.memref_slice %arg5[%dma_wait3A_425, %dma_wait3A_426] : memref<640x64xf32, #tpu.memory_space<hbm>> -> memref<128x64xf32, #tpu.memory_space<hbm>>
        tpu.wait_dma2 semaphore(%dma_wait3A_424 : memref<!tpu.dma_semaphore, #tpu.memory_space<semaphore_mem>>) src(%dma_wait3A_427 : memref<128x64xf32, #tpu.memory_space<hbm>>) dst(%arg15 : memref<128x64xf32, #tpu.memory_space<vmem>>)
      } else {
      }
      %add3A_242 = arith.constant 4 : i32
      %add3A_243 = arith.addi %add3A_218, %add3A_242 : i32
      %lt3A_244 = arith.constant 40 : i32
      %lt3A_245 = arith.cmpi slt, %add3A_243, %lt3A_244 : i32
      %convert_element_type3A_246 = arith.extui %lt3A_245 : i1 to i32
      %cond3A_247 = arith.constant 0 : i32
      %cond3A_248 = arith.cmpi ne, %convert_element_type3A_246, %cond3A_247 : i32
      scf.if %cond3A_248 {
        %add3A_419 = arith.constant 4 : i32
        %add3A_420 = arith.addi %add3A_218, %add3A_419 : i32
        %dma_start3A_421 = arith.constant 6 : i32
        %dma_start3A_422 = arith.constant 0 : i32
        %dma_start3A_423 = tpu.memref_slice %arg7[%add3A_420, %dma_start3A_422] : memref<80x128xi32, #tpu.memory_space<vmem>> -> memref<1x128xi32, #tpu.memory_space<vmem>>
        %dma_start3A_424 = tpu.memref_squeeze %dma_start3A_423 : memref<1x128xi32, #tpu.memory_space<vmem>> -> memref<128xi32, #tpu.memory_space<vmem>>
        %dma_start3A_425 = arith.constant 0 : i32
        %dma_start3A_426 = arith.constant 0 : i32
        %dma_start3A_427 = tpu.memref_slice %arg2[%dma_start3A_425, %dma_start3A_426] : memref<10240x64xf32, #tpu.memory_space<hbm>> -> memref<10240x64xf32, #tpu.memory_space<hbm>>
        %dma_start3A_428 = tpu.memref_slice %arg18[%dma_start3A_421] : memref<8x!tpu.dma_semaphore, #tpu.memory_space<semaphore_mem>> -> memref<1x!tpu.dma_semaphore, #tpu.memory_space<semaphore_mem>>
        %dma_start3A_429 = tpu.memref_squeeze %dma_start3A_428 : memref<1x!tpu.dma_semaphore, #tpu.memory_space<semaphore_mem>> -> memref<!tpu.dma_semaphore, #tpu.memory_space<semaphore_mem>>
        tpu.enqueue_indirect_dma source(%dma_start3A_427 : memref<10240x64xf32, #tpu.memory_space<hbm>>) target(%arg15 : memref<128x64xf32, #tpu.memory_space<vmem>>) offsets(%dma_start3A_424 : memref<128xi32, #tpu.memory_space<vmem>>) semaphore(%dma_start3A_429 : memref<!tpu.dma_semaphore, #tpu.memory_space<semaphore_mem>>)
      } else {
      }
      %mul3A_249 = arith.constant 8 : i32
      %mul3A_250 = arith.muli %scan3A_150, %mul3A_249 : i32
      %add3A_251 = arith.constant 3 : i32
      %add3A_252 = arith.addi %mul3A_250, %add3A_251 : i32
      %dma_wait3A_253 = arith.constant 3 : i32
      %dma_wait3A_254 = arith.constant 0 : i32
      %dma_wait3A_255 = arith.constant 0 : i32
      %dma_wait3A_256 = tpu.memref_slice %arg5[%dma_wait3A_254, %dma_wait3A_255] : memref<640x64xf32, #tpu.memory_space<hbm>> -> memref<128x64xf32, #tpu.memory_space<hbm>>
      %dma_wait3A_257 = tpu.memref_slice %arg18[%dma_wait3A_253] : memref<8x!tpu.dma_semaphore, #tpu.memory_space<semaphore_mem>> -> memref<1x!tpu.dma_semaphore, #tpu.memory_space<semaphore_mem>>
      %dma_wait3A_258 = tpu.memref_squeeze %dma_wait3A_257 : memref<1x!tpu.dma_semaphore, #tpu.memory_space<semaphore_mem>> -> memref<!tpu.dma_semaphore, #tpu.memory_space<semaphore_mem>>
      %dma_wait3A_259 = arith.constant 0 : i32
      %dma_wait3A_260 = arith.constant 0 : i32
      %dma_wait3A_261 = tpu.memref_slice %arg5[%dma_wait3A_259, %dma_wait3A_260] : memref<640x64xf32, #tpu.memory_space<hbm>> -> memref<128x64xf32, #tpu.memory_space<hbm>>
      tpu.wait_dma2 semaphore(%dma_wait3A_258 : memref<!tpu.dma_semaphore, #tpu.memory_space<semaphore_mem>>) src(%dma_wait3A_261 : memref<128x64xf32, #tpu.memory_space<hbm>>) dst(%arg12 : memref<128x64xf32, #tpu.memory_space<vmem>>)
      %dma_start3A_262 = arith.constant 3 : i32
      %dma_start3A_263 = arith.constant 0 : i32
      %dma_start3A_264 = tpu.memref_slice %arg8[%add3A_252, %dma_start3A_263] : memref<80x128xi32, #tpu.memory_space<vmem>> -> memref<1x128xi32, #tpu.memory_space<vmem>>
      %dma_start3A_265 = tpu.memref_squeeze %dma_start3A_264 : memref<1x128xi32, #tpu.memory_space<vmem>> -> memref<128xi32, #tpu.memory_space<vmem>>
      %dma_start3A_266 = arith.constant 0 : i32
      %dma_start3A_267 = arith.constant 0 : i32
      %dma_start3A_268 = tpu.memref_slice %arg17[%dma_start3A_266, %dma_start3A_267] : memref<10240x64xf32, #tpu.memory_space<vmem_shared>> -> memref<10240x64xf32, #tpu.memory_space<vmem_shared>>
      %dma_start3A_269 = tpu.memref_slice %arg19[%dma_start3A_262] : memref<8x!tpu.dma_semaphore, #tpu.memory_space<semaphore_mem>> -> memref<1x!tpu.dma_semaphore, #tpu.memory_space<semaphore_mem>>
      %dma_start3A_270 = tpu.memref_squeeze %dma_start3A_269 : memref<1x!tpu.dma_semaphore, #tpu.memory_space<semaphore_mem>> -> memref<!tpu.dma_semaphore, #tpu.memory_space<semaphore_mem>>
      tpu.enqueue_indirect_dma source(%arg12 : memref<128x64xf32, #tpu.memory_space<vmem>>) target(%dma_start3A_268 : memref<10240x64xf32, #tpu.memory_space<vmem_shared>>) offsets(%dma_start3A_265 : memref<128xi32, #tpu.memory_space<vmem>>) semaphore(%dma_start3A_270 : memref<!tpu.dma_semaphore, #tpu.memory_space<semaphore_mem>>) {add = true}
      %ge3A_271 = arith.constant 4 : i32
      %ge3A_272 = arith.cmpi sge, %add3A_252, %ge3A_271 : i32
      %convert_element_type3A_273 = arith.extui %ge3A_272 : i1 to i32
      %cond3A_274 = arith.constant 0 : i32
      %cond3A_275 = arith.cmpi ne, %convert_element_type3A_273, %cond3A_274 : i32
      scf.if %cond3A_275 {
        %dma_wait3A_419 = arith.constant 7 : i32
        %dma_wait3A_420 = arith.constant 0 : i32
        %dma_wait3A_421 = arith.constant 0 : i32
        %dma_wait3A_422 = tpu.memref_slice %arg5[%dma_wait3A_420, %dma_wait3A_421] : memref<640x64xf32, #tpu.memory_space<hbm>> -> memref<128x64xf32, #tpu.memory_space<hbm>>
        %dma_wait3A_423 = tpu.memref_slice %arg19[%dma_wait3A_419] : memref<8x!tpu.dma_semaphore, #tpu.memory_space<semaphore_mem>> -> memref<1x!tpu.dma_semaphore, #tpu.memory_space<semaphore_mem>>
        %dma_wait3A_424 = tpu.memref_squeeze %dma_wait3A_423 : memref<1x!tpu.dma_semaphore, #tpu.memory_space<semaphore_mem>> -> memref<!tpu.dma_semaphore, #tpu.memory_space<semaphore_mem>>
        %dma_wait3A_425 = arith.constant 0 : i32
        %dma_wait3A_426 = arith.constant 0 : i32
        %dma_wait3A_427 = tpu.memref_slice %arg5[%dma_wait3A_425, %dma_wait3A_426] : memref<640x64xf32, #tpu.memory_space<hbm>> -> memref<128x64xf32, #tpu.memory_space<hbm>>
        tpu.wait_dma2 semaphore(%dma_wait3A_424 : memref<!tpu.dma_semaphore, #tpu.memory_space<semaphore_mem>>) src(%dma_wait3A_427 : memref<128x64xf32, #tpu.memory_space<hbm>>) dst(%arg16 : memref<128x64xf32, #tpu.memory_space<vmem>>)
      } else {
      }
      %add3A_276 = arith.constant 4 : i32
      %add3A_277 = arith.addi %add3A_252, %add3A_276 : i32
      %lt3A_278 = arith.constant 40 : i32
      %lt3A_279 = arith.cmpi slt, %add3A_277, %lt3A_278 : i32
      %convert_element_type3A_280 = arith.extui %lt3A_279 : i1 to i32
      %cond3A_281 = arith.constant 0 : i32
      %cond3A_282 = arith.cmpi ne, %convert_element_type3A_280, %cond3A_281 : i32
      scf.if %cond3A_282 {
        %add3A_419 = arith.constant 4 : i32
        %add3A_420 = arith.addi %add3A_252, %add3A_419 : i32
        %dma_start3A_421 = arith.constant 7 : i32
        %dma_start3A_422 = arith.constant 0 : i32
        %dma_start3A_423 = tpu.memref_slice %arg7[%add3A_420, %dma_start3A_422] : memref<80x128xi32, #tpu.memory_space<vmem>> -> memref<1x128xi32, #tpu.memory_space<vmem>>
        %dma_start3A_424 = tpu.memref_squeeze %dma_start3A_423 : memref<1x128xi32, #tpu.memory_space<vmem>> -> memref<128xi32, #tpu.memory_space<vmem>>
        %dma_start3A_425 = arith.constant 0 : i32
        %dma_start3A_426 = arith.constant 0 : i32
        %dma_start3A_427 = tpu.memref_slice %arg2[%dma_start3A_425, %dma_start3A_426] : memref<10240x64xf32, #tpu.memory_space<hbm>> -> memref<10240x64xf32, #tpu.memory_space<hbm>>
        %dma_start3A_428 = tpu.memref_slice %arg18[%dma_start3A_421] : memref<8x!tpu.dma_semaphore, #tpu.memory_space<semaphore_mem>> -> memref<1x!tpu.dma_semaphore, #tpu.memory_space<semaphore_mem>>
        %dma_start3A_429 = tpu.memref_squeeze %dma_start3A_428 : memref<1x!tpu.dma_semaphore, #tpu.memory_space<semaphore_mem>> -> memref<!tpu.dma_semaphore, #tpu.memory_space<semaphore_mem>>
        tpu.enqueue_indirect_dma source(%dma_start3A_427 : memref<10240x64xf32, #tpu.memory_space<hbm>>) target(%arg16 : memref<128x64xf32, #tpu.memory_space<vmem>>) offsets(%dma_start3A_424 : memref<128xi32, #tpu.memory_space<vmem>>) semaphore(%dma_start3A_429 : memref<!tpu.dma_semaphore, #tpu.memory_space<semaphore_mem>>)
      } else {
      }
      %mul3A_283 = arith.constant 8 : i32
      %mul3A_284 = arith.muli %scan3A_150, %mul3A_283 : i32
      %add3A_285 = arith.constant 4 : i32
      %add3A_286 = arith.addi %mul3A_284, %add3A_285 : i32
      %dma_wait3A_287 = arith.constant 4 : i32
      %dma_wait3A_288 = arith.constant 0 : i32
      %dma_wait3A_289 = arith.constant 0 : i32
      %dma_wait3A_290 = tpu.memref_slice %arg5[%dma_wait3A_288, %dma_wait3A_289] : memref<640x64xf32, #tpu.memory_space<hbm>> -> memref<128x64xf32, #tpu.memory_space<hbm>>
      %dma_wait3A_291 = tpu.memref_slice %arg18[%dma_wait3A_287] : memref<8x!tpu.dma_semaphore, #tpu.memory_space<semaphore_mem>> -> memref<1x!tpu.dma_semaphore, #tpu.memory_space<semaphore_mem>>
      %dma_wait3A_292 = tpu.memref_squeeze %dma_wait3A_291 : memref<1x!tpu.dma_semaphore, #tpu.memory_space<semaphore_mem>> -> memref<!tpu.dma_semaphore, #tpu.memory_space<semaphore_mem>>
      %dma_wait3A_293 = arith.constant 0 : i32
      %dma_wait3A_294 = arith.constant 0 : i32
      %dma_wait3A_295 = tpu.memref_slice %arg5[%dma_wait3A_293, %dma_wait3A_294] : memref<640x64xf32, #tpu.memory_space<hbm>> -> memref<128x64xf32, #tpu.memory_space<hbm>>
      tpu.wait_dma2 semaphore(%dma_wait3A_292 : memref<!tpu.dma_semaphore, #tpu.memory_space<semaphore_mem>>) src(%dma_wait3A_295 : memref<128x64xf32, #tpu.memory_space<hbm>>) dst(%arg13 : memref<128x64xf32, #tpu.memory_space<vmem>>)
      %dma_start3A_296 = arith.constant 4 : i32
      %dma_start3A_297 = arith.constant 0 : i32
      %dma_start3A_298 = tpu.memref_slice %arg8[%add3A_286, %dma_start3A_297] : memref<80x128xi32, #tpu.memory_space<vmem>> -> memref<1x128xi32, #tpu.memory_space<vmem>>
      %dma_start3A_299 = tpu.memref_squeeze %dma_start3A_298 : memref<1x128xi32, #tpu.memory_space<vmem>> -> memref<128xi32, #tpu.memory_space<vmem>>
      %dma_start3A_300 = arith.constant 0 : i32
      %dma_start3A_301 = arith.constant 0 : i32
      %dma_start3A_302 = tpu.memref_slice %arg17[%dma_start3A_300, %dma_start3A_301] : memref<10240x64xf32, #tpu.memory_space<vmem_shared>> -> memref<10240x64xf32, #tpu.memory_space<vmem_shared>>
      %dma_start3A_303 = tpu.memref_slice %arg19[%dma_start3A_296] : memref<8x!tpu.dma_semaphore, #tpu.memory_space<semaphore_mem>> -> memref<1x!tpu.dma_semaphore, #tpu.memory_space<semaphore_mem>>
      %dma_start3A_304 = tpu.memref_squeeze %dma_start3A_303 : memref<1x!tpu.dma_semaphore, #tpu.memory_space<semaphore_mem>> -> memref<!tpu.dma_semaphore, #tpu.memory_space<semaphore_mem>>
      tpu.enqueue_indirect_dma source(%arg13 : memref<128x64xf32, #tpu.memory_space<vmem>>) target(%dma_start3A_302 : memref<10240x64xf32, #tpu.memory_space<vmem_shared>>) offsets(%dma_start3A_299 : memref<128xi32, #tpu.memory_space<vmem>>) semaphore(%dma_start3A_304 : memref<!tpu.dma_semaphore, #tpu.memory_space<semaphore_mem>>) {add = true}
      %ge3A_305 = arith.constant 4 : i32
      %ge3A_306 = arith.cmpi sge, %add3A_286, %ge3A_305 : i32
      %convert_element_type3A_307 = arith.extui %ge3A_306 : i1 to i32
      %cond3A_308 = arith.constant 0 : i32
      %cond3A_309 = arith.cmpi ne, %convert_element_type3A_307, %cond3A_308 : i32
      scf.if %cond3A_309 {
        %dma_wait3A_419 = arith.constant 0 : i32
        %dma_wait3A_420 = arith.constant 0 : i32
        %dma_wait3A_421 = arith.constant 0 : i32
        %dma_wait3A_422 = tpu.memref_slice %arg5[%dma_wait3A_420, %dma_wait3A_421] : memref<640x64xf32, #tpu.memory_space<hbm>> -> memref<128x64xf32, #tpu.memory_space<hbm>>
        %dma_wait3A_423 = tpu.memref_slice %arg19[%dma_wait3A_419] : memref<8x!tpu.dma_semaphore, #tpu.memory_space<semaphore_mem>> -> memref<1x!tpu.dma_semaphore, #tpu.memory_space<semaphore_mem>>
        %dma_wait3A_424 = tpu.memref_squeeze %dma_wait3A_423 : memref<1x!tpu.dma_semaphore, #tpu.memory_space<semaphore_mem>> -> memref<!tpu.dma_semaphore, #tpu.memory_space<semaphore_mem>>
        %dma_wait3A_425 = arith.constant 0 : i32
        %dma_wait3A_426 = arith.constant 0 : i32
        %dma_wait3A_427 = tpu.memref_slice %arg5[%dma_wait3A_425, %dma_wait3A_426] : memref<640x64xf32, #tpu.memory_space<hbm>> -> memref<128x64xf32, #tpu.memory_space<hbm>>
        tpu.wait_dma2 semaphore(%dma_wait3A_424 : memref<!tpu.dma_semaphore, #tpu.memory_space<semaphore_mem>>) src(%dma_wait3A_427 : memref<128x64xf32, #tpu.memory_space<hbm>>) dst(%arg9 : memref<128x64xf32, #tpu.memory_space<vmem>>)
      } else {
      }
      %add3A_310 = arith.constant 4 : i32
      %add3A_311 = arith.addi %add3A_286, %add3A_310 : i32
      %lt3A_312 = arith.constant 40 : i32
      %lt3A_313 = arith.cmpi slt, %add3A_311, %lt3A_312 : i32
      %convert_element_type3A_314 = arith.extui %lt3A_313 : i1 to i32
      %cond3A_315 = arith.constant 0 : i32
      %cond3A_316 = arith.cmpi ne, %convert_element_type3A_314, %cond3A_315 : i32
      scf.if %cond3A_316 {
        %add3A_419 = arith.constant 4 : i32
        %add3A_420 = arith.addi %add3A_286, %add3A_419 : i32
        %dma_start3A_421 = arith.constant 0 : i32
        %dma_start3A_422 = arith.constant 0 : i32
        %dma_start3A_423 = tpu.memref_slice %arg7[%add3A_420, %dma_start3A_422] : memref<80x128xi32, #tpu.memory_space<vmem>> -> memref<1x128xi32, #tpu.memory_space<vmem>>
        %dma_start3A_424 = tpu.memref_squeeze %dma_start3A_423 : memref<1x128xi32, #tpu.memory_space<vmem>> -> memref<128xi32, #tpu.memory_space<vmem>>
        %dma_start3A_425 = arith.constant 0 : i32
        %dma_start3A_426 = arith.constant 0 : i32
        %dma_start3A_427 = tpu.memref_slice %arg2[%dma_start3A_425, %dma_start3A_426] : memref<10240x64xf32, #tpu.memory_space<hbm>> -> memref<10240x64xf32, #tpu.memory_space<hbm>>
        %dma_start3A_428 = tpu.memref_slice %arg18[%dma_start3A_421] : memref<8x!tpu.dma_semaphore, #tpu.memory_space<semaphore_mem>> -> memref<1x!tpu.dma_semaphore, #tpu.memory_space<semaphore_mem>>
        %dma_start3A_429 = tpu.memref_squeeze %dma_start3A_428 : memref<1x!tpu.dma_semaphore, #tpu.memory_space<semaphore_mem>> -> memref<!tpu.dma_semaphore, #tpu.memory_space<semaphore_mem>>
        tpu.enqueue_indirect_dma source(%dma_start3A_427 : memref<10240x64xf32, #tpu.memory_space<hbm>>) target(%arg9 : memref<128x64xf32, #tpu.memory_space<vmem>>) offsets(%dma_start3A_424 : memref<128xi32, #tpu.memory_space<vmem>>) semaphore(%dma_start3A_429 : memref<!tpu.dma_semaphore, #tpu.memory_space<semaphore_mem>>)
      } else {
      }
      %mul3A_317 = arith.constant 8 : i32
      %mul3A_318 = arith.muli %scan3A_150, %mul3A_317 : i32
      %add3A_319 = arith.constant 5 : i32
      %add3A_320 = arith.addi %mul3A_318, %add3A_319 : i32
      %dma_wait3A_321 = arith.constant 5 : i32
      %dma_wait3A_322 = arith.constant 0 : i32
      %dma_wait3A_323 = arith.constant 0 : i32
      %dma_wait3A_324 = tpu.memref_slice %arg5[%dma_wait3A_322, %dma_wait3A_323] : memref<640x64xf32, #tpu.memory_space<hbm>> -> memref<128x64xf32, #tpu.memory_space<hbm>>
      %dma_wait3A_325 = tpu.memref_slice %arg18[%dma_wait3A_321] : memref<8x!tpu.dma_semaphore, #tpu.memory_space<semaphore_mem>> -> memref<1x!tpu.dma_semaphore, #tpu.memory_space<semaphore_mem>>
      %dma_wait3A_326 = tpu.memref_squeeze %dma_wait3A_325 : memref<1x!tpu.dma_semaphore, #tpu.memory_space<semaphore_mem>> -> memref<!tpu.dma_semaphore, #tpu.memory_space<semaphore_mem>>
      %dma_wait3A_327 = arith.constant 0 : i32
      %dma_wait3A_328 = arith.constant 0 : i32
      %dma_wait3A_329 = tpu.memref_slice %arg5[%dma_wait3A_327, %dma_wait3A_328] : memref<640x64xf32, #tpu.memory_space<hbm>> -> memref<128x64xf32, #tpu.memory_space<hbm>>
      tpu.wait_dma2 semaphore(%dma_wait3A_326 : memref<!tpu.dma_semaphore, #tpu.memory_space<semaphore_mem>>) src(%dma_wait3A_329 : memref<128x64xf32, #tpu.memory_space<hbm>>) dst(%arg14 : memref<128x64xf32, #tpu.memory_space<vmem>>)
      %dma_start3A_330 = arith.constant 5 : i32
      %dma_start3A_331 = arith.constant 0 : i32
      %dma_start3A_332 = tpu.memref_slice %arg8[%add3A_320, %dma_start3A_331] : memref<80x128xi32, #tpu.memory_space<vmem>> -> memref<1x128xi32, #tpu.memory_space<vmem>>
      %dma_start3A_333 = tpu.memref_squeeze %dma_start3A_332 : memref<1x128xi32, #tpu.memory_space<vmem>> -> memref<128xi32, #tpu.memory_space<vmem>>
      %dma_start3A_334 = arith.constant 0 : i32
      %dma_start3A_335 = arith.constant 0 : i32
      %dma_start3A_336 = tpu.memref_slice %arg17[%dma_start3A_334, %dma_start3A_335] : memref<10240x64xf32, #tpu.memory_space<vmem_shared>> -> memref<10240x64xf32, #tpu.memory_space<vmem_shared>>
      %dma_start3A_337 = tpu.memref_slice %arg19[%dma_start3A_330] : memref<8x!tpu.dma_semaphore, #tpu.memory_space<semaphore_mem>> -> memref<1x!tpu.dma_semaphore, #tpu.memory_space<semaphore_mem>>
      %dma_start3A_338 = tpu.memref_squeeze %dma_start3A_337 : memref<1x!tpu.dma_semaphore, #tpu.memory_space<semaphore_mem>> -> memref<!tpu.dma_semaphore, #tpu.memory_space<semaphore_mem>>
      tpu.enqueue_indirect_dma source(%arg14 : memref<128x64xf32, #tpu.memory_space<vmem>>) target(%dma_start3A_336 : memref<10240x64xf32, #tpu.memory_space<vmem_shared>>) offsets(%dma_start3A_333 : memref<128xi32, #tpu.memory_space<vmem>>) semaphore(%dma_start3A_338 : memref<!tpu.dma_semaphore, #tpu.memory_space<semaphore_mem>>) {add = true}
      %ge3A_339 = arith.constant 4 : i32
      %ge3A_340 = arith.cmpi sge, %add3A_320, %ge3A_339 : i32
      %convert_element_type3A_341 = arith.extui %ge3A_340 : i1 to i32
      %cond3A_342 = arith.constant 0 : i32
      %cond3A_343 = arith.cmpi ne, %convert_element_type3A_341, %cond3A_342 : i32
      scf.if %cond3A_343 {
        %dma_wait3A_419 = arith.constant 1 : i32
        %dma_wait3A_420 = arith.constant 0 : i32
        %dma_wait3A_421 = arith.constant 0 : i32
        %dma_wait3A_422 = tpu.memref_slice %arg5[%dma_wait3A_420, %dma_wait3A_421] : memref<640x64xf32, #tpu.memory_space<hbm>> -> memref<128x64xf32, #tpu.memory_space<hbm>>
        %dma_wait3A_423 = tpu.memref_slice %arg19[%dma_wait3A_419] : memref<8x!tpu.dma_semaphore, #tpu.memory_space<semaphore_mem>> -> memref<1x!tpu.dma_semaphore, #tpu.memory_space<semaphore_mem>>
        %dma_wait3A_424 = tpu.memref_squeeze %dma_wait3A_423 : memref<1x!tpu.dma_semaphore, #tpu.memory_space<semaphore_mem>> -> memref<!tpu.dma_semaphore, #tpu.memory_space<semaphore_mem>>
        %dma_wait3A_425 = arith.constant 0 : i32
        %dma_wait3A_426 = arith.constant 0 : i32
        %dma_wait3A_427 = tpu.memref_slice %arg5[%dma_wait3A_425, %dma_wait3A_426] : memref<640x64xf32, #tpu.memory_space<hbm>> -> memref<128x64xf32, #tpu.memory_space<hbm>>
        tpu.wait_dma2 semaphore(%dma_wait3A_424 : memref<!tpu.dma_semaphore, #tpu.memory_space<semaphore_mem>>) src(%dma_wait3A_427 : memref<128x64xf32, #tpu.memory_space<hbm>>) dst(%arg10 : memref<128x64xf32, #tpu.memory_space<vmem>>)
      } else {
      }
      %add3A_344 = arith.constant 4 : i32
      %add3A_345 = arith.addi %add3A_320, %add3A_344 : i32
      %lt3A_346 = arith.constant 40 : i32
      %lt3A_347 = arith.cmpi slt, %add3A_345, %lt3A_346 : i32
      %convert_element_type3A_348 = arith.extui %lt3A_347 : i1 to i32
      %cond3A_349 = arith.constant 0 : i32
      %cond3A_350 = arith.cmpi ne, %convert_element_type3A_348, %cond3A_349 : i32
      scf.if %cond3A_350 {
        %add3A_419 = arith.constant 4 : i32
        %add3A_420 = arith.addi %add3A_320, %add3A_419 : i32
        %dma_start3A_421 = arith.constant 1 : i32
        %dma_start3A_422 = arith.constant 0 : i32
        %dma_start3A_423 = tpu.memref_slice %arg7[%add3A_420, %dma_start3A_422] : memref<80x128xi32, #tpu.memory_space<vmem>> -> memref<1x128xi32, #tpu.memory_space<vmem>>
        %dma_start3A_424 = tpu.memref_squeeze %dma_start3A_423 : memref<1x128xi32, #tpu.memory_space<vmem>> -> memref<128xi32, #tpu.memory_space<vmem>>
        %dma_start3A_425 = arith.constant 0 : i32
        %dma_start3A_426 = arith.constant 0 : i32
        %dma_start3A_427 = tpu.memref_slice %arg2[%dma_start3A_425, %dma_start3A_426] : memref<10240x64xf32, #tpu.memory_space<hbm>> -> memref<10240x64xf32, #tpu.memory_space<hbm>>
        %dma_start3A_428 = tpu.memref_slice %arg18[%dma_start3A_421] : memref<8x!tpu.dma_semaphore, #tpu.memory_space<semaphore_mem>> -> memref<1x!tpu.dma_semaphore, #tpu.memory_space<semaphore_mem>>
        %dma_start3A_429 = tpu.memref_squeeze %dma_start3A_428 : memref<1x!tpu.dma_semaphore, #tpu.memory_space<semaphore_mem>> -> memref<!tpu.dma_semaphore, #tpu.memory_space<semaphore_mem>>
        tpu.enqueue_indirect_dma source(%dma_start3A_427 : memref<10240x64xf32, #tpu.memory_space<hbm>>) target(%arg10 : memref<128x64xf32, #tpu.memory_space<vmem>>) offsets(%dma_start3A_424 : memref<128xi32, #tpu.memory_space<vmem>>) semaphore(%dma_start3A_429 : memref<!tpu.dma_semaphore, #tpu.memory_space<semaphore_mem>>)
      } else {
      }
      %mul3A_351 = arith.constant 8 : i32
      %mul3A_352 = arith.muli %scan3A_150, %mul3A_351 : i32
      %add3A_353 = arith.constant 6 : i32
      %add3A_354 = arith.addi %mul3A_352, %add3A_353 : i32
      %dma_wait3A_355 = arith.constant 6 : i32
      %dma_wait3A_356 = arith.constant 0 : i32
      %dma_wait3A_357 = arith.constant 0 : i32
      %dma_wait3A_358 = tpu.memref_slice %arg5[%dma_wait3A_356, %dma_wait3A_357] : memref<640x64xf32, #tpu.memory_space<hbm>> -> memref<128x64xf32, #tpu.memory_space<hbm>>
      %dma_wait3A_359 = tpu.memref_slice %arg18[%dma_wait3A_355] : memref<8x!tpu.dma_semaphore, #tpu.memory_space<semaphore_mem>> -> memref<1x!tpu.dma_semaphore, #tpu.memory_space<semaphore_mem>>
      %dma_wait3A_360 = tpu.memref_squeeze %dma_wait3A_359 : memref<1x!tpu.dma_semaphore, #tpu.memory_space<semaphore_mem>> -> memref<!tpu.dma_semaphore, #tpu.memory_space<semaphore_mem>>
      %dma_wait3A_361 = arith.constant 0 : i32
      %dma_wait3A_362 = arith.constant 0 : i32
      %dma_wait3A_363 = tpu.memref_slice %arg5[%dma_wait3A_361, %dma_wait3A_362] : memref<640x64xf32, #tpu.memory_space<hbm>> -> memref<128x64xf32, #tpu.memory_space<hbm>>
      tpu.wait_dma2 semaphore(%dma_wait3A_360 : memref<!tpu.dma_semaphore, #tpu.memory_space<semaphore_mem>>) src(%dma_wait3A_363 : memref<128x64xf32, #tpu.memory_space<hbm>>) dst(%arg15 : memref<128x64xf32, #tpu.memory_space<vmem>>)
      %dma_start3A_364 = arith.constant 6 : i32
      %dma_start3A_365 = arith.constant 0 : i32
      %dma_start3A_366 = tpu.memref_slice %arg8[%add3A_354, %dma_start3A_365] : memref<80x128xi32, #tpu.memory_space<vmem>> -> memref<1x128xi32, #tpu.memory_space<vmem>>
      %dma_start3A_367 = tpu.memref_squeeze %dma_start3A_366 : memref<1x128xi32, #tpu.memory_space<vmem>> -> memref<128xi32, #tpu.memory_space<vmem>>
      %dma_start3A_368 = arith.constant 0 : i32
      %dma_start3A_369 = arith.constant 0 : i32
      %dma_start3A_370 = tpu.memref_slice %arg17[%dma_start3A_368, %dma_start3A_369] : memref<10240x64xf32, #tpu.memory_space<vmem_shared>> -> memref<10240x64xf32, #tpu.memory_space<vmem_shared>>
      %dma_start3A_371 = tpu.memref_slice %arg19[%dma_start3A_364] : memref<8x!tpu.dma_semaphore, #tpu.memory_space<semaphore_mem>> -> memref<1x!tpu.dma_semaphore, #tpu.memory_space<semaphore_mem>>
      %dma_start3A_372 = tpu.memref_squeeze %dma_start3A_371 : memref<1x!tpu.dma_semaphore, #tpu.memory_space<semaphore_mem>> -> memref<!tpu.dma_semaphore, #tpu.memory_space<semaphore_mem>>
      tpu.enqueue_indirect_dma source(%arg15 : memref<128x64xf32, #tpu.memory_space<vmem>>) target(%dma_start3A_370 : memref<10240x64xf32, #tpu.memory_space<vmem_shared>>) offsets(%dma_start3A_367 : memref<128xi32, #tpu.memory_space<vmem>>) semaphore(%dma_start3A_372 : memref<!tpu.dma_semaphore, #tpu.memory_space<semaphore_mem>>) {add = true}
      %ge3A_373 = arith.constant 4 : i32
      %ge3A_374 = arith.cmpi sge, %add3A_354, %ge3A_373 : i32
      %convert_element_type3A_375 = arith.extui %ge3A_374 : i1 to i32
      %cond3A_376 = arith.constant 0 : i32
      %cond3A_377 = arith.cmpi ne, %convert_element_type3A_375, %cond3A_376 : i32
      scf.if %cond3A_377 {
        %dma_wait3A_419 = arith.constant 2 : i32
        %dma_wait3A_420 = arith.constant 0 : i32
        %dma_wait3A_421 = arith.constant 0 : i32
        %dma_wait3A_422 = tpu.memref_slice %arg5[%dma_wait3A_420, %dma_wait3A_421] : memref<640x64xf32, #tpu.memory_space<hbm>> -> memref<128x64xf32, #tpu.memory_space<hbm>>
        %dma_wait3A_423 = tpu.memref_slice %arg19[%dma_wait3A_419] : memref<8x!tpu.dma_semaphore, #tpu.memory_space<semaphore_mem>> -> memref<1x!tpu.dma_semaphore, #tpu.memory_space<semaphore_mem>>
        %dma_wait3A_424 = tpu.memref_squeeze %dma_wait3A_423 : memref<1x!tpu.dma_semaphore, #tpu.memory_space<semaphore_mem>> -> memref<!tpu.dma_semaphore, #tpu.memory_space<semaphore_mem>>
        %dma_wait3A_425 = arith.constant 0 : i32
        %dma_wait3A_426 = arith.constant 0 : i32
        %dma_wait3A_427 = tpu.memref_slice %arg5[%dma_wait3A_425, %dma_wait3A_426] : memref<640x64xf32, #tpu.memory_space<hbm>> -> memref<128x64xf32, #tpu.memory_space<hbm>>
        tpu.wait_dma2 semaphore(%dma_wait3A_424 : memref<!tpu.dma_semaphore, #tpu.memory_space<semaphore_mem>>) src(%dma_wait3A_427 : memref<128x64xf32, #tpu.memory_space<hbm>>) dst(%arg11 : memref<128x64xf32, #tpu.memory_space<vmem>>)
      } else {
      }
      %add3A_378 = arith.constant 4 : i32
      %add3A_379 = arith.addi %add3A_354, %add3A_378 : i32
      %lt3A_380 = arith.constant 40 : i32
      %lt3A_381 = arith.cmpi slt, %add3A_379, %lt3A_380 : i32
      %convert_element_type3A_382 = arith.extui %lt3A_381 : i1 to i32
      %cond3A_383 = arith.constant 0 : i32
      %cond3A_384 = arith.cmpi ne, %convert_element_type3A_382, %cond3A_383 : i32
      scf.if %cond3A_384 {
        %add3A_419 = arith.constant 4 : i32
        %add3A_420 = arith.addi %add3A_354, %add3A_419 : i32
        %dma_start3A_421 = arith.constant 2 : i32
        %dma_start3A_422 = arith.constant 0 : i32
        %dma_start3A_423 = tpu.memref_slice %arg7[%add3A_420, %dma_start3A_422] : memref<80x128xi32, #tpu.memory_space<vmem>> -> memref<1x128xi32, #tpu.memory_space<vmem>>
        %dma_start3A_424 = tpu.memref_squeeze %dma_start3A_423 : memref<1x128xi32, #tpu.memory_space<vmem>> -> memref<128xi32, #tpu.memory_space<vmem>>
        %dma_start3A_425 = arith.constant 0 : i32
        %dma_start3A_426 = arith.constant 0 : i32
        %dma_start3A_427 = tpu.memref_slice %arg2[%dma_start3A_425, %dma_start3A_426] : memref<10240x64xf32, #tpu.memory_space<hbm>> -> memref<10240x64xf32, #tpu.memory_space<hbm>>
        %dma_start3A_428 = tpu.memref_slice %arg18[%dma_start3A_421] : memref<8x!tpu.dma_semaphore, #tpu.memory_space<semaphore_mem>> -> memref<1x!tpu.dma_semaphore, #tpu.memory_space<semaphore_mem>>
        %dma_start3A_429 = tpu.memref_squeeze %dma_start3A_428 : memref<1x!tpu.dma_semaphore, #tpu.memory_space<semaphore_mem>> -> memref<!tpu.dma_semaphore, #tpu.memory_space<semaphore_mem>>
        tpu.enqueue_indirect_dma source(%dma_start3A_427 : memref<10240x64xf32, #tpu.memory_space<hbm>>) target(%arg11 : memref<128x64xf32, #tpu.memory_space<vmem>>) offsets(%dma_start3A_424 : memref<128xi32, #tpu.memory_space<vmem>>) semaphore(%dma_start3A_429 : memref<!tpu.dma_semaphore, #tpu.memory_space<semaphore_mem>>)
      } else {
      }
      %mul3A_385 = arith.constant 8 : i32
      %mul3A_386 = arith.muli %scan3A_150, %mul3A_385 : i32
      %add3A_387 = arith.constant 7 : i32
      %add3A_388 = arith.addi %mul3A_386, %add3A_387 : i32
      %dma_wait3A_389 = arith.constant 7 : i32
      %dma_wait3A_390 = arith.constant 0 : i32
      %dma_wait3A_391 = arith.constant 0 : i32
      %dma_wait3A_392 = tpu.memref_slice %arg5[%dma_wait3A_390, %dma_wait3A_391] : memref<640x64xf32, #tpu.memory_space<hbm>> -> memref<128x64xf32, #tpu.memory_space<hbm>>
      %dma_wait3A_393 = tpu.memref_slice %arg18[%dma_wait3A_389] : memref<8x!tpu.dma_semaphore, #tpu.memory_space<semaphore_mem>> -> memref<1x!tpu.dma_semaphore, #tpu.memory_space<semaphore_mem>>
      %dma_wait3A_394 = tpu.memref_squeeze %dma_wait3A_393 : memref<1x!tpu.dma_semaphore, #tpu.memory_space<semaphore_mem>> -> memref<!tpu.dma_semaphore, #tpu.memory_space<semaphore_mem>>
      %dma_wait3A_395 = arith.constant 0 : i32
      %dma_wait3A_396 = arith.constant 0 : i32
      %dma_wait3A_397 = tpu.memref_slice %arg5[%dma_wait3A_395, %dma_wait3A_396] : memref<640x64xf32, #tpu.memory_space<hbm>> -> memref<128x64xf32, #tpu.memory_space<hbm>>
      tpu.wait_dma2 semaphore(%dma_wait3A_394 : memref<!tpu.dma_semaphore, #tpu.memory_space<semaphore_mem>>) src(%dma_wait3A_397 : memref<128x64xf32, #tpu.memory_space<hbm>>) dst(%arg16 : memref<128x64xf32, #tpu.memory_space<vmem>>)
      %dma_start3A_398 = arith.constant 7 : i32
      %dma_start3A_399 = arith.constant 0 : i32
      %dma_start3A_400 = tpu.memref_slice %arg8[%add3A_388, %dma_start3A_399] : memref<80x128xi32, #tpu.memory_space<vmem>> -> memref<1x128xi32, #tpu.memory_space<vmem>>
      %dma_start3A_401 = tpu.memref_squeeze %dma_start3A_400 : memref<1x128xi32, #tpu.memory_space<vmem>> -> memref<128xi32, #tpu.memory_space<vmem>>
      %dma_start3A_402 = arith.constant 0 : i32
      %dma_start3A_403 = arith.constant 0 : i32
      %dma_start3A_404 = tpu.memref_slice %arg17[%dma_start3A_402, %dma_start3A_403] : memref<10240x64xf32, #tpu.memory_space<vmem_shared>> -> memref<10240x64xf32, #tpu.memory_space<vmem_shared>>
      %dma_start3A_405 = tpu.memref_slice %arg19[%dma_start3A_398] : memref<8x!tpu.dma_semaphore, #tpu.memory_space<semaphore_mem>> -> memref<1x!tpu.dma_semaphore, #tpu.memory_space<semaphore_mem>>
      %dma_start3A_406 = tpu.memref_squeeze %dma_start3A_405 : memref<1x!tpu.dma_semaphore, #tpu.memory_space<semaphore_mem>> -> memref<!tpu.dma_semaphore, #tpu.memory_space<semaphore_mem>>
      tpu.enqueue_indirect_dma source(%arg16 : memref<128x64xf32, #tpu.memory_space<vmem>>) target(%dma_start3A_404 : memref<10240x64xf32, #tpu.memory_space<vmem_shared>>) offsets(%dma_start3A_401 : memref<128xi32, #tpu.memory_space<vmem>>) semaphore(%dma_start3A_406 : memref<!tpu.dma_semaphore, #tpu.memory_space<semaphore_mem>>) {add = true}
      %ge3A_407 = arith.constant 4 : i32
      %ge3A_408 = arith.cmpi sge, %add3A_388, %ge3A_407 : i32
      %convert_element_type3A_409 = arith.extui %ge3A_408 : i1 to i32
      %cond3A_410 = arith.constant 0 : i32
      %cond3A_411 = arith.cmpi ne, %convert_element_type3A_409, %cond3A_410 : i32
      scf.if %cond3A_411 {
        %dma_wait3A_419 = arith.constant 3 : i32
        %dma_wait3A_420 = arith.constant 0 : i32
        %dma_wait3A_421 = arith.constant 0 : i32
        %dma_wait3A_422 = tpu.memref_slice %arg5[%dma_wait3A_420, %dma_wait3A_421] : memref<640x64xf32, #tpu.memory_space<hbm>> -> memref<128x64xf32, #tpu.memory_space<hbm>>
        %dma_wait3A_423 = tpu.memref_slice %arg19[%dma_wait3A_419] : memref<8x!tpu.dma_semaphore, #tpu.memory_space<semaphore_mem>> -> memref<1x!tpu.dma_semaphore, #tpu.memory_space<semaphore_mem>>
        %dma_wait3A_424 = tpu.memref_squeeze %dma_wait3A_423 : memref<1x!tpu.dma_semaphore, #tpu.memory_space<semaphore_mem>> -> memref<!tpu.dma_semaphore, #tpu.memory_space<semaphore_mem>>
        %dma_wait3A_425 = arith.constant 0 : i32
        %dma_wait3A_426 = arith.constant 0 : i32
        %dma_wait3A_427 = tpu.memref_slice %arg5[%dma_wait3A_425, %dma_wait3A_426] : memref<640x64xf32, #tpu.memory_space<hbm>> -> memref<128x64xf32, #tpu.memory_space<hbm>>
        tpu.wait_dma2 semaphore(%dma_wait3A_424 : memref<!tpu.dma_semaphore, #tpu.memory_space<semaphore_mem>>) src(%dma_wait3A_427 : memref<128x64xf32, #tpu.memory_space<hbm>>) dst(%arg12 : memref<128x64xf32, #tpu.memory_space<vmem>>)
      } else {
      }
      %add3A_412 = arith.constant 4 : i32
      %add3A_413 = arith.addi %add3A_388, %add3A_412 : i32
      %lt3A_414 = arith.constant 40 : i32
      %lt3A_415 = arith.cmpi slt, %add3A_413, %lt3A_414 : i32
      %convert_element_type3A_416 = arith.extui %lt3A_415 : i1 to i32
      %cond3A_417 = arith.constant 0 : i32
      %cond3A_418 = arith.cmpi ne, %convert_element_type3A_416, %cond3A_417 : i32
      scf.if %cond3A_418 {
        %add3A_419 = arith.constant 4 : i32
        %add3A_420 = arith.addi %add3A_388, %add3A_419 : i32
        %dma_start3A_421 = arith.constant 3 : i32
        %dma_start3A_422 = arith.constant 0 : i32
        %dma_start3A_423 = tpu.memref_slice %arg7[%add3A_420, %dma_start3A_422] : memref<80x128xi32, #tpu.memory_space<vmem>> -> memref<1x128xi32, #tpu.memory_space<vmem>>
        %dma_start3A_424 = tpu.memref_squeeze %dma_start3A_423 : memref<1x128xi32, #tpu.memory_space<vmem>> -> memref<128xi32, #tpu.memory_space<vmem>>
        %dma_start3A_425 = arith.constant 0 : i32
        %dma_start3A_426 = arith.constant 0 : i32
        %dma_start3A_427 = tpu.memref_slice %arg2[%dma_start3A_425, %dma_start3A_426] : memref<10240x64xf32, #tpu.memory_space<hbm>> -> memref<10240x64xf32, #tpu.memory_space<hbm>>
        %dma_start3A_428 = tpu.memref_slice %arg18[%dma_start3A_421] : memref<8x!tpu.dma_semaphore, #tpu.memory_space<semaphore_mem>> -> memref<1x!tpu.dma_semaphore, #tpu.memory_space<semaphore_mem>>
        %dma_start3A_429 = tpu.memref_squeeze %dma_start3A_428 : memref<1x!tpu.dma_semaphore, #tpu.memory_space<semaphore_mem>> -> memref<!tpu.dma_semaphore, #tpu.memory_space<semaphore_mem>>
        tpu.enqueue_indirect_dma source(%dma_start3A_427 : memref<10240x64xf32, #tpu.memory_space<hbm>>) target(%arg12 : memref<128x64xf32, #tpu.memory_space<vmem>>) offsets(%dma_start3A_424 : memref<128xi32, #tpu.memory_space<vmem>>) semaphore(%dma_start3A_429 : memref<!tpu.dma_semaphore, #tpu.memory_space<semaphore_mem>>)
      } else {
      }
    }
    %scan3A_66 = arith.constant 5 : i32
    %dma_wait3A = arith.constant 4 : i32
    %dma_wait3A_67 = arith.constant 0 : i32
    %dma_wait3A_68 = arith.constant 0 : i32
    %dma_wait3A_69 = tpu.memref_slice %arg5[%dma_wait3A_67, %dma_wait3A_68] : memref<640x64xf32, #tpu.memory_space<hbm>> -> memref<128x64xf32, #tpu.memory_space<hbm>>
    %dma_wait3A_70 = tpu.memref_slice %arg19[%dma_wait3A] : memref<8x!tpu.dma_semaphore, #tpu.memory_space<semaphore_mem>> -> memref<1x!tpu.dma_semaphore, #tpu.memory_space<semaphore_mem>>
    %dma_wait3A_71 = tpu.memref_squeeze %dma_wait3A_70 : memref<1x!tpu.dma_semaphore, #tpu.memory_space<semaphore_mem>> -> memref<!tpu.dma_semaphore, #tpu.memory_space<semaphore_mem>>
    %dma_wait3A_72 = arith.constant 0 : i32
    %dma_wait3A_73 = arith.constant 0 : i32
    %dma_wait3A_74 = tpu.memref_slice %arg5[%dma_wait3A_72, %dma_wait3A_73] : memref<640x64xf32, #tpu.memory_space<hbm>> -> memref<128x64xf32, #tpu.memory_space<hbm>>
    tpu.wait_dma2 semaphore(%dma_wait3A_71 : memref<!tpu.dma_semaphore, #tpu.memory_space<semaphore_mem>>) src(%dma_wait3A_74 : memref<128x64xf32, #tpu.memory_space<hbm>>) dst(%arg13 : memref<128x64xf32, #tpu.memory_space<vmem>>)
    %dma_wait3A_75 = arith.constant 5 : i32
    %dma_wait3A_76 = arith.constant 0 : i32
    %dma_wait3A_77 = arith.constant 0 : i32
    %dma_wait3A_78 = tpu.memref_slice %arg5[%dma_wait3A_76, %dma_wait3A_77] : memref<640x64xf32, #tpu.memory_space<hbm>> -> memref<128x64xf32, #tpu.memory_space<hbm>>
    %dma_wait3A_79 = tpu.memref_slice %arg19[%dma_wait3A_75] : memref<8x!tpu.dma_semaphore, #tpu.memory_space<semaphore_mem>> -> memref<1x!tpu.dma_semaphore, #tpu.memory_space<semaphore_mem>>
    %dma_wait3A_80 = tpu.memref_squeeze %dma_wait3A_79 : memref<1x!tpu.dma_semaphore, #tpu.memory_space<semaphore_mem>> -> memref<!tpu.dma_semaphore, #tpu.memory_space<semaphore_mem>>
    %dma_wait3A_81 = arith.constant 0 : i32
    %dma_wait3A_82 = arith.constant 0 : i32
    %dma_wait3A_83 = tpu.memref_slice %arg5[%dma_wait3A_81, %dma_wait3A_82] : memref<640x64xf32, #tpu.memory_space<hbm>> -> memref<128x64xf32, #tpu.memory_space<hbm>>
    tpu.wait_dma2 semaphore(%dma_wait3A_80 : memref<!tpu.dma_semaphore, #tpu.memory_space<semaphore_mem>>) src(%dma_wait3A_83 : memref<128x64xf32, #tpu.memory_space<hbm>>) dst(%arg14 : memref<128x64xf32, #tpu.memory_space<vmem>>)
    %dma_wait3A_84 = arith.constant 6 : i32
    %dma_wait3A_85 = arith.constant 0 : i32
    %dma_wait3A_86 = arith.constant 0 : i32
    %dma_wait3A_87 = tpu.memref_slice %arg5[%dma_wait3A_85, %dma_wait3A_86] : memref<640x64xf32, #tpu.memory_space<hbm>> -> memref<128x64xf32, #tpu.memory_space<hbm>>
    %dma_wait3A_88 = tpu.memref_slice %arg19[%dma_wait3A_84] : memref<8x!tpu.dma_semaphore, #tpu.memory_space<semaphore_mem>> -> memref<1x!tpu.dma_semaphore, #tpu.memory_space<semaphore_mem>>
    %dma_wait3A_89 = tpu.memref_squeeze %dma_wait3A_88 : memref<1x!tpu.dma_semaphore, #tpu.memory_space<semaphore_mem>> -> memref<!tpu.dma_semaphore, #tpu.memory_space<semaphore_mem>>
    %dma_wait3A_90 = arith.constant 0 : i32
    %dma_wait3A_91 = arith.constant 0 : i32
    %dma_wait3A_92 = tpu.memref_slice %arg5[%dma_wait3A_90, %dma_wait3A_91] : memref<640x64xf32, #tpu.memory_space<hbm>> -> memref<128x64xf32, #tpu.memory_space<hbm>>
    tpu.wait_dma2 semaphore(%dma_wait3A_89 : memref<!tpu.dma_semaphore, #tpu.memory_space<semaphore_mem>>) src(%dma_wait3A_92 : memref<128x64xf32, #tpu.memory_space<hbm>>) dst(%arg15 : memref<128x64xf32, #tpu.memory_space<vmem>>)
    %dma_wait3A_93 = arith.constant 7 : i32
    %dma_wait3A_94 = arith.constant 0 : i32
    %dma_wait3A_95 = arith.constant 0 : i32
    %dma_wait3A_96 = tpu.memref_slice %arg5[%dma_wait3A_94, %dma_wait3A_95] : memref<640x64xf32, #tpu.memory_space<hbm>> -> memref<128x64xf32, #tpu.memory_space<hbm>>
    %dma_wait3A_97 = tpu.memref_slice %arg19[%dma_wait3A_93] : memref<8x!tpu.dma_semaphore, #tpu.memory_space<semaphore_mem>> -> memref<1x!tpu.dma_semaphore, #tpu.memory_space<semaphore_mem>>
    %dma_wait3A_98 = tpu.memref_squeeze %dma_wait3A_97 : memref<1x!tpu.dma_semaphore, #tpu.memory_space<semaphore_mem>> -> memref<!tpu.dma_semaphore, #tpu.memory_space<semaphore_mem>>
    %dma_wait3A_99 = arith.constant 0 : i32
    %dma_wait3A_100 = arith.constant 0 : i32
    %dma_wait3A_101 = tpu.memref_slice %arg5[%dma_wait3A_99, %dma_wait3A_100] : memref<640x64xf32, #tpu.memory_space<hbm>> -> memref<128x64xf32, #tpu.memory_space<hbm>>
    tpu.wait_dma2 semaphore(%dma_wait3A_98 : memref<!tpu.dma_semaphore, #tpu.memory_space<semaphore_mem>>) src(%dma_wait3A_101 : memref<128x64xf32, #tpu.memory_space<hbm>>) dst(%arg16 : memref<128x64xf32, #tpu.memory_space<vmem>>)
    %barrier3A_102 = arith.constant 0 : index
    tpu.barrier barrier_id(%barrier3A_102)
    %mul3A_103 = arith.constant 10240 : i32
    %mul3A_104 = arith.muli %arg0, %mul3A_103 : i32
    %mul3A_105 = arith.constant 640 : i32
    %mul3A_106 = arith.muli %arg1, %mul3A_105 : i32
    %add3A_107 = arith.constant 0 : i32
    %add3A_108 = arith.addi %mul3A_106, %add3A_107 : i32
    "tpu.region"() ({
      %run_scoped3A_150 = tpu.sem_alloc : memref<!tpu.dma_semaphore, #tpu.memory_space<semaphore_mem>>
      %dma_start3A_151 = arith.constant 0 : i32
      %dma_start3A_152 = tpu.memref_slice %arg17[%add3A_108, %dma_start3A_151] : memref<10240x64xf32, #tpu.memory_space<vmem_shared>> -> memref<128x64xf32, #tpu.memory_space<vmem_shared>>
      %dma_start3A_153 = arith.constant 0 : i32
      %dma_start3A_154 = tpu.memref_slice %arg17[%add3A_108, %dma_start3A_153] : memref<10240x64xf32, #tpu.memory_space<vmem_shared>> -> memref<128x64xf32, #tpu.memory_space<vmem_shared>>
      tpu.enqueue_dma source(%dma_start3A_154 : memref<128x64xf32, #tpu.memory_space<vmem_shared>>) target(%arg9 : memref<128x64xf32, #tpu.memory_space<vmem>>) target_semaphore(%run_scoped3A_150 : memref<!tpu.dma_semaphore, #tpu.memory_space<semaphore_mem>>)
      %dma_wait3A_155 = arith.constant 0 : i32
      %dma_wait3A_156 = tpu.memref_slice %arg17[%add3A_108, %dma_wait3A_155] : memref<10240x64xf32, #tpu.memory_space<vmem_shared>> -> memref<128x64xf32, #tpu.memory_space<vmem_shared>>
      %dma_wait3A_157 = arith.constant 0 : i32
      %dma_wait3A_158 = tpu.memref_slice %arg17[%add3A_108, %dma_wait3A_157] : memref<10240x64xf32, #tpu.memory_space<vmem_shared>> -> memref<128x64xf32, #tpu.memory_space<vmem_shared>>
      tpu.wait_dma2 semaphore(%run_scoped3A_150 : memref<!tpu.dma_semaphore, #tpu.memory_space<semaphore_mem>>) src(%dma_wait3A_158 : memref<128x64xf32, #tpu.memory_space<vmem_shared>>) dst(%arg9 : memref<128x64xf32, #tpu.memory_space<vmem>>)
      tpu.yield
    }) : () -> ()
    %mul3A_109 = arith.constant 640 : i32
    %mul3A_110 = arith.muli %arg1, %mul3A_109 : i32
    %add3A_111 = arith.addi %mul3A_104, %mul3A_110 : i32
    %add3A_112 = arith.constant 0 : i32
    %add3A_113 = arith.addi %add3A_111, %add3A_112 : i32
    "tpu.region"() ({
      %run_scoped3A_150 = tpu.sem_alloc : memref<!tpu.dma_semaphore, #tpu.memory_space<semaphore_mem>>
      %dma_start3A_151 = arith.constant 0 : i32
      %dma_start3A_152 = tpu.memref_slice %arg6[%add3A_113, %dma_start3A_151] : memref<20480x64xf32, #tpu.memory_space<hbm>> -> memref<128x64xf32, #tpu.memory_space<hbm>>
      %dma_start3A_153 = arith.constant 0 : i32
      %dma_start3A_154 = tpu.memref_slice %arg6[%add3A_113, %dma_start3A_153] : memref<20480x64xf32, #tpu.memory_space<hbm>> -> memref<128x64xf32, #tpu.memory_space<hbm>>
      tpu.enqueue_dma source(%arg9 : memref<128x64xf32, #tpu.memory_space<vmem>>) target(%dma_start3A_154 : memref<128x64xf32, #tpu.memory_space<hbm>>) target_semaphore(%run_scoped3A_150 : memref<!tpu.dma_semaphore, #tpu.memory_space<semaphore_mem>>)
      %dma_wait3A_155 = arith.constant 0 : i32
      %dma_wait3A_156 = tpu.memref_slice %arg6[%add3A_113, %dma_wait3A_155] : memref<20480x64xf32, #tpu.memory_space<hbm>> -> memref<128x64xf32, #tpu.memory_space<hbm>>
      %dma_wait3A_157 = arith.constant 0 : i32
      %dma_wait3A_158 = tpu.memref_slice %arg6[%add3A_113, %dma_wait3A_157] : memref<20480x64xf32, #tpu.memory_space<hbm>> -> memref<128x64xf32, #tpu.memory_space<hbm>>
      tpu.wait_dma2 semaphore(%run_scoped3A_150 : memref<!tpu.dma_semaphore, #tpu.memory_space<semaphore_mem>>) src(%arg9 : memref<128x64xf32, #tpu.memory_space<vmem>>) dst(%dma_wait3A_158 : memref<128x64xf32, #tpu.memory_space<hbm>>)
      tpu.yield
    }) : () -> ()
    %mul3A_114 = arith.constant 640 : i32
    %mul3A_115 = arith.muli %arg1, %mul3A_114 : i32
    %add3A_116 = arith.constant 128 : i32
    %add3A_117 = arith.addi %mul3A_115, %add3A_116 : i32
    "tpu.region"() ({
      %run_scoped3A_150 = tpu.sem_alloc : memref<!tpu.dma_semaphore, #tpu.memory_space<semaphore_mem>>
      %dma_start3A_151 = arith.constant 0 : i32
      %dma_start3A_152 = tpu.memref_slice %arg17[%add3A_117, %dma_start3A_151] : memref<10240x64xf32, #tpu.memory_space<vmem_shared>> -> memref<128x64xf32, #tpu.memory_space<vmem_shared>>
      %dma_start3A_153 = arith.constant 0 : i32
      %dma_start3A_154 = tpu.memref_slice %arg17[%add3A_117, %dma_start3A_153] : memref<10240x64xf32, #tpu.memory_space<vmem_shared>> -> memref<128x64xf32, #tpu.memory_space<vmem_shared>>
      tpu.enqueue_dma source(%dma_start3A_154 : memref<128x64xf32, #tpu.memory_space<vmem_shared>>) target(%arg9 : memref<128x64xf32, #tpu.memory_space<vmem>>) target_semaphore(%run_scoped3A_150 : memref<!tpu.dma_semaphore, #tpu.memory_space<semaphore_mem>>)
      %dma_wait3A_155 = arith.constant 0 : i32
      %dma_wait3A_156 = tpu.memref_slice %arg17[%add3A_117, %dma_wait3A_155] : memref<10240x64xf32, #tpu.memory_space<vmem_shared>> -> memref<128x64xf32, #tpu.memory_space<vmem_shared>>
      %dma_wait3A_157 = arith.constant 0 : i32
      %dma_wait3A_158 = tpu.memref_slice %arg17[%add3A_117, %dma_wait3A_157] : memref<10240x64xf32, #tpu.memory_space<vmem_shared>> -> memref<128x64xf32, #tpu.memory_space<vmem_shared>>
      tpu.wait_dma2 semaphore(%run_scoped3A_150 : memref<!tpu.dma_semaphore, #tpu.memory_space<semaphore_mem>>) src(%dma_wait3A_158 : memref<128x64xf32, #tpu.memory_space<vmem_shared>>) dst(%arg9 : memref<128x64xf32, #tpu.memory_space<vmem>>)
      tpu.yield
    }) : () -> ()
    %mul3A_118 = arith.constant 640 : i32
    %mul3A_119 = arith.muli %arg1, %mul3A_118 : i32
    %add3A_120 = arith.addi %mul3A_104, %mul3A_119 : i32
    %add3A_121 = arith.constant 128 : i32
    %add3A_122 = arith.addi %add3A_120, %add3A_121 : i32
    "tpu.region"() ({
      %run_scoped3A_150 = tpu.sem_alloc : memref<!tpu.dma_semaphore, #tpu.memory_space<semaphore_mem>>
      %dma_start3A_151 = arith.constant 0 : i32
      %dma_start3A_152 = tpu.memref_slice %arg6[%add3A_122, %dma_start3A_151] : memref<20480x64xf32, #tpu.memory_space<hbm>> -> memref<128x64xf32, #tpu.memory_space<hbm>>
      %dma_start3A_153 = arith.constant 0 : i32
      %dma_start3A_154 = tpu.memref_slice %arg6[%add3A_122, %dma_start3A_153] : memref<20480x64xf32, #tpu.memory_space<hbm>> -> memref<128x64xf32, #tpu.memory_space<hbm>>
      tpu.enqueue_dma source(%arg9 : memref<128x64xf32, #tpu.memory_space<vmem>>) target(%dma_start3A_154 : memref<128x64xf32, #tpu.memory_space<hbm>>) target_semaphore(%run_scoped3A_150 : memref<!tpu.dma_semaphore, #tpu.memory_space<semaphore_mem>>)
      %dma_wait3A_155 = arith.constant 0 : i32
      %dma_wait3A_156 = tpu.memref_slice %arg6[%add3A_122, %dma_wait3A_155] : memref<20480x64xf32, #tpu.memory_space<hbm>> -> memref<128x64xf32, #tpu.memory_space<hbm>>
      %dma_wait3A_157 = arith.constant 0 : i32
      %dma_wait3A_158 = tpu.memref_slice %arg6[%add3A_122, %dma_wait3A_157] : memref<20480x64xf32, #tpu.memory_space<hbm>> -> memref<128x64xf32, #tpu.memory_space<hbm>>
      tpu.wait_dma2 semaphore(%run_scoped3A_150 : memref<!tpu.dma_semaphore, #tpu.memory_space<semaphore_mem>>) src(%arg9 : memref<128x64xf32, #tpu.memory_space<vmem>>) dst(%dma_wait3A_158 : memref<128x64xf32, #tpu.memory_space<hbm>>)
      tpu.yield
    }) : () -> ()
    %mul3A_123 = arith.constant 640 : i32
    %mul3A_124 = arith.muli %arg1, %mul3A_123 : i32
    %add3A_125 = arith.constant 256 : i32
    %add3A_126 = arith.addi %mul3A_124, %add3A_125 : i32
    "tpu.region"() ({
      %run_scoped3A_150 = tpu.sem_alloc : memref<!tpu.dma_semaphore, #tpu.memory_space<semaphore_mem>>
      %dma_start3A_151 = arith.constant 0 : i32
      %dma_start3A_152 = tpu.memref_slice %arg17[%add3A_126, %dma_start3A_151] : memref<10240x64xf32, #tpu.memory_space<vmem_shared>> -> memref<128x64xf32, #tpu.memory_space<vmem_shared>>
      %dma_start3A_153 = arith.constant 0 : i32
      %dma_start3A_154 = tpu.memref_slice %arg17[%add3A_126, %dma_start3A_153] : memref<10240x64xf32, #tpu.memory_space<vmem_shared>> -> memref<128x64xf32, #tpu.memory_space<vmem_shared>>
      tpu.enqueue_dma source(%dma_start3A_154 : memref<128x64xf32, #tpu.memory_space<vmem_shared>>) target(%arg9 : memref<128x64xf32, #tpu.memory_space<vmem>>) target_semaphore(%run_scoped3A_150 : memref<!tpu.dma_semaphore, #tpu.memory_space<semaphore_mem>>)
      %dma_wait3A_155 = arith.constant 0 : i32
      %dma_wait3A_156 = tpu.memref_slice %arg17[%add3A_126, %dma_wait3A_155] : memref<10240x64xf32, #tpu.memory_space<vmem_shared>> -> memref<128x64xf32, #tpu.memory_space<vmem_shared>>
      %dma_wait3A_157 = arith.constant 0 : i32
      %dma_wait3A_158 = tpu.memref_slice %arg17[%add3A_126, %dma_wait3A_157] : memref<10240x64xf32, #tpu.memory_space<vmem_shared>> -> memref<128x64xf32, #tpu.memory_space<vmem_shared>>
      tpu.wait_dma2 semaphore(%run_scoped3A_150 : memref<!tpu.dma_semaphore, #tpu.memory_space<semaphore_mem>>) src(%dma_wait3A_158 : memref<128x64xf32, #tpu.memory_space<vmem_shared>>) dst(%arg9 : memref<128x64xf32, #tpu.memory_space<vmem>>)
      tpu.yield
    }) : () -> ()
    %mul3A_127 = arith.constant 640 : i32
    %mul3A_128 = arith.muli %arg1, %mul3A_127 : i32
    %add3A_129 = arith.addi %mul3A_104, %mul3A_128 : i32
    %add3A_130 = arith.constant 256 : i32
    %add3A_131 = arith.addi %add3A_129, %add3A_130 : i32
    "tpu.region"() ({
      %run_scoped3A_150 = tpu.sem_alloc : memref<!tpu.dma_semaphore, #tpu.memory_space<semaphore_mem>>
      %dma_start3A_151 = arith.constant 0 : i32
      %dma_start3A_152 = tpu.memref_slice %arg6[%add3A_131, %dma_start3A_151] : memref<20480x64xf32, #tpu.memory_space<hbm>> -> memref<128x64xf32, #tpu.memory_space<hbm>>
      %dma_start3A_153 = arith.constant 0 : i32
      %dma_start3A_154 = tpu.memref_slice %arg6[%add3A_131, %dma_start3A_153] : memref<20480x64xf32, #tpu.memory_space<hbm>> -> memref<128x64xf32, #tpu.memory_space<hbm>>
      tpu.enqueue_dma source(%arg9 : memref<128x64xf32, #tpu.memory_space<vmem>>) target(%dma_start3A_154 : memref<128x64xf32, #tpu.memory_space<hbm>>) target_semaphore(%run_scoped3A_150 : memref<!tpu.dma_semaphore, #tpu.memory_space<semaphore_mem>>)
      %dma_wait3A_155 = arith.constant 0 : i32
      %dma_wait3A_156 = tpu.memref_slice %arg6[%add3A_131, %dma_wait3A_155] : memref<20480x64xf32, #tpu.memory_space<hbm>> -> memref<128x64xf32, #tpu.memory_space<hbm>>
      %dma_wait3A_157 = arith.constant 0 : i32
      %dma_wait3A_158 = tpu.memref_slice %arg6[%add3A_131, %dma_wait3A_157] : memref<20480x64xf32, #tpu.memory_space<hbm>> -> memref<128x64xf32, #tpu.memory_space<hbm>>
      tpu.wait_dma2 semaphore(%run_scoped3A_150 : memref<!tpu.dma_semaphore, #tpu.memory_space<semaphore_mem>>) src(%arg9 : memref<128x64xf32, #tpu.memory_space<vmem>>) dst(%dma_wait3A_158 : memref<128x64xf32, #tpu.memory_space<hbm>>)
      tpu.yield
    }) : () -> ()
    %mul3A_132 = arith.constant 640 : i32
    %mul3A_133 = arith.muli %arg1, %mul3A_132 : i32
    %add3A_134 = arith.constant 384 : i32
    %add3A_135 = arith.addi %mul3A_133, %add3A_134 : i32
    "tpu.region"() ({
      %run_scoped3A_150 = tpu.sem_alloc : memref<!tpu.dma_semaphore, #tpu.memory_space<semaphore_mem>>
      %dma_start3A_151 = arith.constant 0 : i32
      %dma_start3A_152 = tpu.memref_slice %arg17[%add3A_135, %dma_start3A_151] : memref<10240x64xf32, #tpu.memory_space<vmem_shared>> -> memref<128x64xf32, #tpu.memory_space<vmem_shared>>
      %dma_start3A_153 = arith.constant 0 : i32
      %dma_start3A_154 = tpu.memref_slice %arg17[%add3A_135, %dma_start3A_153] : memref<10240x64xf32, #tpu.memory_space<vmem_shared>> -> memref<128x64xf32, #tpu.memory_space<vmem_shared>>
      tpu.enqueue_dma source(%dma_start3A_154 : memref<128x64xf32, #tpu.memory_space<vmem_shared>>) target(%arg9 : memref<128x64xf32, #tpu.memory_space<vmem>>) target_semaphore(%run_scoped3A_150 : memref<!tpu.dma_semaphore, #tpu.memory_space<semaphore_mem>>)
      %dma_wait3A_155 = arith.constant 0 : i32
      %dma_wait3A_156 = tpu.memref_slice %arg17[%add3A_135, %dma_wait3A_155] : memref<10240x64xf32, #tpu.memory_space<vmem_shared>> -> memref<128x64xf32, #tpu.memory_space<vmem_shared>>
      %dma_wait3A_157 = arith.constant 0 : i32
      %dma_wait3A_158 = tpu.memref_slice %arg17[%add3A_135, %dma_wait3A_157] : memref<10240x64xf32, #tpu.memory_space<vmem_shared>> -> memref<128x64xf32, #tpu.memory_space<vmem_shared>>
      tpu.wait_dma2 semaphore(%run_scoped3A_150 : memref<!tpu.dma_semaphore, #tpu.memory_space<semaphore_mem>>) src(%dma_wait3A_158 : memref<128x64xf32, #tpu.memory_space<vmem_shared>>) dst(%arg9 : memref<128x64xf32, #tpu.memory_space<vmem>>)
      tpu.yield
    }) : () -> ()
    %mul3A_136 = arith.constant 640 : i32
    %mul3A_137 = arith.muli %arg1, %mul3A_136 : i32
    %add3A_138 = arith.addi %mul3A_104, %mul3A_137 : i32
    %add3A_139 = arith.constant 384 : i32
    %add3A_140 = arith.addi %add3A_138, %add3A_139 : i32
    "tpu.region"() ({
      %run_scoped3A_150 = tpu.sem_alloc : memref<!tpu.dma_semaphore, #tpu.memory_space<semaphore_mem>>
      %dma_start3A_151 = arith.constant 0 : i32
      %dma_start3A_152 = tpu.memref_slice %arg6[%add3A_140, %dma_start3A_151] : memref<20480x64xf32, #tpu.memory_space<hbm>> -> memref<128x64xf32, #tpu.memory_space<hbm>>
      %dma_start3A_153 = arith.constant 0 : i32
      %dma_start3A_154 = tpu.memref_slice %arg6[%add3A_140, %dma_start3A_153] : memref<20480x64xf32, #tpu.memory_space<hbm>> -> memref<128x64xf32, #tpu.memory_space<hbm>>
      tpu.enqueue_dma source(%arg9 : memref<128x64xf32, #tpu.memory_space<vmem>>) target(%dma_start3A_154 : memref<128x64xf32, #tpu.memory_space<hbm>>) target_semaphore(%run_scoped3A_150 : memref<!tpu.dma_semaphore, #tpu.memory_space<semaphore_mem>>)
      %dma_wait3A_155 = arith.constant 0 : i32
      %dma_wait3A_156 = tpu.memref_slice %arg6[%add3A_140, %dma_wait3A_155] : memref<20480x64xf32, #tpu.memory_space<hbm>> -> memref<128x64xf32, #tpu.memory_space<hbm>>
      %dma_wait3A_157 = arith.constant 0 : i32
      %dma_wait3A_158 = tpu.memref_slice %arg6[%add3A_140, %dma_wait3A_157] : memref<20480x64xf32, #tpu.memory_space<hbm>> -> memref<128x64xf32, #tpu.memory_space<hbm>>
      tpu.wait_dma2 semaphore(%run_scoped3A_150 : memref<!tpu.dma_semaphore, #tpu.memory_space<semaphore_mem>>) src(%arg9 : memref<128x64xf32, #tpu.memory_space<vmem>>) dst(%dma_wait3A_158 : memref<128x64xf32, #tpu.memory_space<hbm>>)
      tpu.yield
    }) : () -> ()
    %mul3A_141 = arith.constant 640 : i32
    %mul3A_142 = arith.muli %arg1, %mul3A_141 : i32
    %add3A_143 = arith.constant 512 : i32
    %add3A_144 = arith.addi %mul3A_142, %add3A_143 : i32
    "tpu.region"() ({
      %run_scoped3A_150 = tpu.sem_alloc : memref<!tpu.dma_semaphore, #tpu.memory_space<semaphore_mem>>
      %dma_start3A_151 = arith.constant 0 : i32
      %dma_start3A_152 = tpu.memref_slice %arg17[%add3A_144, %dma_start3A_151] : memref<10240x64xf32, #tpu.memory_space<vmem_shared>> -> memref<128x64xf32, #tpu.memory_space<vmem_shared>>
      %dma_start3A_153 = arith.constant 0 : i32
      %dma_start3A_154 = tpu.memref_slice %arg17[%add3A_144, %dma_start3A_153] : memref<10240x64xf32, #tpu.memory_space<vmem_shared>> -> memref<128x64xf32, #tpu.memory_space<vmem_shared>>
      tpu.enqueue_dma source(%dma_start3A_154 : memref<128x64xf32, #tpu.memory_space<vmem_shared>>) target(%arg9 : memref<128x64xf32, #tpu.memory_space<vmem>>) target_semaphore(%run_scoped3A_150 : memref<!tpu.dma_semaphore, #tpu.memory_space<semaphore_mem>>)
      %dma_wait3A_155 = arith.constant 0 : i32
      %dma_wait3A_156 = tpu.memref_slice %arg17[%add3A_144, %dma_wait3A_155] : memref<10240x64xf32, #tpu.memory_space<vmem_shared>> -> memref<128x64xf32, #tpu.memory_space<vmem_shared>>
      %dma_wait3A_157 = arith.constant 0 : i32
      %dma_wait3A_158 = tpu.memref_slice %arg17[%add3A_144, %dma_wait3A_157] : memref<10240x64xf32, #tpu.memory_space<vmem_shared>> -> memref<128x64xf32, #tpu.memory_space<vmem_shared>>
      tpu.wait_dma2 semaphore(%run_scoped3A_150 : memref<!tpu.dma_semaphore, #tpu.memory_space<semaphore_mem>>) src(%dma_wait3A_158 : memref<128x64xf32, #tpu.memory_space<vmem_shared>>) dst(%arg9 : memref<128x64xf32, #tpu.memory_space<vmem>>)
      tpu.yield
    }) : () -> ()
    %mul3A_145 = arith.constant 640 : i32
    %mul3A_146 = arith.muli %arg1, %mul3A_145 : i32
    %add3A_147 = arith.addi %mul3A_104, %mul3A_146 : i32
    %add3A_148 = arith.constant 512 : i32
    %add3A_149 = arith.addi %add3A_147, %add3A_148 : i32
    "tpu.region"() ({
      %run_scoped3A_150 = tpu.sem_alloc : memref<!tpu.dma_semaphore, #tpu.memory_space<semaphore_mem>>
      %dma_start3A_151 = arith.constant 0 : i32
      %dma_start3A_152 = tpu.memref_slice %arg6[%add3A_149, %dma_start3A_151] : memref<20480x64xf32, #tpu.memory_space<hbm>> -> memref<128x64xf32, #tpu.memory_space<hbm>>
      %dma_start3A_153 = arith.constant 0 : i32
      %dma_start3A_154 = tpu.memref_slice %arg6[%add3A_149, %dma_start3A_153] : memref<20480x64xf32, #tpu.memory_space<hbm>> -> memref<128x64xf32, #tpu.memory_space<hbm>>
      tpu.enqueue_dma source(%arg9 : memref<128x64xf32, #tpu.memory_space<vmem>>) target(%dma_start3A_154 : memref<128x64xf32, #tpu.memory_space<hbm>>) target_semaphore(%run_scoped3A_150 : memref<!tpu.dma_semaphore, #tpu.memory_space<semaphore_mem>>)
      %dma_wait3A_155 = arith.constant 0 : i32
      %dma_wait3A_156 = tpu.memref_slice %arg6[%add3A_149, %dma_wait3A_155] : memref<20480x64xf32, #tpu.memory_space<hbm>> -> memref<128x64xf32, #tpu.memory_space<hbm>>
      %dma_wait3A_157 = arith.constant 0 : i32
      %dma_wait3A_158 = tpu.memref_slice %arg6[%add3A_149, %dma_wait3A_157] : memref<20480x64xf32, #tpu.memory_space<hbm>> -> memref<128x64xf32, #tpu.memory_space<hbm>>
      tpu.wait_dma2 semaphore(%run_scoped3A_150 : memref<!tpu.dma_semaphore, #tpu.memory_space<semaphore_mem>>) src(%arg9 : memref<128x64xf32, #tpu.memory_space<vmem>>) dst(%dma_wait3A_158 : memref<128x64xf32, #tpu.memory_space<hbm>>)
      tpu.yield
    }) : () -> ()
    return
  }
}

module attributes {stable_mosaic.version = 14 : i64} {
  func.func @_mm1_body(%arg0: i32, %arg1: memref<1000x256xf32, #tpu.memory_space<vmem>>, %arg2: memref<256x256xf32, #tpu.memory_space<vmem>>, %arg3: memref<1000x1xf32, #tpu.memory_space<vmem>>, %arg4: memref<2x1000x128xf32, #tpu.memory_space<vmem>>) attributes {dimension_semantics = [#tpu.dimension_semantics<arbitrary>], iteration_bounds = array<i64: 10>, scalar_prefetch = 0 : i64, scratch_operands = 0 : i64, tpu.core_type = #tpu.core_type<tc>, window_params = [{transform_indices = @transform_0, window_bounds = array<i64: 1000, 256>}, {pipeline_mode = #tpu.pipeline_mode<synchronous>, transform_indices = @transform_1, window_bounds = array<i64: 256, 256>}, {transform_indices = @transform_2, window_bounds = array<i64: 1000, 1>}, {transform_indices = @transform_3, window_bounds = array<i64: 2, 1000, 128>}]} {
    %get3A = arith.constant 0 : index
    %get3A_0 = arith.constant 0 : index
    %get3A_1 = vector.load %arg3[%get3A, %get3A_0] : memref<1000x1xf32, #tpu.memory_space<vmem>>, vector<1000x1xf32>
    %max3A = arith.constant 1.000000e+00 : f32
    %max3A_2 = vector.broadcast %max3A : f32 to vector<1000x1xf32>
    %max3A_3 = arith.maximumf %get3A_1, %max3A_2 : vector<1000x1xf32>
    %rsqrt3A = math.rsqrt %max3A_3 : vector<1000x1xf32>
    %get3A_4 = arith.constant 0 : index
    %get3A_5 = arith.constant 0 : index
    %get3A_6 = vector.load %arg1[%get3A_4, %get3A_5] : memref<1000x256xf32, #tpu.memory_space<vmem>>, vector<1000x256xf32>
    %mul3A = vector.broadcast %rsqrt3A : vector<1000x1xf32> to vector<1000x256xf32>
    %mul3A_7 = arith.mulf %get3A_6, %mul3A : vector<1000x256xf32>
    %get3A_8 = arith.constant 0 : index
    %get3A_9 = arith.constant 0 : index
    %get3A_10 = vector.load %arg2[%get3A_8, %get3A_9] : memref<256x256xf32, #tpu.memory_space<vmem>>, vector<256x256xf32>
    %dot_general3A = arith.constant dense<0.000000e+00> : vector<1000x256xf32>
    %dot_general3A_11 = tpu.matmul %mul3A_7, %get3A_10, %dot_general3A {dimension_numbers = #tpu.dot_dimension_numbers<[1], [0], [0], [1], [0, 0, 1, 1], [], []>, transpose_lhs_hint = false} : vector<1000x256xf32>, vector<256x256xf32>, vector<1000x256xf32> -> vector<1000x256xf32>
    %slice3A = vector.extract_strided_slice %dot_general3A_11 {offsets = [0, 0], sizes = [1000, 128], strides = [1, 1]} : vector<1000x256xf32> to vector<1000x128xf32>
    %swap3A = arith.constant 0 : index
    %swap3A_12 = arith.constant 0 : index
    %swap3A_13 = arith.constant 0 : index
    %swap3A_14 = vector.load %arg4[%swap3A, %swap3A_12, %swap3A_13] : memref<2x1000x128xf32, #tpu.memory_space<vmem>>, vector<1x1000x128xf32>
    %swap3A_15 = vector.shape_cast %swap3A_14 : vector<1x1000x128xf32> to vector<1000x128xf32>
    %swap3A_16 = vector.shape_cast %slice3A : vector<1000x128xf32> to vector<1x1000x128xf32>
    tpu.vector_store %arg4[%swap3A, %swap3A_12, %swap3A_13], %swap3A_16 {strides = array<i32>} : memref<2x1000x128xf32, #tpu.memory_space<vmem>>, vector<1x1000x128xf32>,
    %slice3A_17 = vector.extract_strided_slice %dot_general3A_11 {offsets = [0, 128], sizes = [1000, 128], strides = [1, 1]} : vector<1000x256xf32> to vector<1000x128xf32>
    %swap3A_18 = arith.constant 1 : index
    %swap3A_19 = arith.constant 0 : index
    %swap3A_20 = arith.constant 0 : index
    %swap3A_21 = vector.load %arg4[%swap3A_18, %swap3A_19, %swap3A_20] : memref<2x1000x128xf32, #tpu.memory_space<vmem>>, vector<1x1000x128xf32>
    %swap3A_22 = vector.shape_cast %swap3A_21 : vector<1x1000x128xf32> to vector<1000x128xf32>
    %swap3A_23 = vector.shape_cast %slice3A_17 : vector<1000x128xf32> to vector<1x1000x128xf32>
    tpu.vector_store %arg4[%swap3A_18, %swap3A_19, %swap3A_20], %swap3A_23 {strides = array<i32>} : memref<2x1000x128xf32, #tpu.memory_space<vmem>>, vector<1x1000x128xf32>,
    return
  }
  func.func @transform_0(%arg0: i32) -> (i32, i32) {
    %c0_i32 = arith.constant 0 : i32
    %c0_i32_0 = arith.constant 0 : i32
    return %arg0, %c0_i32 : i32, i32
  }
  func.func @transform_1(%arg0: i32) -> (i32, i32) {
    %c0_i32 = arith.constant 0 : i32
    %c0_i32_0 = arith.constant 0 : i32
    %c0_i32_1 = arith.constant 0 : i32
    return %c0_i32, %c0_i32_0 : i32, i32
  }
  func.func @transform_2(%arg0: i32) -> (i32, i32) {
    %c0_i32 = arith.constant 0 : i32
    %c0_i32_0 = arith.constant 0 : i32
    return %arg0, %c0_i32 : i32, i32
  }
  func.func @transform_3(%arg0: i32) -> (i32, i32, i32) {
    %c0_i32 = arith.constant 0 : i32
    %c0_i32_0 = arith.constant 0 : i32
    %c0_i32_1 = arith.constant 0 : i32
    return %c0_i32, %arg0, %c0_i32_0 : i32, i32, i32
  }
}

module attributes {stable_mosaic.version = 14 : i64} {
  func.func @_mm2_body(%arg0: i32, %arg1: memref<2x1024x128xf32, #tpu.memory_space<vmem>>, %arg2: memref<2x128x64xf32, #tpu.memory_space<vmem>>, %arg3: memref<2x1x128xf32, #tpu.memory_space<vmem>>, %arg4: memref<1024x1xf32, #tpu.memory_space<vmem>>, %arg5: memref<1024x1xf32, #tpu.memory_space<vmem>>, %arg6: memref<1024x64xf32, #tpu.memory_space<vmem>>) attributes {dimension_semantics = [#tpu.dimension_semantics<arbitrary>], iteration_bounds = array<i64: 10>, scalar_prefetch = 0 : i64, scratch_operands = 0 : i64, tpu.core_type = #tpu.core_type<tc>, window_params = [{transform_indices = @transform_0, window_bounds = array<i64: 2, 1024, 128>}, {pipeline_mode = #tpu.pipeline_mode<synchronous>, transform_indices = @transform_1, window_bounds = array<i64: 2, 128, 64>}, {pipeline_mode = #tpu.pipeline_mode<synchronous>, transform_indices = @transform_2, window_bounds = array<i64: 2, 1, 128>}, {transform_indices = @transform_3, window_bounds = array<i64: 1024, 1>}, {transform_indices = @transform_4, window_bounds = array<i64: 1024, 1>}, {transform_indices = @transform_5, window_bounds = array<i64: 1024, 64>}]} {
    %get3A = arith.constant 0 : index
    %get3A_0 = arith.constant 0 : index
    %get3A_1 = vector.load %arg4[%get3A, %get3A_0] : memref<1024x1xf32, #tpu.memory_space<vmem>>, vector<1024x1xf32>
    %max3A = arith.constant 1.000000e+00 : f32
    %max3A_2 = vector.broadcast %max3A : f32 to vector<1024x1xf32>
    %max3A_3 = arith.maximumf %get3A_1, %max3A_2 : vector<1024x1xf32>
    %rsqrt3A = math.rsqrt %max3A_3 : vector<1024x1xf32>
    %get3A_4 = arith.constant 0 : index
    %get3A_5 = arith.constant 0 : index
    %get3A_6 = vector.load %arg5[%get3A_4, %get3A_5] : memref<1024x1xf32, #tpu.memory_space<vmem>>, vector<1024x1xf32>
    %max3A_7 = arith.constant 1.000000e+00 : f32
    %max3A_8 = vector.broadcast %max3A_7 : f32 to vector<1024x1xf32>
    %max3A_9 = arith.maximumf %get3A_6, %max3A_8 : vector<1024x1xf32>
    %rsqrt3A_10 = math.rsqrt %max3A_9 : vector<1024x1xf32>
    %broadcast_in_dim3A = arith.constant 0.000000e+00 : f32
    %broadcast_in_dim3A_11 = vector.broadcast %broadcast_in_dim3A : f32 to vector<1024x64xf32>
    %get3A_12 = arith.constant 0 : index
    %get3A_13 = arith.constant 0 : index
    %get3A_14 = arith.constant 0 : index
    %get3A_15 = vector.load %arg1[%get3A_12, %get3A_13, %get3A_14] : memref<2x1024x128xf32, #tpu.memory_space<vmem>>, vector<1x1024x128xf32>
    %get3A_16 = vector.shape_cast %get3A_15 : vector<1x1024x128xf32> to vector<1024x128xf32>
    %mul3A = vector.broadcast %rsqrt3A : vector<1024x1xf32> to vector<1024x128xf32>
    %mul3A_17 = arith.mulf %get3A_16, %mul3A : vector<1024x128xf32>
    %get3A_18 = arith.constant 0 : index
    %get3A_19 = arith.constant 0 : index
    %get3A_20 = arith.constant 0 : index
    %get3A_21 = vector.load %arg3[%get3A_18, %get3A_19, %get3A_20] : memref<2x1x128xf32, #tpu.memory_space<vmem>>, vector<1x1x128xf32>
    %get3A_22 = vector.shape_cast %get3A_21 : vector<1x1x128xf32> to vector<1x128xf32>
    %add3A = vector.broadcast %get3A_22 : vector<1x128xf32> to vector<1024x128xf32>
    %add3A_23 = arith.addf %mul3A_17, %add3A : vector<1024x128xf32>
    %max3A_24 = arith.constant 0.000000e+00 : f32
    %max3A_25 = vector.broadcast %max3A_24 : f32 to vector<1024x128xf32>
    %max3A_26 = arith.maximumf %add3A_23, %max3A_25 : vector<1024x128xf32>
    %mul3A_27 = vector.broadcast %rsqrt3A_10 : vector<1024x1xf32> to vector<1024x128xf32>
    %mul3A_28 = arith.mulf %max3A_26, %mul3A_27 : vector<1024x128xf32>
    %get3A_29 = arith.constant 0 : index
    %get3A_30 = arith.constant 0 : index
    %get3A_31 = arith.constant 0 : index
    %get3A_32 = vector.load %arg2[%get3A_29, %get3A_30, %get3A_31] : memref<2x128x64xf32, #tpu.memory_space<vmem>>, vector<1x128x64xf32>
    %get3A_33 = vector.shape_cast %get3A_32 : vector<1x128x64xf32> to vector<128x64xf32>
    %dot_general3A = arith.constant dense<0.000000e+00> : vector<1024x64xf32>
    %dot_general3A_34 = tpu.matmul %mul3A_28, %get3A_33, %dot_general3A {dimension_numbers = #tpu.dot_dimension_numbers<[1], [0], [0], [1], [0, 0, 1, 1], [], []>, transpose_lhs_hint = false} : vector<1024x128xf32>, vector<128x64xf32>, vector<1024x64xf32> -> vector<1024x64xf32>
    %add3A_35 = arith.addf %broadcast_in_dim3A_11, %dot_general3A_34 : vector<1024x64xf32>
    %get3A_36 = arith.constant 1 : index
    %get3A_37 = arith.constant 0 : index
    %get3A_38 = arith.constant 0 : index
    %get3A_39 = vector.load %arg1[%get3A_36, %get3A_37, %get3A_38] : memref<2x1024x128xf32, #tpu.memory_space<vmem>>, vector<1x1024x128xf32>
    %get3A_40 = vector.shape_cast %get3A_39 : vector<1x1024x128xf32> to vector<1024x128xf32>
    %mul3A_41 = vector.broadcast %rsqrt3A : vector<1024x1xf32> to vector<1024x128xf32>
    %mul3A_42 = arith.mulf %get3A_40, %mul3A_41 : vector<1024x128xf32>
    %get3A_43 = arith.constant 1 : index
    %get3A_44 = arith.constant 0 : index
    %get3A_45 = arith.constant 0 : index
    %get3A_46 = vector.load %arg3[%get3A_43, %get3A_44, %get3A_45] : memref<2x1x128xf32, #tpu.memory_space<vmem>>, vector<1x1x128xf32>
    %get3A_47 = vector.shape_cast %get3A_46 : vector<1x1x128xf32> to vector<1x128xf32>
    %add3A_48 = vector.broadcast %get3A_47 : vector<1x128xf32> to vector<1024x128xf32>
    %add3A_49 = arith.addf %mul3A_42, %add3A_48 : vector<1024x128xf32>
    %max3A_50 = arith.constant 0.000000e+00 : f32
    %max3A_51 = vector.broadcast %max3A_50 : f32 to vector<1024x128xf32>
    %max3A_52 = arith.maximumf %add3A_49, %max3A_51 : vector<1024x128xf32>
    %mul3A_53 = vector.broadcast %rsqrt3A_10 : vector<1024x1xf32> to vector<1024x128xf32>
    %mul3A_54 = arith.mulf %max3A_52, %mul3A_53 : vector<1024x128xf32>
    %get3A_55 = arith.constant 1 : index
    %get3A_56 = arith.constant 0 : index
    %get3A_57 = arith.constant 0 : index
    %get3A_58 = vector.load %arg2[%get3A_55, %get3A_56, %get3A_57] : memref<2x128x64xf32, #tpu.memory_space<vmem>>, vector<1x128x64xf32>
    %get3A_59 = vector.shape_cast %get3A_58 : vector<1x128x64xf32> to vector<128x64xf32>
    %dot_general3A_60 = arith.constant dense<0.000000e+00> : vector<1024x64xf32>
    %dot_general3A_61 = tpu.matmul %mul3A_54, %get3A_59, %dot_general3A_60 {dimension_numbers = #tpu.dot_dimension_numbers<[1], [0], [0], [1], [0, 0, 1, 1], [], []>, transpose_lhs_hint = false} : vector<1024x128xf32>, vector<128x64xf32>, vector<1024x64xf32> -> vector<1024x64xf32>
    %add3A_62 = arith.addf %add3A_35, %dot_general3A_61 : vector<1024x64xf32>
    %swap3A = arith.constant 0 : index
    %swap3A_63 = arith.constant 0 : index
    %swap3A_64 = vector.load %arg6[%swap3A, %swap3A_63] : memref<1024x64xf32, #tpu.memory_space<vmem>>, vector<1024x64xf32>
    tpu.vector_store %arg6[%swap3A, %swap3A_63], %add3A_62 {strides = array<i32>} : memref<1024x64xf32, #tpu.memory_space<vmem>>, vector<1024x64xf32>,
    return
  }
  func.func @transform_0(%arg0: i32) -> (i32, i32, i32) {
    %c0_i32 = arith.constant 0 : i32
    %c0_i32_0 = arith.constant 0 : i32
    %c0_i32_1 = arith.constant 0 : i32
    return %c0_i32, %arg0, %c0_i32_0 : i32, i32, i32
  }
  func.func @transform_1(%arg0: i32) -> (i32, i32, i32) {
    %c0_i32 = arith.constant 0 : i32
    %c0_i32_0 = arith.constant 0 : i32
    %c0_i32_1 = arith.constant 0 : i32
    %c0_i32_2 = arith.constant 0 : i32
    return %c0_i32, %c0_i32_0, %c0_i32_1 : i32, i32, i32
  }
  func.func @transform_2(%arg0: i32) -> (i32, i32, i32) {
    %c0_i32 = arith.constant 0 : i32
    %c0_i32_0 = arith.constant 0 : i32
    %c0_i32_1 = arith.constant 0 : i32
    %c0_i32_2 = arith.constant 0 : i32
    return %c0_i32, %c0_i32_0, %c0_i32_1 : i32, i32, i32
  }
  func.func @transform_3(%arg0: i32) -> (i32, i32) {
    %c0_i32 = arith.constant 0 : i32
    %c0_i32_0 = arith.constant 0 : i32
    return %arg0, %c0_i32 : i32, i32
  }
  func.func @transform_4(%arg0: i32) -> (i32, i32) {
    %c0_i32 = arith.constant 0 : i32
    %c0_i32_0 = arith.constant 0 : i32
    return %arg0, %c0_i32 : i32, i32
  }
  func.func @transform_5(%arg0: i32) -> (i32, i32) {
    %c0_i32 = arith.constant 0 : i32
    %c0_i32_0 = arith.constant 0 : i32
    return %arg0, %c0_i32 : i32, i32
  }
}

module attributes {stable_mosaic.version = 14 : i64} {
  func.func @_fin_body(%arg0: i32, %arg1: memref<2x1000x64xf32, #tpu.memory_space<vmem>>, %arg2: memref<1000x1xf32, #tpu.memory_space<vmem>>, %arg3: memref<1x64xf32, #tpu.memory_space<vmem>>, %arg4: memref<1000x64xf32, #tpu.memory_space<vmem>>) attributes {dimension_semantics = [#tpu.dimension_semantics<arbitrary>], iteration_bounds = array<i64: 10>, scalar_prefetch = 0 : i64, scratch_operands = 0 : i64, tpu.core_type = #tpu.core_type<tc>, window_params = [{transform_indices = @transform_0, window_bounds = array<i64: 2, 1000, 64>}, {transform_indices = @transform_1, window_bounds = array<i64: 1000, 1>}, {pipeline_mode = #tpu.pipeline_mode<synchronous>, transform_indices = @transform_2, window_bounds = array<i64: 1, 64>}, {transform_indices = @transform_3, window_bounds = array<i64: 1000, 64>}]} {
    %get3A = arith.constant 0 : index
    %get3A_0 = arith.constant 0 : index
    %get3A_1 = vector.load %arg2[%get3A, %get3A_0] : memref<1000x1xf32, #tpu.memory_space<vmem>>, vector<1000x1xf32>
    %max3A = arith.constant 1.000000e+00 : f32
    %max3A_2 = vector.broadcast %max3A : f32 to vector<1000x1xf32>
    %max3A_3 = arith.maximumf %get3A_1, %max3A_2 : vector<1000x1xf32>
    %rsqrt3A = math.rsqrt %max3A_3 : vector<1000x1xf32>
    %get3A_4 = arith.constant 0 : index
    %get3A_5 = arith.constant 0 : index
    %get3A_6 = arith.constant 0 : index
    %get3A_7 = vector.load %arg1[%get3A_4, %get3A_5, %get3A_6] : memref<2x1000x64xf32, #tpu.memory_space<vmem>>, vector<1x1000x64xf32>
    %get3A_8 = vector.shape_cast %get3A_7 : vector<1x1000x64xf32> to vector<1000x64xf32>
    %get3A_9 = arith.constant 1 : index
    %get3A_10 = arith.constant 0 : index
    %get3A_11 = arith.constant 0 : index
    %get3A_12 = vector.load %arg1[%get3A_9, %get3A_10, %get3A_11] : memref<2x1000x64xf32, #tpu.memory_space<vmem>>, vector<1x1000x64xf32>
    %get3A_13 = vector.shape_cast %get3A_12 : vector<1x1000x64xf32> to vector<1000x64xf32>
    %add3A = arith.addf %get3A_8, %get3A_13 : vector<1000x64xf32>
    %mul3A = vector.broadcast %rsqrt3A : vector<1000x1xf32> to vector<1000x64xf32>
    %mul3A_14 = arith.mulf %add3A, %mul3A : vector<1000x64xf32>
    %get3A_15 = arith.constant 0 : index
    %get3A_16 = arith.constant 0 : index
    %get3A_17 = vector.load %arg3[%get3A_15, %get3A_16] : memref<1x64xf32, #tpu.memory_space<vmem>>, vector<1x64xf32>
    %add3A_18 = vector.broadcast %get3A_17 : vector<1x64xf32> to vector<1000x64xf32>
    %add3A_19 = arith.addf %mul3A_14, %add3A_18 : vector<1000x64xf32>
    %swap3A = arith.constant 0 : index
    %swap3A_20 = arith.constant 0 : index
    %swap3A_21 = vector.load %arg4[%swap3A, %swap3A_20] : memref<1000x64xf32, #tpu.memory_space<vmem>>, vector<1000x64xf32>
    tpu.vector_store %arg4[%swap3A, %swap3A_20], %add3A_19 {strides = array<i32>} : memref<1000x64xf32, #tpu.memory_space<vmem>>, vector<1000x64xf32>,
    return
  }
  func.func @transform_0(%arg0: i32) -> (i32, i32, i32) {
    %c0_i32 = arith.constant 0 : i32
    %c0_i32_0 = arith.constant 0 : i32
    %c0_i32_1 = arith.constant 0 : i32
    return %c0_i32, %arg0, %c0_i32_0 : i32, i32, i32
  }
  func.func @transform_1(%arg0: i32) -> (i32, i32) {
    %c0_i32 = arith.constant 0 : i32
    %c0_i32_0 = arith.constant 0 : i32
    return %arg0, %c0_i32 : i32, i32
  }
  func.func @transform_2(%arg0: i32) -> (i32, i32) {
    %c0_i32 = arith.constant 0 : i32
    %c0_i32_0 = arith.constant 0 : i32
    %c0_i32_1 = arith.constant 0 : i32
    return %c0_i32, %c0_i32_0 : i32, i32
  }
  func.func @transform_3(%arg0: i32) -> (i32, i32) {
    %c0_i32 = arith.constant 0 : i32
    %c0_i32_0 = arith.constant 0 : i32
    return %arg0, %c0_i32 : i32, i32
  }
}

</mosaic_0001>

<sc_bundles>
// kernel: kernel.11.cloned.1.call-start
scs
__scs_entry_jumppad:
0x0: {  	(pc) =	sbr.rel $0x88, $3  }
0x1: {  	(tag) =	ssettag $0x0;
	lr =	simm.s32 $0x1  }
0x2: {  	[smem:$0x3F9B] =	sst lr;
	_ =	strace $0xD0000000  }
0x3: {  	_ = 	snop  }
0x4: {  	_ = 	snop  }
0x5: {  	_ = 	snop  }
0x6: {  	_ = 	snop  }
0x7: {  	_ = 	snop  }
__scs_overlays_trampoline_lowered:
0x8: {  	[smem:$0x3FAA] =	sst s0  }
0x9: {  	[smem:$0x3FAB] =	sst s1  }
0xa: {  	[smem:$0x3FAC] =	sst s2  }
0xb: {  	[smem:$0x3FAD] =	sst s3  }
0xc: {  	[smem:$0x3FAE] =	sst s4  }
0xd: {  	[smem:$0x3FAF] =	sst s5  }
0xe: {  	[smem:$0x3FB0] =	sst s6  }
0xf: {  	[smem:$0x3FB1] =	sst s7  }
0x10: {  	[smem:$0x3FB2] =	sst s8  }
0x11: {  	[smem:$0x3FB3] =	sst s9;
	s0 =	simm.s32 @!p0 $0x0  }
0x12: {  	s1 =	sld [smem:$0x3F99];
	s0 =	simm.s32 @p0 $0x1  }
0x13: {  	[smem:$0x3FB4] =	sst s0;
	s0 =	simm.s32 @!p1 $0x0  }
0x14: {  	s2 =	sld [smem:$0x3F98];
	s0 =	simm.s32 @p1 $0x1  }
0x15: {  	[smem:$0x3FB5] =	sst s0;
	s0 =	simm.s32 @!p2 $0x0  }
0x16: {  	s3 =	sld [smem:$0x3FDB];
	s0 =	simm.s32 @p2 $0x1  }
0x17: {  	s4 =	simm.s32 $0x1BF5;
	[smem:$0x3FB7] =	sst s0  }
0x18: {  	s0 =	sld [smem:$0x3F9A];
	_ =	swait.ge [sflag:s4], $0x0  }
0x19: {  	s7 =	sld [smem:$0x3F9B]  }
0x1a: {  	s8 =	sadd.s32 $0xFFFFE003, lr  }
0x1b: {  	s9 =	sadd.s32 $0xFFFFFEF7, lr;
	s5 =	simm.s32 $0xFFFFFFFF;
	p2 =	slt.u32 s8, $0xFFFFF086  }
0x1c: {  	p1 =	slt.u32 s9, $0xF7A;
	s5 =	simm.s32 @!p2 $0x0  }
0x1d: {  	s5 =	simm.s32 @p1 $0x1;
	p0 =	seq.s32 s7, s2  }
0x1e: {  	s7 =	smul.u32 @!p0 $0xF7A, s2;
	p2 =	seq.s32 @!p0 s5, $0x0  }
0x1f: {  	s9 =	smul.u32 $0xF7A, s1;
	s8 =	simm.s32 @!p0 $0x1BF5;
	p2 =	por !p2, p0  }
0x20: {  	[sflag:s8] =	ssyncset.s32 @!p0 $0xFFFFF086;
	s6 =	sadd.s32 @!p0 s3, s7;
	s7 =	simm.s32 @!p0 $0x108  }
0x21: {  	s3 =	sadd.s32 s3, s9;
	s6 =	sadd.s32 @!p0 $0x88, s6;
	s7 =	simm.s32 @p2 $0x1082  }
0x22: {  	[simem:s7], [sflag:s8] =	dma.local @!p0 [hbm:s6], $0xF7A  }
0x23: {  	s9 =	sor.u32 $0xD0000000, s2;
	s6 =	simm.s32 $0x108;
	_ =	swait.ge @!p0 [sflag:s8], $0x0  }
0x24: {  	s3 =	sadd.s32 $0x88, s3;
	s6 =	simm.s32 @!p1 $0x1082;
	[sflag:s4] =	ssyncset.s32 $0xFFFFF086  }
0x25: {  	[simem:s6], [sflag:s4] =	dma.local [hbm:s3], $0xF7A  }
0x26: {  	[smem:$0x3F9B] =	sst s1;
	(tag) =	ssettag s2;
	_ =	strace s9  }
0x27: {  	s1 =	sld [smem:$0x3FAB]  }
0x28: {  	s2 =	sld [smem:$0x3FAC]  }
0x29: {  	s4 =	sld [smem:$0x3FAE]  }
0x2a: {  	p0 =	seq.s32 s5, $0x0;
	s5 =	sld [smem:$0x3FAF]  }
0x2b: {  	s6 =	sld [smem:$0x3FB0]  }
0x2c: {  	s7 =	sld [smem:$0x3FB1]  }
0x2d: {  	s3 =	simm.s32 $0x108;
	s8 =	sld [smem:$0x3FB2]  }
0x2e: {  	s3 =	simm.s32 @!p0 $0x1082;
	s9 =	sld [smem:$0x3FB3]  }
0x2f: {  	lr =	sadd.s32 s0, s3;
	s0 =	sld [smem:$0x3FAA]  }
0x30: {  	s3 =	sld [smem:$0x3FAD]  }
0x31: {  	[smem:$0x3FB6] =	sst s10  }
0x32: {  	s10 =	sld [smem:$0x3FB4];
	_ =	sdelay $0x3  }
0x33: {  	p0 =	seq.s32 s10, $0x1;
	s10 =	sld [smem:$0x3FB6];
	_ =	sdelay $0x3  }
0x34: {  	[smem:$0x3FB6] =	sst s10  }
0x35: {  	s10 =	sld [smem:$0x3FB5];
	_ =	sdelay $0x3  }
0x36: {  	p1 =	seq.s32 s10, $0x1;
	s10 =	sld [smem:$0x3FB6];
	_ =	sdelay $0x3  }
0x37: {  	[smem:$0x3FB6] =	sst s10  }
0x38: {  	s10 =	sld [smem:$0x3FB7]  }
0x39: {  	_ = 	snop;
	(pc) =	sbr.ind lr, $3  }
0x3a: {  	_ = 	snop  }
0x3b: {  	_ = 	snop  }
0x3c: {  	p2 =	seq.s32 s10, $0x1;
	s10 =	sld [smem:$0x3FB6]  }
0x3d: {  	_ =	shalt  }
0x3e: {  	_ =	shalt  }
0x3f: {  	_ =	shalt  }
0x40: {  	_ =	shalt  }
0x41: {  	_ =	shalt  }
0x42: {  	_ =	shalt  }
0x43: {  	_ =	shalt  }
0x44: {  	_ =	shalt  }
0x45: {  	_ =	shalt  }
0x46: {  	_ =	shalt  }
0x47: {  	_ =	shalt  }
0x48: {  	_ =	shalt  }
0x49: {  	_ =	shalt  }
0x4a: {  	_ =	shalt  }
0x4b: {  	_ =	shalt  }
0x4c: {  	_ =	shalt  }
0x4d: {  	_ =	shalt  }
0x4e: {  	_ =	shalt  }
0x4f: {  	_ =	shalt  }
0x50: {  	_ =	shalt  }
0x51: {  	_ =	shalt  }
0x52: {  	_ =	shalt  }
0x53: {  	_ =	shalt  }
0x54: {  	_ =	shalt  }
0x55: {  	_ =	shalt  }
0x56: {  	_ =	shalt  }
0x57: {  	_ =	shalt  }
0x58: {  	_ =	shalt  }
0x59: {  	_ =	shalt  }
0x5a: {  	_ =	shalt  }
0x5b: {  	_ =	shalt  }
0x5c: {  	_ =	shalt  }
0x5d: {  	_ =	shalt  }
0x5e: {  	_ =	shalt  }
0x5f: {  	_ =	shalt  }
0x60: {  	_ =	shalt  }
0x61: {  	_ =	shalt  }
0x62: {  	_ =	shalt  }
0x63: {  	_ =	shalt  }
0x64: {  	_ =	shalt  }
0x65: {  	_ =	shalt  }
0x66: {  	_ =	shalt  }
0x67: {  	_ =	shalt  }
0x68: {  	_ =	shalt  }
0x69: {  	_ =	shalt  }
0x6a: {  	_ =	shalt  }
0x6b: {  	_ =	shalt  }
0x6c: {  	_ =	shalt  }
0x6d: {  	_ =	shalt  }
0x6e: {  	_ =	shalt  }
0x6f: {  	_ =	shalt  }
0x70: {  	_ =	shalt  }
0x71: {  	_ =	shalt  }
0x72: {  	_ =	shalt  }
0x73: {  	_ =	shalt  }
0x74: {  	_ =	shalt  }
0x75: {  	_ =	shalt  }
0x76: {  	_ =	shalt  }
0x77: {  	_ =	shalt  }
0x78: {  	_ =	shalt  }
0x79: {  	_ =	shalt  }
0x7a: {  	_ =	shalt  }
0x7b: {  	_ =	shalt  }
0x7c: {  	_ =	shalt  }
0x7d: {  	_ =	shalt  }
0x7e: {  	_ =	shalt  }
0x7f: {  	_ =	shalt  }
0x80: {  	_ =	shalt  }
0x81: {  	_ =	shalt  }
0x82: {  	_ =	shalt  }
0x83: {  	_ =	shalt  }
0x84: {  	_ =	shalt  }
0x85: {  	_ =	shalt  }
0x86: {  	_ =	shalt  }
0x87: {  	_ =	shalt  }
.Lfunc_end0:
.L_simem_size_0:
called_computation.1_lowered:
.L_overlay_start_0:
0x88: {  	s2 =	sld [smem:$0x3FD9]  }
0x89: {  	s3 =	sld [smem:$0x3FFE];
	_ =	sdelay $0x1  }
0x8a: {  	s1 =	srdreg.scid  }
0x8b: {  	s0 =	sand.u32 $0x1, s1  }
0x8c: {  	s17 =	sshll.u32 s0, $0xA;
	s2 =	sadd.s32 s3, s2  }
0x8d: {  	s2 =	sadd.s32 s2, s17  }
0x8e: {  	[smem:$0x3FC2] =	sst s2  }
0x8f: {  	_ = 	snop  }
0x90: {  	s2 =	sld [smem:$0x3FD0];
	(tm) =	ssettm $0x1  }
0x91: {  	s18 =	sld [smem:$0x3FFB];
	_ =	sdelay $0x3  }
0x92: {  	_ =	strace s18  }
0x93: {  	s3 =	sld [smem:$0x3FFC];
	_ =	sdelay $0x3  }
0x94: {  	_ =	strace s3  }
0x95: {  	s3 =	sld [smem:$0x3FFD];
	_ =	sdelay $0x3  }
0x96: {  	_ =	strace s3  }
0x97: {  	_ =	strace $0x8FFFFFFF  }
0x98: {  	s19 =	sld [smem:$0x3FDB];
	_ =	sdelay $0x1  }
0x99: {  	s4 =	simm.s32 $_scs_section_size  }
0x9a: {  	s5 =	simm.s32 $_size__tile_overlayer_lowered;
	s6 =	simm.s32 $_tile_overlayer_lowered  }
0x9b: {  	s22 =	simm.s32 $0x1BFF;
	s21 =	sshll.u32 s6, $0x1;
	s3 =	sadd.s32 s4, s19  }
0x9c: {  	s7 =	simm.s32 $0x0;
	s20 =	sshll.u32 s5, $0x1;
	s5 =	sadd.s32 s21, s3  }
0x9d: {  	[timem:s7], [sflag:s22] =	dma.local [hbm:s5], s20  }
0x9e: {  	_ =	swait.ge [sflag:s22], s20  }
0x9f: {  	s4 =	ssub.s32 $0x0, s20;
	[sflag:s22] =	ssyncset.done $0x0  }
0xa0: {  	[sflag:s22] =	ssyncadd.s32 s4;
	_ =	sdelay $0x1  }
0xa1: {  	s23 =	simm.s32 $0x1B8B  }
0xa2: {  	_ =	swait.ge [sflag:s23], $0x1  }
0xa3: {  	[sflag:s23] =	ssyncset.done $0x0  }
0xa4: {  	s25 =	simm.s32 $0x1B8E;
	s24 =	sld [smem:$0x3FFE];
	[sflag:s23] =	ssyncadd.s32 $0xFFFFFFFF  }
0xa5: {  	s26 =	simm.s32 $execute0_lowered;
	[smem:$0x3FD2] =	sst s25  }
0xa6: {  	s5 =	sshll.u32 s26, $0x1;
	_ =	strace $0x80000049;
	[dreg:$0x1] =	wrdreg $0xFFFFFFFF  }
0xa7: {  	s28 =	simm.s32 $_size_execute0_lowered;
	s3 =	sadd.s32 s3, s5;
	[dreg:$0x0] =	wrdreg $0x0  }
0xa8: {  	s5 =	sshll.u32 s28, $0x1;
	[dreg:$0x2] =	wrdreg s3  }
0xa9: {  	[dreg:$0x3] =	wrdreg s5  }
0xaa: {  	[dreg:$0x4] =	wrdreg $0xC0  }
0xab: {  	_ =	task [dreg:s7], $0x5FFFF  }
0xac: {  	[dreg:$0x1] =	wrdreg $0xFFFFFFFF  }
0xad: {  	[dreg:$0x0] =	wrdreg $0x60  }
0xae: {  	[dreg:$0x2] =	wrdreg s24  }
0xaf: {  	[dreg:$0x3] =	wrdreg s2  }
0xb0: {  	[dreg:$0x4] =	wrdreg $0xA8000  }
0xb1: {  	[dreg:$0x5] =	wrdreg $0x9  }
0xb2: {  	_ =	task.clear_ibuf [dreg:s7], $0x6FFFF;
	_ =	strace $0x90000049  }
0xb3: {  	s29 =	simm.s32 $0x9;
	_ =	strace $0x8000004B  }
0xb4: {  	_ =	swait.ge [sflag:s29], $0x1  }
0xb5: {  	[sflag:s29] =	ssyncadd.s32 $0xFFFFFFFF  }
0xb6: {  	_ =	strace $0x9000004B  }
0xb7: {  	_ =	sfence  }
0xb8: {  	s30 =	sld [smem:$0x0];
	_ =	sdelay $0x2  }
0xb9: {  	s31 =	sshll.u32 s1, $0xD;
	s1 =	sshrl.u32 s1, $0x2  }
0xba: {  	s3 =	sand.u32 $0x4000, s31;
	s1 =	sadd.s32 s1, s30  }
0xbb: {  	s0 =	sor.u32 s3, s0;
	s1 =	sshll.u32 s1, $0x11  }
0xbc: {  	s0 =	sor.u32 s1, s0  }
0xbd: {  	s0 =	sadd.s32 $0x8F2B, s0  }
0xbe: {  	[sflag:s0] =	ssyncadd.remote.s32 $0x1  }
0xbf: {  	_ =	sfence.sel $0xFFFF  }
0xc0: {  	[dreg:$0x0] =	wrdreg $0xFFFFFFFF;
	(pc) =	sbr.abs _section_cstart, $3  }
0xc1: {  	[dreg:$0x1] =	wrdreg $0xFFFFFFFF  }
0xc2: {  	_ =	task.clear_ibuf [dreg:s7], $0x2FFFF;
	_ =	strace $0x9FFFFFFF  }
0xc3: {  	(tm) =	ssettm $0x7FFFFFFF  }
tec
execute0_lowered:
.L_overlay_start_1:
0x0: {  	(tag) =	ssettag $0x1  }
0x1: {  	s0 =	rddreg [dreg:$0x0]  }
0x2: {  	s3 =	rddreg [dreg:$0x2];
	s1 =	srdreg.scid  }
0x3: {  	s9 =	stileid.u32;
	s4 =	simm.s32 $0x0;
	s21 =	simm.s32 $0x2800  }
0x4: {  	s22 =	simm.s32 $0x5;
	s23 =	simm.s32 $0x1400;
	s24 =	simm.s32 $0x80  }
0x5: {  	s28 =	simm.s32 $0x2;
	s29 =	simm.s32 $0x1480;
	s30 =	simm.s32 $0x3  }
0x6: {  	s31 =	simm.s32 $0x100;
	s1 =	sand.u32 $0x1, s1;
	s2 =	smul.u32 $0x280, s9  }
0x7: {  	[smem:$0x7FF] =	sst s4;
	s5 =	sadd.s32 $0x1B200, s0;
	s25 =	smul.u32 $0x50000, s9  }
0x8: {  	s11 =	sadd.s32 $0x2200, s0;
	s14 =	sadd.s32 $0x16200, s0;
	s12 =	smul.u32 $0x2800, s9  }
0x9: {  	s6 =	smul.u32 $0x2800, s1;
	_ =	strace $0x8000004A;
	s7 =	ssub.s32 $0x2, s1  }
0xa: {  	s1 =	smul.u32 $0x28000, s1;
	s8 =	sshrl.u32 s7, $0x1;
	s15 =	sadd.s32 $0x1400, s12  }
0xb: {  	s2 =	sadd.s32 s2, s6;
	s6 =	sshrl.u32 s25, $0x2;
	s26 =	ssub.s32 s7, s8  }
0xc: {  	s10 =	sadd.s32 s12, s1;
	s1 =	sadd.s32 s1, s15;
	s12 =	sshrl.u32 s12, $0x3  }
0xd: {  	s15 =	sshrl.u32 s15, $0x3;
	s25 =	simm.s32 $0x1;
	s2 =	sshll.u32 s2, $0x4  }
0xe: {  	s6 =	sadd.s32 s6, s3;
	s13 =	sshrl.u32 s10, $0x3;
	s1 =	sshrl.u32 s1, $0x3  }
0xf: {  	s12 =	sadd.s32 s14, s12;
	s14 =	sadd.s32 s14, s15;
	s20 =	smax.u32 s26, $0x1  }
0x10: {  	s26 =	simm.s32 $0x6800;
	s0 =	sadd.s32 s2, s0;
	s7 =	sadd.s32 $0x4000, s6  }
.Ltmp0:
0x11: {  	s8 =	sadd.s32 $0x8000, s6;
	s9 =	sadd.s32 $0xC000, s6;
	(pc) =	sbr.rel .LBB2_1-.Ltmp0, $4  }
0x12: {  	s10 =	sadd.s32 $0x10000, s6;
	s13 =	sadd.s32 s11, s13;
	[dreg:$0x5] =	wrdreg s12  }
0x13: {  	[dreg:$0x4] =	wrdreg s13;
	s13 =	sadd.s32 s11, s1;
	s15 =	sadd.s32 $0x69400, s0  }
0x14: {  	s16 =	sadd.s32 $0x69C00, s0;
	s17 =	sadd.s32 $0x6A400, s0;
	s18 =	sadd.s32 $0x6AC00, s0  }
0x15: {  	s19 =	sadd.s32 $0x6B400, s0;
	s0 =	simm.s32 $0x4;
	s1 =	simm.s32 $0x0  }
.LBB2_7:
0x16: {  	_ =	swait.ge [sflag:s0], $0x4000  }
0x17: {  	[sflag:s0] =	ssyncset.done $0x0  }
0x18: {  	[sflag:s0] =	ssyncadd.s32 $0xFFFFC000  }
0x19: {  	[bflag:$0x0] =	sbarrier.arrive $0xFFFF  }
0x1a: {  	[tilespmem:s21], [sflag:$0x5] =	stream.linear.gather [spmem:s6], $0x4000, $0x38;
	[tilespmem:$0x1E800] =	vst v63  }
0x1b: {  	_ =	swait.ge [sflag:s22], $0x4000  }
0x1c: {  	[sflag:s22] =	ssyncset.done $0x0  }
0x1d: {  	[sflag:s22] =	ssyncadd.s32 $0xFFFFC000  }
0x1e: {  	[hbm4b:s15+s4] =	stream.linear.scatter [tilespmem:s21], [sflag:$0x5], $0x4000, $0x38;
	[tilespmem:$0x1E800] =	vst v63  }
0x1f: {  	_ =	swait.ge [sflag:s22], $0x4000  }
0x20: {  	[sflag:s22] =	ssyncset.done $0x0  }
0x21: {  	[sflag:s22] =	ssyncadd.s32 $0xFFFFC000  }
0x22: {  	[tilespmem:s21], [sflag:$0x5] =	stream.linear.gather [spmem:s7], $0x4000, $0x38;
	[tilespmem:$0x1E800] =	vst v63  }
0x23: {  	_ =	swait.ge [sflag:s22], $0x4000  }
0x24: {  	[sflag:s22] =	ssyncset.done $0x0  }
0x25: {  	[sflag:s22] =	ssyncadd.s32 $0xFFFFC000  }
0x26: {  	[hbm4b:s16+s4] =	stream.linear.scatter [tilespmem:s21], [sflag:$0x5], $0x4000, $0x38;
	[tilespmem:$0x1E800] =	vst v63  }
0x27: {  	_ =	swait.ge [sflag:s22], $0x4000  }
0x28: {  	[sflag:s22] =	ssyncset.done $0x0  }
0x29: {  	[sflag:s22] =	ssyncadd.s32 $0xFFFFC000  }
0x2a: {  	[tilespmem:s21], [sflag:$0x5] =	stream.linear.gather [spmem:s8], $0x4000, $0x38;
	[tilespmem:$0x1E800] =	vst v63  }
0x2b: {  	_ =	swait.ge [sflag:s22], $0x4000  }
0x2c: {  	[sflag:s22] =	ssyncset.done $0x0  }
0x2d: {  	[sflag:s22] =	ssyncadd.s32 $0xFFFFC000  }
0x2e: {  	[hbm4b:s17+s4] =	stream.linear.scatter [tilespmem:s21], [sflag:$0x5], $0x4000, $0x38;
	[tilespmem:$0x1E800] =	vst v63  }
0x2f: {  	_ =	swait.ge [sflag:s22], $0x4000  }
0x30: {  	[sflag:s22] =	ssyncset.done $0x0  }
0x31: {  	[sflag:s22] =	ssyncadd.s32 $0xFFFFC000  }
0x32: {  	[tilespmem:s21], [sflag:$0x5] =	stream.linear.gather [spmem:s9], $0x4000, $0x38;
	[tilespmem:$0x1E800] =	vst v63  }
0x33: {  	_ =	swait.ge [sflag:s22], $0x4000  }
0x34: {  	[sflag:s22] =	ssyncset.done $0x0  }
0x35: {  	[sflag:s22] =	ssyncadd.s32 $0xFFFFC000  }
0x36: {  	[hbm4b:s18+s4] =	stream.linear.scatter [tilespmem:s21], [sflag:$0x5], $0x4000, $0x38;
	[tilespmem:$0x1E800] =	vst v63  }
0x37: {  	_ =	swait.ge [sflag:s22], $0x4000  }
0x38: {  	[sflag:s22] =	ssyncset.done $0x0  }
0x39: {  	[sflag:s22] =	ssyncadd.s32 $0xFFFFC000  }
0x3a: {  	[tilespmem:s21], [sflag:$0x5] =	stream.linear.gather [spmem:s10], $0x4000, $0x38;
	[tilespmem:$0x1E800] =	vst v63  }
0x3b: {  	s1 =	sadd.s32 $0x1, s1;
	_ =	swait.ge [sflag:s22], $0x4000  }
0x3c: {  	p0 =	sne.s32 s1, s20;
	[sflag:s22] =	ssyncset.done $0x0  }
.Ltmp1:
0x3d: {  	[sflag:s22] =	ssyncadd.s32 $0xFFFFC000;
	(pc) =	sbr.rel @!p0 .LBB2_8-.Ltmp1, $4  }
0x3e: {  	[hbm4b:s19+s4] =	stream.linear.scatter [tilespmem:s21], [sflag:$0x5], $0x4000, $0x38;
	[tilespmem:$0x1E800] =	vst v63  }
0x3f: {  	_ =	swait.ge [sflag:s22], $0x4000  }
0x40: {  	[sflag:s22] =	ssyncset.done $0x0  }
0x41: {  	[sflag:s22] =	ssyncadd.s32 $0xFFFFC000  }
.LBB2_1:
0x42: {  	s2 =	rddreg [dreg:$0x1]  }
0x43: {  	[tilespmem:s21], [sflag:$0x5] =	stream.linear.gather [hbm4b:s2+s4], $0x4000, $0x38;
	[tilespmem:$0x1E800] =	vst v63  }
0x44: {  	_ =	swait.ge [sflag:s22], $0x4000  }
0x45: {  	[sflag:s22] =	ssyncset.done $0x0  }
0x46: {  	[sflag:s22] =	ssyncadd.s32 $0xFFFFC000  }
0x47: {  	[spmem:s6] =	stream.linear.scatter [tilespmem:s21], [sflag:$0x5], $0x4000, $0x38;
	[tilespmem:$0x1E800] =	vst v63  }
0x48: {  	_ =	swait.ge [sflag:s22], $0x4000  }
0x49: {  	[sflag:s22] =	ssyncset.done $0x0  }
0x4a: {  	[sflag:s22] =	ssyncadd.s32 $0xFFFFC000  }
0x4b: {  	[spmem:s7] =	stream.linear.scatter [tilespmem:s21], [sflag:$0x5], $0x4000, $0x38;
	[tilespmem:$0x1E800] =	vst v63  }
0x4c: {  	_ =	swait.ge [sflag:s22], $0x4000  }
0x4d: {  	[sflag:s22] =	ssyncset.done $0x0  }
0x4e: {  	[sflag:s22] =	ssyncadd.s32 $0xFFFFC000  }
0x4f: {  	[spmem:s8] =	stream.linear.scatter [tilespmem:s21], [sflag:$0x5], $0x4000, $0x38;
	[tilespmem:$0x1E800] =	vst v63  }
0x50: {  	_ =	swait.ge [sflag:s22], $0x4000  }
0x51: {  	[sflag:s22] =	ssyncset.done $0x0  }
0x52: {  	[sflag:s22] =	ssyncadd.s32 $0xFFFFC000  }
0x53: {  	[spmem:s9] =	stream.linear.scatter [tilespmem:s21], [sflag:$0x5], $0x4000, $0x38;
	[tilespmem:$0x1E800] =	vst v63  }
0x54: {  	_ =	swait.ge [sflag:s22], $0x4000  }
0x55: {  	[sflag:s22] =	ssyncset.done $0x0  }
0x56: {  	[sflag:s22] =	ssyncadd.s32 $0xFFFFC000  }
0x57: {  	[spmem:s10] =	stream.linear.scatter [tilespmem:s21], [sflag:$0x5], $0x4000, $0x38;
	[tilespmem:$0x1E800] =	vst v63  }
0x58: {  	_ =	swait.ge [sflag:s22], $0x4000  }
0x59: {  	[sflag:s22] =	ssyncset.done $0x0  }
0x5a: {  	[sflag:s22] =	ssyncadd.s32 $0xFFFFC000  }
0x5b: {  	[bflag:$0x0] =	sbarrier.arrive $0xFFFF  }
0x5c: {  	s11 =	rddreg [dreg:$0x4]  }
0x5d: {  	[tilespmem:s4], [sflag:$0x5] =	stream.linear.gather [hbm4b:s11+s4], $0x1400, $0x38;
	[tilespmem:$0x1E800] =	vst v63  }
0x5e: {  	_ =	swait.ge [sflag:s22], $0x1400  }
0x5f: {  	[sflag:s22] =	ssyncset.done $0x0  }
0x60: {  	s12 =	rddreg [dreg:$0x5];
	[sflag:s22] =	ssyncadd.s32 $0xFFFFEC00  }
0x61: {  	[tilespmem:s23], [sflag:$0x5] =	stream.linear.gather [hbm4b:s12+s4], $0x1400, $0x38;
	[tilespmem:$0x1E800] =	vst v63  }
0x62: {  	_ =	swait.ge [sflag:s22], $0x1400  }
0x63: {  	[sflag:s22] =	ssyncset.done $0x0  }
0x64: {  	[sflag:s22] =	ssyncadd.s32 $0xFFFFEC00  }
0x65: {  	[tilespmem:s21], [sflag:$0x1] =	stream.indirect.gather [hbm4b:s5+s24], $0x80, s4, s24, $0xb8;
	[tilespmem:$0x1E800] =	vst v63  }
0x66: {  	_ =	swait.ge [sflag:s25], $0x4000  }
0x67: {  	[sflag:s25] =	ssyncset.done $0x0  }
0x68: {  	[sflag:s25] =	ssyncadd.s32 $0xFFFFC000  }
0x69: {  	[spmem:s3] =	stream.indirect.scatter.add.f32 [tilespmem:s21], [sflag:$0x3], $0x80, s23, s24, $0xb8;
	[tilespmem:$0x1E800] =	vst v63  }
0x6a: {  	_ = 	snop  }
0x6b: {  	[tilespmem:s26], [sflag:$0x2] =	stream.indirect.gather [hbm4b:s5+s24], $0x80, s24, s24, $0xb8;
	[tilespmem:$0x1E800] =	vst v63  }
0x6c: {  	_ =	swait.ge [sflag:s28], $0x4000  }
0x6d: {  	[sflag:s28] =	ssyncset.done $0x0  }
0x6e: {  	[sflag:s28] =	ssyncadd.s32 $0xFFFFC000  }
0x6f: {  	[spmem:s3] =	stream.indirect.scatter.add.f32 [tilespmem:s26], [sflag:$0x4], $0x80, s29, s24, $0xb8;
	[tilespmem:$0x1E800] =	vst v63  }
0x70: {  	_ =	swait.ge [sflag:s30], $0x4000  }
0x71: {  	[sflag:s30] =	ssyncset.done $0x0  }
0x72: {  	s2 =	simm.s32 $0xFFFFB800;
	[sflag:s30] =	ssyncadd.s32 $0xFFFFC000  }
0x73: {  	[tilespmem:s21], [sflag:$0x1] =	stream.indirect.gather [hbm4b:s5+s24], $0x80, s31, s24, $0xb8;
	[tilespmem:$0x1E800] =	vst v63  }
.LBB2_2:
0x74: {  	_ =	swait.ge [sflag:s25], $0x4000  }
0x75: {  	s11 =	sshra.s32 s2, $0x2;
	[sflag:s25] =	ssyncset.done $0x0  }
0x76: {  	s12 =	sadd.s32 $0x2700, s11;
	[sflag:s25] =	ssyncadd.s32 $0xFFFFC000  }
0x77: {  	[spmem:s3] =	stream.indirect.scatter.add.f32 [tilespmem:s21], [sflag:$0x3], $0x80, s12, s24, $0xb8;
	[tilespmem:$0x1E800] =	vst v63  }
0x78: {  	_ =	swait.ge [sflag:s0], $0x4000  }
0x79: {  	[sflag:s0] =	ssyncset.done $0x0  }
0x7a: {  	s12 =	sadd.s32 $0x1380, s11;
	[sflag:s0] =	ssyncadd.s32 $0xFFFFC000  }
0x7b: {  	[tilespmem:s26], [sflag:$0x2] =	stream.indirect.gather [hbm4b:s5+s24], $0x80, s12, s24, $0xb8;
	[tilespmem:$0x1E800] =	vst v63  }
0x7c: {  	_ =	swait.ge [sflag:s28], $0x4000  }
0x7d: {  	p0 =	seq.s32 s2, $0x0;
	[sflag:s28] =	ssyncset.done $0x0  }
.Ltmp2:
0x7e: {  	s12 =	sadd.s32 $0x2780, s11;
	[sflag:s28] =	ssyncadd.s32 $0xFFFFC000;
	(pc) =	sbr.rel @p0 .LBB2_4-.Ltmp2, $4  }
0x7f: {  	[spmem:s3] =	stream.indirect.scatter.add.f32 [tilespmem:s26], [sflag:$0x4], $0x80, s12, s24, $0xb8;
	[tilespmem:$0x1E800] =	vst v63  }
0x80: {  	_ =	swait.ge [sflag:s30], $0x4000  }
0x81: {  	[sflag:s30] =	ssyncset.done $0x0  }
0x82: {  	[sflag:s30] =	ssyncadd.s32 $0xFFFFC000  }
.Ltmp3:
0x83: {  	(pc) =	sbr.rel .LBB2_2-.Ltmp3, $3  }
0x84: {  	_ =	sdelay $0x1  }
0x85: {  	s11 =	sadd.s32 $0x1400, s11;
	s2 =	sadd.s32 $0x400, s2  }
0x86: {  	[tilespmem:s21], [sflag:$0x1] =	stream.indirect.gather [hbm4b:s5+s24], $0x80, s11, s24, $0xb8;
	[tilespmem:$0x1E800] =	vst v63  }
.LBB2_4:
0x87: {  	_ =	swait.ge [sflag:s0], $0x4000  }
0x88: {  	[sflag:s0] =	ssyncset.done $0x0  }
0x89: {  	[sflag:s0] =	ssyncadd.s32 $0xFFFFC000  }
0x8a: {  	[tilespmem:s4], [sflag:$0x5] =	stream.linear.gather [hbm4b:s13+s4], $0x1400, $0x38;
	[tilespmem:$0x1E800] =	vst v63  }
0x8b: {  	_ =	swait.ge [sflag:s22], $0x1400  }
0x8c: {  	[sflag:s22] =	ssyncset.done $0x0  }
0x8d: {  	[sflag:s22] =	ssyncadd.s32 $0xFFFFEC00  }
0x8e: {  	[tilespmem:s23], [sflag:$0x5] =	stream.linear.gather [hbm4b:s14+s4], $0x1400, $0x38;
	[tilespmem:$0x1E800] =	vst v63  }
0x8f: {  	_ =	swait.ge [sflag:s22], $0x1400  }
0x90: {  	[sflag:s22] =	ssyncset.done $0x0  }
0x91: {  	[sflag:s22] =	ssyncadd.s32 $0xFFFFEC00  }
0x92: {  	[tilespmem:s21], [sflag:$0x1] =	stream.indirect.gather [hbm4b:s5+s24], $0x80, s4, s24, $0xb8;
	[tilespmem:$0x1E800] =	vst v63  }
0x93: {  	_ =	swait.ge [sflag:s25], $0x4000  }
0x94: {  	[sflag:s25] =	ssyncset.done $0x0  }
0x95: {  	[sflag:s25] =	ssyncadd.s32 $0xFFFFC000  }
0x96: {  	[spmem:s3] =	stream.indirect.scatter.add.f32 [tilespmem:s21], [sflag:$0x3], $0x80, s23, s24, $0xb8;
	[tilespmem:$0x1E800] =	vst v63  }
0x97: {  	_ = 	snop  }
0x98: {  	[tilespmem:s26], [sflag:$0x2] =	stream.indirect.gather [hbm4b:s5+s24], $0x80, s24, s24, $0xb8;
	[tilespmem:$0x1E800] =	vst v63  }
0x99: {  	_ =	swait.ge [sflag:s28], $0x4000  }
0x9a: {  	[sflag:s28] =	ssyncset.done $0x0  }
0x9b: {  	[sflag:s28] =	ssyncadd.s32 $0xFFFFC000  }
0x9c: {  	[spmem:s3] =	stream.indirect.scatter.add.f32 [tilespmem:s26], [sflag:$0x4], $0x80, s29, s24, $0xb8;
	[tilespmem:$0x1E800] =	vst v63  }
0x9d: {  	_ =	swait.ge [sflag:s30], $0x4000  }
0x9e: {  	[sflag:s30] =	ssyncset.done $0x0  }
0x9f: {  	s2 =	simm.s32 $0xFFFFB800;
	[sflag:s30] =	ssyncadd.s32 $0xFFFFC000  }
0xa0: {  	[tilespmem:s21], [sflag:$0x1] =	stream.indirect.gather [hbm4b:s5+s24], $0x80, s31, s24, $0xb8;
	[tilespmem:$0x1E800] =	vst v63  }
.LBB2_5:
0xa1: {  	_ =	swait.ge [sflag:s25], $0x4000  }
0xa2: {  	s11 =	sshra.s32 s2, $0x2;
	[sflag:s25] =	ssyncset.done $0x0  }
0xa3: {  	s12 =	sadd.s32 $0x2700, s11;
	[sflag:s25] =	ssyncadd.s32 $0xFFFFC000  }
0xa4: {  	[spmem:s3] =	stream.indirect.scatter.add.f32 [tilespmem:s21], [sflag:$0x3], $0x80, s12, s24, $0xb8;
	[tilespmem:$0x1E800] =	vst v63  }
0xa5: {  	_ =	swait.ge [sflag:s0], $0x4000  }
0xa6: {  	[sflag:s0] =	ssyncset.done $0x0  }
0xa7: {  	s12 =	sadd.s32 $0x1380, s11;
	[sflag:s0] =	ssyncadd.s32 $0xFFFFC000  }
0xa8: {  	[tilespmem:s26], [sflag:$0x2] =	stream.indirect.gather [hbm4b:s5+s24], $0x80, s12, s24, $0xb8;
	[tilespmem:$0x1E800] =	vst v63  }
0xa9: {  	_ =	swait.ge [sflag:s28], $0x4000  }
0xaa: {  	p0 =	seq.s32 s2, $0x0;
	[sflag:s28] =	ssyncset.done $0x0  }
.Ltmp4:
0xab: {  	s12 =	sadd.s32 $0x2780, s11;
	[sflag:s28] =	ssyncadd.s32 $0xFFFFC000;
	(pc) =	sbr.rel @p0 .LBB2_7-.Ltmp4, $4  }
0xac: {  	[spmem:s3] =	stream.indirect.scatter.add.f32 [tilespmem:s26], [sflag:$0x4], $0x80, s12, s24, $0xb8;
	[tilespmem:$0x1E800] =	vst v63  }
0xad: {  	_ =	swait.ge [sflag:s30], $0x4000  }
0xae: {  	[sflag:s30] =	ssyncset.done $0x0  }
0xaf: {  	[sflag:s30] =	ssyncadd.s32 $0xFFFFC000  }
.Ltmp5:
0xb0: {  	(pc) =	sbr.rel .LBB2_5-.Ltmp5, $3  }
0xb1: {  	_ =	sdelay $0x1  }
0xb2: {  	s11 =	sadd.s32 $0x1400, s11;
	s2 =	sadd.s32 $0x400, s2  }
0xb3: {  	[tilespmem:s21], [sflag:$0x1] =	stream.indirect.gather [hbm4b:s5+s24], $0x80, s11, s24, $0xb8;
	[tilespmem:$0x1E800] =	vst v63  }
.LBB2_8:
0xb4: {  	_ =	sfence.sel $0x180000  }
0xb5: {  	[bflag:$0x0] =	sbarrier.arrive $0xFFFF  }
0xb6: {  	_ =	strace $0x9000004A  }
0xb7: {  	s0 =	stileid.u32;
	[bflag:$0x2] =	sbarrier.arrive $0xFFFF  }
0xb8: {  	p0 =	sne.s32 s0, $0x0;
	s0 =	rddreg [dreg:$0x3]  }
0xb9: {  	s0 =	sadd.s32 @!p0 $0x100000, s0  }
0xba: {  	[sflag:s0] =	ssyncadd.tile.s32 @!p0 $0x1;
	_ =	shalt  }
.Lfunc_end2:
_tile_overlayer_lowered:
.L_overlay_start_2:
0xbb: {  	(tag) =	ssettag $0x2  }
0xbc: {  	s0 =	rddreg [dreg:$0x0];
	s2 =	stileid.u32  }
0xbd: {  	s1 =	rddreg [dreg:$0x1];
	p0 =	sne.s32 s2, $0x0  }
0xbe: {  	s3 =	rddreg [dreg:$0x2];
	[bflag:$0x3] =	sbarrier.arrive $0xFFFF;
	s2 =	simm.s32 @!p0 $0x1C05  }
0xbf: {  	[timem:s3], [sflag:s2] =	dma.local @!p0 [hbm:s0], s1  }
0xc0: {  	s0 =	simm.s32 @!p0 $0x5  }
0xc1: {  	_ =	swait.ge @!p0 [sflag:s0], s1  }
0xc2: {  	s1 =	ssub.s32 @!p0 $0x0, s1;
	[sflag:s0] =	ssyncset.done @!p0 $0x0  }
0xc3: {  	[sflag:s0] =	ssyncadd.s32 @!p0 s1  }
0xc4: {  	[bflag:$0x3] =	sbarrier.arrive $0xFFFF  }
0xc5: {  	_ =	shalt  }

// kernel: kernel.14.cloned.1.call-start
scs
__scs_entry_jumppad:
0x0: {  	(pc) =	sbr.rel $0x88, $3  }
0x1: {  	(tag) =	ssettag $0x0;
	lr =	simm.s32 $0x1  }
0x2: {  	[smem:$0x3F9B] =	sst lr;
	_ =	strace $0xD0000000  }
0x3: {  	_ = 	snop  }
0x4: {  	_ = 	snop  }
0x5: {  	_ = 	snop  }
0x6: {  	_ = 	snop  }
0x7: {  	_ = 	snop  }
__scs_overlays_trampoline_lowered:
0x8: {  	[smem:$0x3FAA] =	sst s0  }
0x9: {  	[smem:$0x3FAB] =	sst s1  }
0xa: {  	[smem:$0x3FAC] =	sst s2  }
0xb: {  	[smem:$0x3FAD] =	sst s3  }
0xc: {  	[smem:$0x3FAE] =	sst s4  }
0xd: {  	[smem:$0x3FAF] =	sst s5  }
0xe: {  	[smem:$0x3FB0] =	sst s6  }
0xf: {  	[smem:$0x3FB1] =	sst s7  }
0x10: {  	[smem:$0x3FB2] =	sst s8  }
0x11: {  	[smem:$0x3FB3] =	sst s9;
	s0 =	simm.s32 @!p0 $0x0  }
0x12: {  	s1 =	sld [smem:$0x3F99];
	s0 =	simm.s32 @p0 $0x1  }
0x13: {  	[smem:$0x3FB4] =	sst s0;
	s0 =	simm.s32 @!p1 $0x0  }
0x14: {  	s2 =	sld [smem:$0x3F98];
	s0 =	simm.s32 @p1 $0x1  }
0x15: {  	[smem:$0x3FB5] =	sst s0;
	s0 =	simm.s32 @!p2 $0x0  }
0x16: {  	s3 =	sld [smem:$0x3FDB];
	s0 =	simm.s32 @p2 $0x1  }
0x17: {  	s4 =	simm.s32 $0x1BF5;
	[smem:$0x3FB7] =	sst s0  }
0x18: {  	s0 =	sld [smem:$0x3F9A];
	_ =	swait.ge [sflag:s4], $0x0  }
0x19: {  	s7 =	sld [smem:$0x3F9B]  }
0x1a: {  	s8 =	sadd.s32 $0xFFFFE003, lr  }
0x1b: {  	s9 =	sadd.s32 $0xFFFFFEF7, lr;
	s5 =	simm.s32 $0xFFFFFFFF;
	p2 =	slt.u32 s8, $0xFFFFF086  }
0x1c: {  	p1 =	slt.u32 s9, $0xF7A;
	s5 =	simm.s32 @!p2 $0x0  }
0x1d: {  	s5 =	simm.s32 @p1 $0x1;
	p0 =	seq.s32 s7, s2  }
0x1e: {  	s7 =	smul.u32 @!p0 $0xF7A, s2;
	p2 =	seq.s32 @!p0 s5, $0x0  }
0x1f: {  	s9 =	smul.u32 $0xF7A, s1;
	s8 =	simm.s32 @!p0 $0x1BF5;
	p2 =	por !p2, p0  }
0x20: {  	[sflag:s8] =	ssyncset.s32 @!p0 $0xFFFFF086;
	s6 =	sadd.s32 @!p0 s3, s7;
	s7 =	simm.s32 @!p0 $0x108  }
0x21: {  	s3 =	sadd.s32 s3, s9;
	s6 =	sadd.s32 @!p0 $0x88, s6;
	s7 =	simm.s32 @p2 $0x1082  }
0x22: {  	[simem:s7], [sflag:s8] =	dma.local @!p0 [hbm:s6], $0xF7A  }
0x23: {  	s9 =	sor.u32 $0xD0000000, s2;
	s6 =	simm.s32 $0x108;
	_ =	swait.ge @!p0 [sflag:s8], $0x0  }
0x24: {  	s3 =	sadd.s32 $0x88, s3;
	s6 =	simm.s32 @!p1 $0x1082;
	[sflag:s4] =	ssyncset.s32 $0xFFFFF086  }
0x25: {  	[simem:s6], [sflag:s4] =	dma.local [hbm:s3], $0xF7A  }
0x26: {  	[smem:$0x3F9B] =	sst s1;
	(tag) =	ssettag s2;
	_ =	strace s9  }
0x27: {  	s1 =	sld [smem:$0x3FAB]  }
0x28: {  	s2 =	sld [smem:$0x3FAC]  }
0x29: {  	s4 =	sld [smem:$0x3FAE]  }
0x2a: {  	p0 =	seq.s32 s5, $0x0;
	s5 =	sld [smem:$0x3FAF]  }
0x2b: {  	s6 =	sld [smem:$0x3FB0]  }
0x2c: {  	s7 =	sld [smem:$0x3FB1]  }
0x2d: {  	s3 =	simm.s32 $0x108;
	s8 =	sld [smem:$0x3FB2]  }
0x2e: {  	s3 =	simm.s32 @!p0 $0x1082;
	s9 =	sld [smem:$0x3FB3]  }
0x2f: {  	lr =	sadd.s32 s0, s3;
	s0 =	sld [smem:$0x3FAA]  }
0x30: {  	s3 =	sld [smem:$0x3FAD]  }
0x31: {  	[smem:$0x3FB6] =	sst s10  }
0x32: {  	s10 =	sld [smem:$0x3FB4];
	_ =	sdelay $0x3  }
0x33: {  	p0 =	seq.s32 s10, $0x1;
	s10 =	sld [smem:$0x3FB6];
	_ =	sdelay $0x3  }
0x34: {  	[smem:$0x3FB6] =	sst s10  }
0x35: {  	s10 =	sld [smem:$0x3FB5];
	_ =	sdelay $0x3  }
0x36: {  	p1 =	seq.s32 s10, $0x1;
	s10 =	sld [smem:$0x3FB6];
	_ =	sdelay $0x3  }
0x37: {  	[smem:$0x3FB6] =	sst s10  }
0x38: {  	s10 =	sld [smem:$0x3FB7]  }
0x39: {  	_ = 	snop;
	(pc) =	sbr.ind lr, $3  }
0x3a: {  	_ = 	snop  }
0x3b: {  	_ = 	snop  }
0x3c: {  	p2 =	seq.s32 s10, $0x1;
	s10 =	sld [smem:$0x3FB6]  }
0x3d: {  	_ =	shalt  }
0x3e: {  	_ =	shalt  }
0x3f: {  	_ =	shalt  }
0x40: {  	_ =	shalt  }
0x41: {  	_ =	shalt  }
0x42: {  	_ =	shalt  }
0x43: {  	_ =	shalt  }
0x44: {  	_ =	shalt  }
0x45: {  	_ =	shalt  }
0x46: {  	_ =	shalt  }
0x47: {  	_ =	shalt  }
0x48: {  	_ =	shalt  }
0x49: {  	_ =	shalt  }
0x4a: {  	_ =	shalt  }
0x4b: {  	_ =	shalt  }
0x4c: {  	_ =	shalt  }
0x4d: {  	_ =	shalt  }
0x4e: {  	_ =	shalt  }
0x4f: {  	_ =	shalt  }
0x50: {  	_ =	shalt  }
0x51: {  	_ =	shalt  }
0x52: {  	_ =	shalt  }
0x53: {  	_ =	shalt  }
0x54: {  	_ =	shalt  }
0x55: {  	_ =	shalt  }
0x56: {  	_ =	shalt  }
0x57: {  	_ =	shalt  }
0x58: {  	_ =	shalt  }
0x59: {  	_ =	shalt  }
0x5a: {  	_ =	shalt  }
0x5b: {  	_ =	shalt  }
0x5c: {  	_ =	shalt  }
0x5d: {  	_ =	shalt  }
0x5e: {  	_ =	shalt  }
0x5f: {  	_ =	shalt  }
0x60: {  	_ =	shalt  }
0x61: {  	_ =	shalt  }
0x62: {  	_ =	shalt  }
0x63: {  	_ =	shalt  }
0x64: {  	_ =	shalt  }
0x65: {  	_ =	shalt  }
0x66: {  	_ =	shalt  }
0x67: {  	_ =	shalt  }
0x68: {  	_ =	shalt  }
0x69: {  	_ =	shalt  }
0x6a: {  	_ =	shalt  }
0x6b: {  	_ =	shalt  }
0x6c: {  	_ =	shalt  }
0x6d: {  	_ =	shalt  }
0x6e: {  	_ =	shalt  }
0x6f: {  	_ =	shalt  }
0x70: {  	_ =	shalt  }
0x71: {  	_ =	shalt  }
0x72: {  	_ =	shalt  }
0x73: {  	_ =	shalt  }
0x74: {  	_ =	shalt  }
0x75: {  	_ =	shalt  }
0x76: {  	_ =	shalt  }
0x77: {  	_ =	shalt  }
0x78: {  	_ =	shalt  }
0x79: {  	_ =	shalt  }
0x7a: {  	_ =	shalt  }
0x7b: {  	_ =	shalt  }
0x7c: {  	_ =	shalt  }
0x7d: {  	_ =	shalt  }
0x7e: {  	_ =	shalt  }
0x7f: {  	_ =	shalt  }
0x80: {  	_ =	shalt  }
0x81: {  	_ =	shalt  }
0x82: {  	_ =	shalt  }
0x83: {  	_ =	shalt  }
0x84: {  	_ =	shalt  }
0x85: {  	_ =	shalt  }
0x86: {  	_ =	shalt  }
0x87: {  	_ =	shalt  }
.Lfunc_end0:
.L_simem_size_0:
called_computation.2_lowered:
.L_overlay_start_0:
0x88: {  	s2 =	sld [smem:$0x3FD9]  }
0x89: {  	s3 =	sld [smem:$0x3FFE];
	_ =	sdelay $0x1  }
0x8a: {  	s1 =	srdreg.scid  }
0x8b: {  	s0 =	sand.u32 $0x1, s1  }
0x8c: {  	s17 =	sshll.u32 s0, $0xA;
	s2 =	sadd.s32 s3, s2  }
0x8d: {  	s2 =	sadd.s32 s2, s17  }
0x8e: {  	[smem:$0x3FC2] =	sst s2  }
0x8f: {  	_ = 	snop  }
0x90: {  	s2 =	sld [smem:$0x3FD0];
	(tm) =	ssettm $0x1  }
0x91: {  	s18 =	sld [smem:$0x3FFB];
	_ =	sdelay $0x3  }
0x92: {  	_ =	strace s18  }
0x93: {  	s3 =	sld [smem:$0x3FFC];
	_ =	sdelay $0x3  }
0x94: {  	_ =	strace s3  }
0x95: {  	s3 =	sld [smem:$0x3FFD];
	_ =	sdelay $0x3  }
0x96: {  	_ =	strace s3  }
0x97: {  	_ =	strace $0x8FFFFFFF  }
0x98: {  	s19 =	sld [smem:$0x3FDB];
	_ =	sdelay $0x1  }
0x99: {  	s4 =	simm.s32 $_scs_section_size  }
0x9a: {  	s5 =	simm.s32 $_size__tile_overlayer_lowered;
	s6 =	simm.s32 $_tile_overlayer_lowered  }
0x9b: {  	s22 =	simm.s32 $0x1BFF;
	s21 =	sshll.u32 s6, $0x1;
	s3 =	sadd.s32 s4, s19  }
0x9c: {  	s7 =	simm.s32 $0x0;
	s20 =	sshll.u32 s5, $0x1;
	s5 =	sadd.s32 s21, s3  }
0x9d: {  	[timem:s7], [sflag:s22] =	dma.local [hbm:s5], s20  }
0x9e: {  	_ =	swait.ge [sflag:s22], s20  }
0x9f: {  	s4 =	ssub.s32 $0x0, s20;
	[sflag:s22] =	ssyncset.done $0x0  }
0xa0: {  	[sflag:s22] =	ssyncadd.s32 s4;
	_ =	sdelay $0x1  }
0xa1: {  	s23 =	simm.s32 $0x1B8B  }
0xa2: {  	_ =	swait.ge [sflag:s23], $0x1  }
0xa3: {  	[sflag:s23] =	ssyncset.done $0x0  }
0xa4: {  	s25 =	simm.s32 $0x1B8E;
	s24 =	sld [smem:$0x3FFE];
	[sflag:s23] =	ssyncadd.s32 $0xFFFFFFFF  }
0xa5: {  	s26 =	simm.s32 $execute0_lowered;
	[smem:$0x3FD2] =	sst s25  }
0xa6: {  	s5 =	sshll.u32 s26, $0x1;
	_ =	strace $0x8000004C;
	[dreg:$0x1] =	wrdreg $0xFFFFFFFF  }
0xa7: {  	s28 =	simm.s32 $_size_execute0_lowered;
	s3 =	sadd.s32 s3, s5;
	[dreg:$0x0] =	wrdreg $0x0  }
0xa8: {  	s5 =	sshll.u32 s28, $0x1;
	[dreg:$0x2] =	wrdreg s3  }
0xa9: {  	[dreg:$0x3] =	wrdreg s5  }
0xaa: {  	[dreg:$0x4] =	wrdreg $0xC0  }
0xab: {  	_ =	task [dreg:s7], $0x5FFFF  }
0xac: {  	[dreg:$0x1] =	wrdreg $0xFFFFFFFF  }
0xad: {  	[dreg:$0x0] =	wrdreg $0x60  }
0xae: {  	[dreg:$0x2] =	wrdreg s24  }
0xaf: {  	[dreg:$0x3] =	wrdreg s2  }
0xb0: {  	[dreg:$0x4] =	wrdreg $0x150000  }
0xb1: {  	[dreg:$0x5] =	wrdreg $0x9  }
0xb2: {  	_ =	task.clear_ibuf [dreg:s7], $0x6FFFF;
	_ =	strace $0x9000004C  }
0xb3: {  	s29 =	simm.s32 $0x9;
	_ =	strace $0x8000004E  }
0xb4: {  	_ =	swait.ge [sflag:s29], $0x1  }
0xb5: {  	[sflag:s29] =	ssyncadd.s32 $0xFFFFFFFF  }
0xb6: {  	_ =	strace $0x9000004E  }
0xb7: {  	_ =	sfence  }
0xb8: {  	s30 =	sld [smem:$0x0];
	_ =	sdelay $0x2  }
0xb9: {  	s31 =	sshll.u32 s1, $0xD;
	s1 =	sshrl.u32 s1, $0x2  }
0xba: {  	s3 =	sand.u32 $0x4000, s31;
	s1 =	sadd.s32 s1, s30  }
0xbb: {  	s0 =	sor.u32 s3, s0;
	s1 =	sshll.u32 s1, $0x11  }
0xbc: {  	s0 =	sor.u32 s1, s0  }
0xbd: {  	s0 =	sadd.s32 $0x8F2B, s0  }
0xbe: {  	[sflag:s0] =	ssyncadd.remote.s32 $0x1  }
0xbf: {  	_ =	sfence.sel $0xFFFF  }
0xc0: {  	[dreg:$0x0] =	wrdreg $0xFFFFFFFF;
	(pc) =	sbr.abs _section_cstart, $3  }
0xc1: {  	[dreg:$0x1] =	wrdreg $0xFFFFFFFF  }
0xc2: {  	_ =	task.clear_ibuf [dreg:s7], $0x2FFFF;
	_ =	strace $0x9FFFFFFF  }
0xc3: {  	(tm) =	ssettm $0x7FFFFFFF  }
tec
execute0_lowered:
.L_overlay_start_1:
0x0: {  	(tag) =	ssettag $0x1  }
0x1: {  	s0 =	rddreg [dreg:$0x0];
	s1 =	srdreg.scid  }
0x2: {  	s8 =	stileid.u32;
	s3 =	rddreg [dreg:$0x2];
	s4 =	simm.s32 $0x0  }
0x3: {  	s28 =	simm.s32 $0xB000;
	s29 =	simm.s32 $0x1;
	s5 =	smul.u32 $0x28, s8  }
0x4: {  	s30 =	simm.s32 $0xD000;
	s31 =	simm.s32 $0x2;
	s6 =	smul.u32 $0x280, s8  }
0x5: {  	s11 =	simm.s32 $0x9;
	s1 =	sand.u32 $0x1, s1;
	s8 =	smul.u32 $0x28000, s8  }
0x6: {  	s12 =	simm.s32 $0x7;
	s13 =	simm.s32 $0xB;
	s2 =	smul.u32 $0x280, s1  }
0x7: {  	s14 =	simm.s32 $0x8;
	s7 =	smul.u32 $0x2800, s1;
	s1 =	ssub.s32 $0x2, s1  }
0x8: {  	s15 =	simm.s32 $0xC;
	[smem:$0x7FF] =	sst s4;
	s9 =	sshrl.u32 s1, $0x1  }
0x9: {  	_ =	strace $0x8000004D;
	s19 =	sshrl.u32 s8, $0x2;
	s1 =	ssub.s32 s1, s9  }
0xa: {  	s2 =	sadd.s32 s5, s2;
	s10 =	sadd.s32 s19, s3;
	s26 =	smax.u32 s1, $0x1  }
0xb: {  	s5 =	sadd.s32 $0x1B200, s0;
	s8 =	sadd.s32 $0x2000, s10;
	[dreg:$0xf] =	wrdreg s26  }
0xc: {  	s6 =	sadd.s32 s6, s7;
	s9 =	sadd.s32 $0x4000, s10;
	[dreg:$0x4] =	wrdreg s8  }
0xd: {  	s2 =	sshll.u32 s2, $0x4;
	s16 =	sadd.s32 $0x6000, s10;
	[dreg:$0x5] =	wrdreg s9  }
0xe: {  	s18 =	sadd.s32 $0x8000, s10;
	s2 =	sadd.s32 s2, s0;
	[dreg:$0x6] =	wrdreg s16  }
0xf: {  	s20 =	sshll.u32 s6, $0x3;
	[dreg:$0x7] =	wrdreg s18;
	s21 =	sadd.s32 $0x2200, s2  }
0x10: {  	s0 =	sadd.s32 s20, s0;
	s2 =	sadd.s32 $0x16200, s2;
	[dreg:$0x8] =	wrdreg s21  }
0x11: {  	s17 =	simm.s32 $0x0;
	s22 =	sadd.s32 $0x2F200, s0;
	[dreg:$0x9] =	wrdreg s2  }
0x12: {  	s19 =	simm.s32 $0x5000;
	s23 =	sadd.s32 $0x2F600, s0;
	[dreg:$0xa] =	wrdreg s22  }
0x13: {  	s1 =	simm.s32 $0xF000;
	s24 =	sadd.s32 $0x2FA00, s0;
	[dreg:$0xb] =	wrdreg s23  }
.Ltmp0:
0x14: {  	s25 =	sadd.s32 $0x2FE00, s0;
	[dreg:$0xc] =	wrdreg s24;
	(pc) =	sbr.rel .LBB2_1-.Ltmp0, $4  }
0x15: {  	s20 =	simm.s32 $0x11;
	s0 =	sadd.s32 $0x30200, s0;
	[dreg:$0xd] =	wrdreg s25  }
0x16: {  	s26 =	simm.s32 $0x5;
	[dreg:$0xe] =	wrdreg s0;
	s22 =	simm.s32 $0x80  }
0x17: {  	s23 =	simm.s32 $0x7000;
	s25 =	simm.s32 $0x9000;
	s0 =	simm.s32 $0x3  }
0x18: {  	s2 =	simm.s32 $0x11000;
	s21 =	simm.s32 $0x4;
	s24 =	simm.s32 $0x13000  }
.LBB2_4:
0x19: {  	_ =	swait.ge [sflag:s14], $0x2000  }
0x1a: {  	[sflag:s14] =	ssyncset.done $0x0  }
0x1b: {  	[sflag:s14] =	ssyncadd.s32 $0xFFFFE000  }
0x1c: {  	[spmem:s3] =	stream.indirect.scatter.add.f32 [tilespmem:s24], [sflag:$0x10], $0x40, s7, s22, $0xb8;
	[tilespmem:$0x1F000] =	vst v63  }
0x1d: {  	_ =	swait.ge [sflag:s15], $0x2000  }
0x1e: {  	[sflag:s15] =	ssyncset.done $0x0  }
0x1f: {  	s9 =	simm.s32 $0xD;
	[sflag:s15] =	ssyncadd.s32 $0xFFFFE000  }
0x20: {  	_ =	swait.ge [sflag:s9], $0x2000  }
0x21: {  	[sflag:s9] =	ssyncset.done $0x0  }
0x22: {  	s10 =	simm.s32 $0xE;
	[sflag:s9] =	ssyncadd.s32 $0xFFFFE000  }
0x23: {  	_ =	swait.ge [sflag:s10], $0x2000  }
0x24: {  	[sflag:s10] =	ssyncset.done $0x0  }
0x25: {  	s16 =	simm.s32 $0xF;
	[sflag:s10] =	ssyncadd.s32 $0xFFFFE000  }
0x26: {  	_ =	swait.ge [sflag:s16], $0x2000  }
0x27: {  	[sflag:s16] =	ssyncset.done $0x0  }
0x28: {  	s18 =	simm.s32 $0x10;
	[sflag:s16] =	ssyncadd.s32 $0xFFFFE000  }
0x29: {  	_ =	swait.ge [sflag:s18], $0x2000  }
0x2a: {  	[sflag:s18] =	ssyncset.done $0x0  }
0x2b: {  	[sflag:s18] =	ssyncadd.s32 $0xFFFFE000  }
0x2c: {  	[bflag:$0x0] =	sbarrier.arrive $0xFFFF  }
0x2d: {  	[tilespmem:s19], [sflag:$0x11] =	stream.linear.gather [spmem:s6], $0x2000, $0x38;
	[tilespmem:$0x1F000] =	vst v63  }
0x2e: {  	_ =	swait.ge [sflag:s20], $0x2000  }
0x2f: {  	[sflag:s20] =	ssyncset.done $0x0  }
0x30: {  	s8 =	rddreg [dreg:$0xa];
	[sflag:s20] =	ssyncadd.s32 $0xFFFFE000  }
0x31: {  	[hbm4b:s8+s4] =	stream.linear.scatter [tilespmem:s19], [sflag:$0x11], $0x2000, $0x38;
	[tilespmem:$0x1F000] =	vst v63  }
0x32: {  	_ =	swait.ge [sflag:s20], $0x2000  }
0x33: {  	[sflag:s20] =	ssyncset.done $0x0  }
0x34: {  	s8 =	rddreg [dreg:$0x4];
	[sflag:s20] =	ssyncadd.s32 $0xFFFFE000  }
0x35: {  	[tilespmem:s19], [sflag:$0x11] =	stream.linear.gather [spmem:s8], $0x2000, $0x38;
	[tilespmem:$0x1F000] =	vst v63  }
0x36: {  	_ =	swait.ge [sflag:s20], $0x2000  }
0x37: {  	[sflag:s20] =	ssyncset.done $0x0  }
0x38: {  	s9 =	rddreg [dreg:$0xb];
	[sflag:s20] =	ssyncadd.s32 $0xFFFFE000  }
0x39: {  	[hbm4b:s9+s4] =	stream.linear.scatter [tilespmem:s19], [sflag:$0x11], $0x2000, $0x38;
	[tilespmem:$0x1F000] =	vst v63  }
0x3a: {  	_ =	swait.ge [sflag:s20], $0x2000  }
0x3b: {  	[sflag:s20] =	ssyncset.done $0x0  }
0x3c: {  	s9 =	rddreg [dreg:$0x5];
	[sflag:s20] =	ssyncadd.s32 $0xFFFFE000  }
0x3d: {  	[tilespmem:s19], [sflag:$0x11] =	stream.linear.gather [spmem:s9], $0x2000, $0x38;
	[tilespmem:$0x1F000] =	vst v63  }
0x3e: {  	_ =	swait.ge [sflag:s20], $0x2000  }
0x3f: {  	[sflag:s20] =	ssyncset.done $0x0  }
0x40: {  	s16 =	rddreg [dreg:$0xc];
	[sflag:s20] =	ssyncadd.s32 $0xFFFFE000  }
0x41: {  	[hbm4b:s16+s4] =	stream.linear.scatter [tilespmem:s19], [sflag:$0x11], $0x2000, $0x38;
	[tilespmem:$0x1F000] =	vst v63  }
0x42: {  	_ =	swait.ge [sflag:s20], $0x2000  }
0x43: {  	[sflag:s20] =	ssyncset.done $0x0  }
0x44: {  	s16 =	rddreg [dreg:$0x6];
	[sflag:s20] =	ssyncadd.s32 $0xFFFFE000  }
0x45: {  	[tilespmem:s19], [sflag:$0x11] =	stream.linear.gather [spmem:s16], $0x2000, $0x38;
	[tilespmem:$0x1F000] =	vst v63  }
0x46: {  	_ =	swait.ge [sflag:s20], $0x2000  }
0x47: {  	[sflag:s20] =	ssyncset.done $0x0  }
0x48: {  	s18 =	rddreg [dreg:$0xd];
	[sflag:s20] =	ssyncadd.s32 $0xFFFFE000  }
0x49: {  	[hbm4b:s18+s4] =	stream.linear.scatter [tilespmem:s19], [sflag:$0x11], $0x2000, $0x38;
	[tilespmem:$0x1F000] =	vst v63  }
0x4a: {  	_ =	swait.ge [sflag:s20], $0x2000  }
0x4b: {  	[sflag:s20] =	ssyncset.done $0x0  }
0x4c: {  	s18 =	rddreg [dreg:$0x7];
	[sflag:s20] =	ssyncadd.s32 $0xFFFFE000  }
0x4d: {  	[tilespmem:s19], [sflag:$0x11] =	stream.linear.gather [spmem:s18], $0x2000, $0x38;
	[tilespmem:$0x1F000] =	vst v63  }
0x4e: {  	_ =	swait.ge [sflag:s20], $0x2000  }
0x4f: {  	[sflag:s20] =	ssyncset.done $0x0  }
0x50: {  	s7 =	rddreg [dreg:$0xe];
	[sflag:s20] =	ssyncadd.s32 $0xFFFFE000  }
0x51: {  	[hbm4b:s7+s4] =	stream.linear.scatter [tilespmem:s19], [sflag:$0x11], $0x2000, $0x38;
	[tilespmem:$0x1F000] =	vst v63  }
0x52: {  	_ =	swait.ge [sflag:s20], $0x2000  }
0x53: {  	s17 =	sadd.s32 $0x1, s17;
	s7 =	rddreg [dreg:$0xf]  }
0x54: {  	p0 =	sne.s32 s17, s7  }
.Ltmp1:
0x55: {  	_ = 	snop;
	(pc) =	sbr.rel @!p0 .LBB2_5-.Ltmp1, $3  }
0x56: {  	_ =	sdelay $0x1  }
0x57: {  	[sflag:s20] =	ssyncset.done $0x0  }
0x58: {  	s10 =	smov.u32 s6;
	[sflag:s20] =	ssyncadd.s32 $0xFFFFE000  }
.LBB2_1:
0x59: {  	s7 =	rddreg [dreg:$0x1]  }
0x5a: {  	[tilespmem:s19], [sflag:$0x11] =	stream.linear.gather [hbm4b:s7+s4], $0x2000, $0x38;
	[tilespmem:$0x1F000] =	vst v63  }
0x5b: {  	_ =	swait.ge [sflag:s20], $0x2000  }
0x5c: {  	[sflag:s20] =	ssyncset.done $0x0  }
0x5d: {  	[sflag:s20] =	ssyncadd.s32 $0xFFFFE000  }
0x5e: {  	[spmem:s10] =	stream.linear.scatter [tilespmem:s19], [sflag:$0x11], $0x2000, $0x38;
	[tilespmem:$0x1F000] =	vst v63  }
0x5f: {  	_ =	swait.ge [sflag:s20], $0x2000  }
0x60: {  	[sflag:s20] =	ssyncset.done $0x0  }
0x61: {  	[sflag:s20] =	ssyncadd.s32 $0xFFFFE000  }
0x62: {  	[spmem:s8] =	stream.linear.scatter [tilespmem:s19], [sflag:$0x11], $0x2000, $0x38;
	[tilespmem:$0x1F000] =	vst v63  }
0x63: {  	_ =	swait.ge [sflag:s20], $0x2000  }
0x64: {  	[sflag:s20] =	ssyncset.done $0x0  }
0x65: {  	[sflag:s20] =	ssyncadd.s32 $0xFFFFE000  }
0x66: {  	[spmem:s9] =	stream.linear.scatter [tilespmem:s19], [sflag:$0x11], $0x2000, $0x38;
	[tilespmem:$0x1F000] =	vst v63  }
0x67: {  	_ =	swait.ge [sflag:s20], $0x2000  }
0x68: {  	[sflag:s20] =	ssyncset.done $0x0  }
0x69: {  	[sflag:s20] =	ssyncadd.s32 $0xFFFFE000  }
0x6a: {  	[spmem:s16] =	stream.linear.scatter [tilespmem:s19], [sflag:$0x11], $0x2000, $0x38;
	[tilespmem:$0x1F000] =	vst v63  }
0x6b: {  	_ =	swait.ge [sflag:s20], $0x2000  }
0x6c: {  	[sflag:s20] =	ssyncset.done $0x0  }
0x6d: {  	[sflag:s20] =	ssyncadd.s32 $0xFFFFE000  }
0x6e: {  	[spmem:s18] =	stream.linear.scatter [tilespmem:s19], [sflag:$0x11], $0x2000, $0x38;
	[tilespmem:$0x1F000] =	vst v63  }
0x6f: {  	_ =	swait.ge [sflag:s20], $0x2000  }
0x70: {  	[sflag:s20] =	ssyncset.done $0x0  }
0x71: {  	s8 =	rddreg [dreg:$0x8];
	[sflag:s20] =	ssyncadd.s32 $0xFFFFE000  }
0x72: {  	[tilespmem:s4], [sflag:$0x11] =	stream.linear.gather [hbm4b:s8+s4], $0x1400, $0x38;
	[tilespmem:$0x1F000] =	vst v63  }
0x73: {  	_ =	swait.ge [sflag:s20], $0x1400  }
0x74: {  	s6 =	smov.u32 s10;
	[sflag:s20] =	ssyncset.done $0x0  }
0x75: {  	s10 =	simm.s32 $0x2800;
	s9 =	rddreg [dreg:$0x9];
	[sflag:s20] =	ssyncadd.s32 $0xFFFFEC00  }
0x76: {  	[tilespmem:s10], [sflag:$0x11] =	stream.linear.gather [hbm4b:s9+s4], $0x1400, $0x38;
	[tilespmem:$0x1F000] =	vst v63  }
0x77: {  	_ =	swait.ge [sflag:s20], $0x1400  }
0x78: {  	[sflag:s20] =	ssyncset.done $0x0  }
0x79: {  	[sflag:s20] =	ssyncadd.s32 $0xFFFFEC00  }
0x7a: {  	[bflag:$0x0] =	sbarrier.arrive $0xFFFF  }
0x7b: {  	[tilespmem:s19], [sflag:$0x1] =	stream.indirect.gather [hbm4b:s5+s22], $0x40, s4, s22, $0xb8;
	[tilespmem:$0x1F000] =	vst v63  }
0x7c: {  	_ = 	snop  }
0x7d: {  	[tilespmem:s23], [sflag:$0x2] =	stream.indirect.gather [hbm4b:s5+s22], $0x40, s22, s22, $0xb8;
	[tilespmem:$0x1F000] =	vst v63  }
0x7e: {  	s16 =	simm.s32 $0x100  }
0x7f: {  	[tilespmem:s25], [sflag:$0x3] =	stream.indirect.gather [hbm4b:s5+s22], $0x40, s16, s22, $0xb8;
	[tilespmem:$0x1F000] =	vst v63  }
0x80: {  	s18 =	simm.s32 $0x180  }
0x81: {  	[tilespmem:s28], [sflag:$0x4] =	stream.indirect.gather [hbm4b:s5+s22], $0x40, s18, s22, $0xb8;
	[tilespmem:$0x1F000] =	vst v63  }
0x82: {  	s18 =	simm.s32 $0x0  }
.LBB2_2:
0x83: {  	_ =	swait.ge [sflag:s29], $0x2000  }
0x84: {  	s16 =	sshra.s32 s18, $0x2;
	[sflag:s29] =	ssyncset.done $0x0  }
0x85: {  	p0 =	seq.s32 s18, $0x0;
	s7 =	sadd.s32 $0x2800, s16;
	[sflag:s29] =	ssyncadd.s32 $0xFFFFE000  }
0x86: {  	[spmem:s3] =	stream.indirect.scatter.add.f32 [tilespmem:s19], [sflag:$0x9], $0x40, s7, s22, $0xb8;
	[tilespmem:$0x1F000] =	vst v63  }
0x87: {  	s7 =	simm.s32 @!p0 $0xD  }
0x88: {  	_ =	swait.ge @!p0 [sflag:s7], $0x2000  }
0x89: {  	[sflag:s7] =	ssyncset.done @!p0 $0x0  }
0x8a: {  	s8 =	sadd.s32 $0x200, s16;
	[sflag:s7] =	ssyncadd.s32 @!p0 $0xFFFFE000  }
0x8b: {  	[tilespmem:s30], [sflag:$0x5] =	stream.indirect.gather [hbm4b:s5+s22], $0x40, s8, s22, $0xb8;
	[tilespmem:$0x1F000] =	vst v63  }
0x8c: {  	_ =	swait.ge [sflag:s31], $0x2000  }
0x8d: {  	[sflag:s31] =	ssyncset.done $0x0  }
0x8e: {  	s9 =	sadd.s32 $0x2880, s16;
	s7 =	simm.s32 @!p0 $0xE;
	[sflag:s31] =	ssyncadd.s32 $0xFFFFE000  }
0x8f: {  	[spmem:s3] =	stream.indirect.scatter.add.f32 [tilespmem:s23], [sflag:$0xA], $0x40, s9, s22, $0xb8;
	[tilespmem:$0x1F000] =	vst v63  }
0x90: {  	_ =	swait.ge @!p0 [sflag:s7], $0x2000  }
0x91: {  	[sflag:s7] =	ssyncset.done @!p0 $0x0  }
0x92: {  	s10 =	sadd.s32 $0x280, s16;
	[sflag:s7] =	ssyncadd.s32 @!p0 $0xFFFFE000  }
0x93: {  	[tilespmem:s1], [sflag:$0x6] =	stream.indirect.gather [hbm4b:s5+s22], $0x40, s10, s22, $0xb8;
	[tilespmem:$0x1F000] =	vst v63  }
0x94: {  	_ =	swait.ge [sflag:s0], $0x2000  }
0x95: {  	[sflag:s0] =	ssyncset.done $0x0  }
0x96: {  	s8 =	sadd.s32 $0x2900, s16;
	s7 =	simm.s32 @!p0 $0xF;
	[sflag:s0] =	ssyncadd.s32 $0xFFFFE000  }
0x97: {  	[spmem:s3] =	stream.indirect.scatter.add.f32 [tilespmem:s25], [sflag:$0xB], $0x40, s8, s22, $0xb8;
	[tilespmem:$0x1F000] =	vst v63  }
0x98: {  	_ =	swait.ge @!p0 [sflag:s7], $0x2000  }
0x99: {  	[sflag:s7] =	ssyncset.done @!p0 $0x0  }
0x9a: {  	s9 =	sadd.s32 $0x300, s16;
	[sflag:s7] =	ssyncadd.s32 @!p0 $0xFFFFE000  }
0x9b: {  	[tilespmem:s2], [sflag:$0x7] =	stream.indirect.gather [hbm4b:s5+s22], $0x40, s9, s22, $0xb8;
	[tilespmem:$0x1F000] =	vst v63  }
0x9c: {  	_ =	swait.ge [sflag:s21], $0x2000  }
0x9d: {  	[sflag:s21] =	ssyncset.done $0x0  }
0x9e: {  	s10 =	sadd.s32 $0x2980, s16;
	s7 =	simm.s32 @!p0 $0x10;
	[sflag:s21] =	ssyncadd.s32 $0xFFFFE000  }
0x9f: {  	[spmem:s3] =	stream.indirect.scatter.add.f32 [tilespmem:s28], [sflag:$0xC], $0x40, s10, s22, $0xb8;
	[tilespmem:$0x1F000] =	vst v63  }
0xa0: {  	_ =	swait.ge @!p0 [sflag:s7], $0x2000  }
0xa1: {  	[sflag:s7] =	ssyncset.done @!p0 $0x0  }
0xa2: {  	s8 =	sadd.s32 $0x380, s16;
	[sflag:s7] =	ssyncadd.s32 @!p0 $0xFFFFE000  }
0xa3: {  	[tilespmem:s24], [sflag:$0x8] =	stream.indirect.gather [hbm4b:s5+s22], $0x40, s8, s22, $0xb8;
	[tilespmem:$0x1F000] =	vst v63  }
0xa4: {  	_ =	swait.ge [sflag:s26], $0x2000  }
0xa5: {  	[sflag:s26] =	ssyncset.done $0x0  }
0xa6: {  	s9 =	sadd.s32 $0x2A00, s16;
	[sflag:s26] =	ssyncadd.s32 $0xFFFFE000  }
0xa7: {  	[spmem:s3] =	stream.indirect.scatter.add.f32 [tilespmem:s30], [sflag:$0xD], $0x40, s9, s22, $0xb8;
	[tilespmem:$0x1F000] =	vst v63  }
0xa8: {  	_ =	swait.ge [sflag:s11], $0x2000  }
0xa9: {  	p0 =	seq.s32 s18, $0x4000;
	[sflag:s11] =	ssyncset.done $0x0  }
0xaa: {  	s7 =	simm.s32 @p0 $0x6;
	[sflag:s11] =	ssyncadd.s32 $0xFFFFE000  }
0xab: {  	_ =	swait.ge @p0 [sflag:s7], $0x2000  }
0xac: {  	[sflag:s7] =	ssyncset.done @p0 $0x0  }
0xad: {  	[sflag:s7] =	ssyncadd.s32 @p0 $0xFFFFE000;
	s7 =	sshra.s32 @p0 s18, $0x2  }
0xae: {  	s8 =	simm.s32 @p0 $0x80;
	s9 =	simm.s32 @p0 $0xF000;
	s7 =	sadd.s32 @p0 $0x2A80, s7  }
0xaf: {  	[spmem:s3] =	stream.indirect.scatter.add.f32 @p0 [tilespmem:s9], [sflag:$0xE], $0x40, s7, s8, $0xb8;
	[tilespmem:$0x1F000] =	vst v63  }
0xb0: {  	s7 =	simm.s32 @p0 $0xA  }
0xb1: {  	_ =	swait.ge @p0 [sflag:s7], $0x2000  }
0xb2: {  	[sflag:s7] =	ssyncset.done @p0 $0x0  }
0xb3: {  	[sflag:s7] =	ssyncadd.s32 @p0 $0xFFFFE000;
	s7 =	sshra.s32 @!p0 s18, $0x2  }
0xb4: {  	s10 =	simm.s32 @!p0 $0x5000;
	s9 =	simm.s32 @!p0 $0x80;
	s8 =	sadd.s32 @!p0 $0x400, s7  }
0xb5: {  	[tilespmem:s10], [sflag:$0x1] =	stream.indirect.gather @!p0 [hbm4b:s5+s9], $0x40, s8, s9, $0xb8;
	[tilespmem:$0x1F000] =	vst v63  }
0xb6: {  	s8 =	simm.s32 @!p0 $0x6  }
0xb7: {  	_ =	swait.ge @!p0 [sflag:s8], $0x2000  }
0xb8: {  	[sflag:s8] =	ssyncset.done @!p0 $0x0  }
0xb9: {  	s10 =	simm.s32 @!p0 $0xF000;
	[sflag:s8] =	ssyncadd.s32 @!p0 $0xFFFFE000;
	s8 =	sadd.s32 @!p0 $0x2A80, s7  }
0xba: {  	[spmem:s3] =	stream.indirect.scatter.add.f32 @!p0 [tilespmem:s10], [sflag:$0xE], $0x40, s8, s9, $0xb8;
	[tilespmem:$0x1F000] =	vst v63  }
0xbb: {  	s8 =	simm.s32 @!p0 $0xA  }
0xbc: {  	_ =	swait.ge @!p0 [sflag:s8], $0x2000  }
0xbd: {  	[sflag:s8] =	ssyncset.done @!p0 $0x0  }
0xbe: {  	s7 =	sadd.s32 @!p0 $0x480, s7;
	[sflag:s8] =	ssyncadd.s32 @!p0 $0xFFFFE000;
	s8 =	simm.s32 @!p0 $0x7000  }
0xbf: {  	[tilespmem:s8], [sflag:$0x2] =	stream.indirect.gather @!p0 [hbm4b:s5+s9], $0x40, s7, s9, $0xb8;
	[tilespmem:$0x1F000] =	vst v63  }
0xc0: {  	_ =	swait.ge [sflag:s12], $0x2000  }
0xc1: {  	[sflag:s12] =	ssyncset.done $0x0  }
.Ltmp2:
0xc2: {  	s10 =	sadd.s32 $0x2B00, s16;
	[sflag:s12] =	ssyncadd.s32 $0xFFFFE000;
	(pc) =	sbr.rel @p0 .LBB2_4-.Ltmp2, $4  }
0xc3: {  	[spmem:s3] =	stream.indirect.scatter.add.f32 [tilespmem:s2], [sflag:$0xF], $0x40, s10, s22, $0xb8;
	[tilespmem:$0x1F000] =	vst v63  }
0xc4: {  	_ =	swait.ge [sflag:s13], $0x2000  }
0xc5: {  	[sflag:s13] =	ssyncset.done $0x0  }
0xc6: {  	s7 =	sadd.s32 $0x2B80, s16;
	[sflag:s13] =	ssyncadd.s32 $0xFFFFE000  }
0xc7: {  	s8 =	sadd.s32 $0x500, s16  }
0xc8: {  	[tilespmem:s25], [sflag:$0x3] =	stream.indirect.gather [hbm4b:s5+s22], $0x40, s8, s22, $0xb8;
	[tilespmem:$0x1F000] =	vst v63  }
0xc9: {  	_ =	swait.ge [sflag:s14], $0x2000  }
0xca: {  	[sflag:s14] =	ssyncset.done $0x0  }
0xcb: {  	[sflag:s14] =	ssyncadd.s32 $0xFFFFE000  }
0xcc: {  	[spmem:s3] =	stream.indirect.scatter.add.f32 [tilespmem:s24], [sflag:$0x10], $0x40, s7, s22, $0xb8;
	[tilespmem:$0x1F000] =	vst v63  }
.Ltmp3:
0xcd: {  	_ = 	snop;
	(pc) =	sbr.rel .LBB2_2-.Ltmp3, $4  }
0xce: {  	_ =	swait.ge [sflag:s15], $0x2000  }
0xcf: {  	[sflag:s15] =	ssyncset.done $0x0  }
0xd0: {  	s16 =	sadd.s32 $0x580, s16;
	s18 =	sadd.s32 $0x1000, s18;
	[sflag:s15] =	ssyncadd.s32 $0xFFFFE000  }
0xd1: {  	[tilespmem:s28], [sflag:$0x4] =	stream.indirect.gather [hbm4b:s5+s22], $0x40, s16, s22, $0xb8;
	[tilespmem:$0x1F000] =	vst v63  }
.LBB2_5:
0xd2: {  	_ =	sfence.sel $0x180000  }
0xd3: {  	[bflag:$0x0] =	sbarrier.arrive $0xFFFF  }
0xd4: {  	_ =	strace $0x9000004D  }
0xd5: {  	s0 =	stileid.u32;
	[bflag:$0x2] =	sbarrier.arrive $0xFFFF  }
0xd6: {  	p0 =	sne.s32 s0, $0x0;
	s0 =	rddreg [dreg:$0x3]  }
0xd7: {  	s0 =	sadd.s32 @!p0 $0x100000, s0  }
0xd8: {  	[sflag:s0] =	ssyncadd.tile.s32 @!p0 $0x1;
	_ =	shalt  }
.Lfunc_end2:
_tile_overlayer_lowered:
.L_overlay_start_2:
0xd9: {  	(tag) =	ssettag $0x2  }
0xda: {  	s0 =	rddreg [dreg:$0x0];
	s2 =	stileid.u32  }
0xdb: {  	s1 =	rddreg [dreg:$0x1];
	p0 =	sne.s32 s2, $0x0  }
0xdc: {  	s3 =	rddreg [dreg:$0x2];
	[bflag:$0x3] =	sbarrier.arrive $0xFFFF;
	s2 =	simm.s32 @!p0 $0x1C11  }
0xdd: {  	[timem:s3], [sflag:s2] =	dma.local @!p0 [hbm:s0], s1  }
0xde: {  	s0 =	simm.s32 @!p0 $0x11  }
0xdf: {  	_ =	swait.ge @!p0 [sflag:s0], s1  }
0xe0: {  	s1 =	ssub.s32 @!p0 $0x0, s1;
	[sflag:s0] =	ssyncset.done @!p0 $0x0  }
0xe1: {  	[sflag:s0] =	ssyncadd.s32 @!p0 s1  }
0xe2: {  	[bflag:$0x3] =	sbarrier.arrive $0xFFFF  }
0xe3: {  	_ =	shalt  }

// kernel: kernel.8.cloned.1.call-start
scs
__scs_entry_jumppad:
0x0: {  	(pc) =	sbr.rel $0x88, $3  }
0x1: {  	(tag) =	ssettag $0x0;
	lr =	simm.s32 $0x1  }
0x2: {  	[smem:$0x3F9B] =	sst lr;
	_ =	strace $0xD0000000  }
0x3: {  	_ = 	snop  }
0x4: {  	_ = 	snop  }
0x5: {  	_ = 	snop  }
0x6: {  	_ = 	snop  }
0x7: {  	_ = 	snop  }
__scs_overlays_trampoline_lowered:
0x8: {  	[smem:$0x3FAA] =	sst s0  }
0x9: {  	[smem:$0x3FAB] =	sst s1  }
0xa: {  	[smem:$0x3FAC] =	sst s2  }
0xb: {  	[smem:$0x3FAD] =	sst s3  }
0xc: {  	[smem:$0x3FAE] =	sst s4  }
0xd: {  	[smem:$0x3FAF] =	sst s5  }
0xe: {  	[smem:$0x3FB0] =	sst s6  }
0xf: {  	[smem:$0x3FB1] =	sst s7  }
0x10: {  	[smem:$0x3FB2] =	sst s8  }
0x11: {  	[smem:$0x3FB3] =	sst s9;
	s0 =	simm.s32 @!p0 $0x0  }
0x12: {  	s1 =	sld [smem:$0x3F99];
	s0 =	simm.s32 @p0 $0x1  }
0x13: {  	[smem:$0x3FB4] =	sst s0;
	s0 =	simm.s32 @!p1 $0x0  }
0x14: {  	s2 =	sld [smem:$0x3F98];
	s0 =	simm.s32 @p1 $0x1  }
0x15: {  	[smem:$0x3FB5] =	sst s0;
	s0 =	simm.s32 @!p2 $0x0  }
0x16: {  	s3 =	sld [smem:$0x3FDB];
	s0 =	simm.s32 @p2 $0x1  }
0x17: {  	s4 =	simm.s32 $0x1BF5;
	[smem:$0x3FB7] =	sst s0  }
0x18: {  	s0 =	sld [smem:$0x3F9A];
	_ =	swait.ge [sflag:s4], $0x0  }
0x19: {  	s7 =	sld [smem:$0x3F9B]  }
0x1a: {  	s8 =	sadd.s32 $0xFFFFE003, lr  }
0x1b: {  	s9 =	sadd.s32 $0xFFFFFEF7, lr;
	s5 =	simm.s32 $0xFFFFFFFF;
	p2 =	slt.u32 s8, $0xFFFFF086  }
0x1c: {  	p1 =	slt.u32 s9, $0xF7A;
	s5 =	simm.s32 @!p2 $0x0  }
0x1d: {  	s5 =	simm.s32 @p1 $0x1;
	p0 =	seq.s32 s7, s2  }
0x1e: {  	s7 =	smul.u32 @!p0 $0xF7A, s2;
	p2 =	seq.s32 @!p0 s5, $0x0  }
0x1f: {  	s9 =	smul.u32 $0xF7A, s1;
	s8 =	simm.s32 @!p0 $0x1BF5;
	p2 =	por !p2, p0  }
0x20: {  	[sflag:s8] =	ssyncset.s32 @!p0 $0xFFFFF086;
	s6 =	sadd.s32 @!p0 s3, s7;
	s7 =	simm.s32 @!p0 $0x108  }
0x21: {  	s3 =	sadd.s32 s3, s9;
	s6 =	sadd.s32 @!p0 $0x88, s6;
	s7 =	simm.s32 @p2 $0x1082  }
0x22: {  	[simem:s7], [sflag:s8] =	dma.local @!p0 [hbm:s6], $0xF7A  }
0x23: {  	s9 =	sor.u32 $0xD0000000, s2;
	s6 =	simm.s32 $0x108;
	_ =	swait.ge @!p0 [sflag:s8], $0x0  }
0x24: {  	s3 =	sadd.s32 $0x88, s3;
	s6 =	simm.s32 @!p1 $0x1082;
	[sflag:s4] =	ssyncset.s32 $0xFFFFF086  }
0x25: {  	[simem:s6], [sflag:s4] =	dma.local [hbm:s3], $0xF7A  }
0x26: {  	[smem:$0x3F9B] =	sst s1;
	(tag) =	ssettag s2;
	_ =	strace s9  }
0x27: {  	s1 =	sld [smem:$0x3FAB]  }
0x28: {  	s2 =	sld [smem:$0x3FAC]  }
0x29: {  	s4 =	sld [smem:$0x3FAE]  }
0x2a: {  	p0 =	seq.s32 s5, $0x0;
	s5 =	sld [smem:$0x3FAF]  }
0x2b: {  	s6 =	sld [smem:$0x3FB0]  }
0x2c: {  	s7 =	sld [smem:$0x3FB1]  }
0x2d: {  	s3 =	simm.s32 $0x108;
	s8 =	sld [smem:$0x3FB2]  }
0x2e: {  	s3 =	simm.s32 @!p0 $0x1082;
	s9 =	sld [smem:$0x3FB3]  }
0x2f: {  	lr =	sadd.s32 s0, s3;
	s0 =	sld [smem:$0x3FAA]  }
0x30: {  	s3 =	sld [smem:$0x3FAD]  }
0x31: {  	[smem:$0x3FB6] =	sst s10  }
0x32: {  	s10 =	sld [smem:$0x3FB4];
	_ =	sdelay $0x3  }
0x33: {  	p0 =	seq.s32 s10, $0x1;
	s10 =	sld [smem:$0x3FB6];
	_ =	sdelay $0x3  }
0x34: {  	[smem:$0x3FB6] =	sst s10  }
0x35: {  	s10 =	sld [smem:$0x3FB5];
	_ =	sdelay $0x3  }
0x36: {  	p1 =	seq.s32 s10, $0x1;
	s10 =	sld [smem:$0x3FB6];
	_ =	sdelay $0x3  }
0x37: {  	[smem:$0x3FB6] =	sst s10  }
0x38: {  	s10 =	sld [smem:$0x3FB7]  }
0x39: {  	_ = 	snop;
	(pc) =	sbr.ind lr, $3  }
0x3a: {  	_ = 	snop  }
0x3b: {  	_ = 	snop  }
0x3c: {  	p2 =	seq.s32 s10, $0x1;
	s10 =	sld [smem:$0x3FB6]  }
0x3d: {  	_ =	shalt  }
0x3e: {  	_ =	shalt  }
0x3f: {  	_ =	shalt  }
0x40: {  	_ =	shalt  }
0x41: {  	_ =	shalt  }
0x42: {  	_ =	shalt  }
0x43: {  	_ =	shalt  }
0x44: {  	_ =	shalt  }
0x45: {  	_ =	shalt  }
0x46: {  	_ =	shalt  }
0x47: {  	_ =	shalt  }
0x48: {  	_ =	shalt  }
0x49: {  	_ =	shalt  }
0x4a: {  	_ =	shalt  }
0x4b: {  	_ =	shalt  }
0x4c: {  	_ =	shalt  }
0x4d: {  	_ =	shalt  }
0x4e: {  	_ =	shalt  }
0x4f: {  	_ =	shalt  }
0x50: {  	_ =	shalt  }
0x51: {  	_ =	shalt  }
0x52: {  	_ =	shalt  }
0x53: {  	_ =	shalt  }
0x54: {  	_ =	shalt  }
0x55: {  	_ =	shalt  }
0x56: {  	_ =	shalt  }
0x57: {  	_ =	shalt  }
0x58: {  	_ =	shalt  }
0x59: {  	_ =	shalt  }
0x5a: {  	_ =	shalt  }
0x5b: {  	_ =	shalt  }
0x5c: {  	_ =	shalt  }
0x5d: {  	_ =	shalt  }
0x5e: {  	_ =	shalt  }
0x5f: {  	_ =	shalt  }
0x60: {  	_ =	shalt  }
0x61: {  	_ =	shalt  }
0x62: {  	_ =	shalt  }
0x63: {  	_ =	shalt  }
0x64: {  	_ =	shalt  }
0x65: {  	_ =	shalt  }
0x66: {  	_ =	shalt  }
0x67: {  	_ =	shalt  }
0x68: {  	_ =	shalt  }
0x69: {  	_ =	shalt  }
0x6a: {  	_ =	shalt  }
0x6b: {  	_ =	shalt  }
0x6c: {  	_ =	shalt  }
0x6d: {  	_ =	shalt  }
0x6e: {  	_ =	shalt  }
0x6f: {  	_ =	shalt  }
0x70: {  	_ =	shalt  }
0x71: {  	_ =	shalt  }
0x72: {  	_ =	shalt  }
0x73: {  	_ =	shalt  }
0x74: {  	_ =	shalt  }
0x75: {  	_ =	shalt  }
0x76: {  	_ =	shalt  }
0x77: {  	_ =	shalt  }
0x78: {  	_ =	shalt  }
0x79: {  	_ =	shalt  }
0x7a: {  	_ =	shalt  }
0x7b: {  	_ =	shalt  }
0x7c: {  	_ =	shalt  }
0x7d: {  	_ =	shalt  }
0x7e: {  	_ =	shalt  }
0x7f: {  	_ =	shalt  }
0x80: {  	_ =	shalt  }
0x81: {  	_ =	shalt  }
0x82: {  	_ =	shalt  }
0x83: {  	_ =	shalt  }
0x84: {  	_ =	shalt  }
0x85: {  	_ =	shalt  }
0x86: {  	_ =	shalt  }
0x87: {  	_ =	shalt  }
.Lfunc_end0:
.L_simem_size_0:
called_computation_lowered:
.L_overlay_start_0:
0x88: {  	s2 =	sld [smem:$0x3FD9]  }
0x89: {  	s3 =	sld [smem:$0x3FFE];
	_ =	sdelay $0x1  }
0x8a: {  	s1 =	srdreg.scid  }
0x8b: {  	s0 =	sand.u32 $0x1, s1  }
0x8c: {  	s17 =	sshll.u32 s0, $0xA;
	s2 =	sadd.s32 s3, s2  }
0x8d: {  	s2 =	sadd.s32 s2, s17  }
0x8e: {  	[smem:$0x3FC2] =	sst s2  }
0x8f: {  	_ = 	snop  }
0x90: {  	s2 =	sld [smem:$0x3FD0];
	(tm) =	ssettm $0x1  }
0x91: {  	s18 =	sld [smem:$0x3FFB];
	_ =	sdelay $0x3  }
0x92: {  	_ =	strace s18  }
0x93: {  	s3 =	sld [smem:$0x3FFC];
	_ =	sdelay $0x3  }
0x94: {  	_ =	strace s3  }
0x95: {  	s3 =	sld [smem:$0x3FFD];
	_ =	sdelay $0x3  }
0x96: {  	_ =	strace s3  }
0x97: {  	_ =	strace $0x8FFFFFFF  }
0x98: {  	s19 =	sld [smem:$0x3FDB];
	_ =	sdelay $0x1  }
0x99: {  	s4 =	simm.s32 $_scs_section_size  }
0x9a: {  	s5 =	simm.s32 $_size__tile_overlayer_lowered;
	s6 =	simm.s32 $_tile_overlayer_lowered  }
0x9b: {  	s22 =	simm.s32 $0x1BFF;
	s21 =	sshll.u32 s6, $0x1;
	s3 =	sadd.s32 s4, s19  }
0x9c: {  	s7 =	simm.s32 $0x0;
	s20 =	sshll.u32 s5, $0x1;
	s5 =	sadd.s32 s21, s3  }
0x9d: {  	[timem:s7], [sflag:s22] =	dma.local [hbm:s5], s20  }
0x9e: {  	_ =	swait.ge [sflag:s22], s20  }
0x9f: {  	s4 =	ssub.s32 $0x0, s20;
	[sflag:s22] =	ssyncset.done $0x0  }
0xa0: {  	[sflag:s22] =	ssyncadd.s32 s4;
	_ =	sdelay $0x1  }
0xa1: {  	s23 =	simm.s32 $0x1B8B  }
0xa2: {  	_ =	swait.ge [sflag:s23], $0x1  }
0xa3: {  	[sflag:s23] =	ssyncset.done $0x0  }
0xa4: {  	s25 =	simm.s32 $0x1B8E;
	s24 =	sld [smem:$0x3FFE];
	[sflag:s23] =	ssyncadd.s32 $0xFFFFFFFF  }
0xa5: {  	s26 =	simm.s32 $execute0_lowered;
	[smem:$0x3FD2] =	sst s25  }
0xa6: {  	s5 =	sshll.u32 s26, $0x1;
	_ =	strace $0x80000046;
	[dreg:$0x1] =	wrdreg $0xFFFFFFFF  }
0xa7: {  	s28 =	simm.s32 $_size_execute0_lowered;
	s3 =	sadd.s32 s3, s5;
	[dreg:$0x0] =	wrdreg $0x0  }
0xa8: {  	s5 =	sshll.u32 s28, $0x1;
	[dreg:$0x2] =	wrdreg s3  }
0xa9: {  	[dreg:$0x3] =	wrdreg s5  }
0xaa: {  	[dreg:$0x4] =	wrdreg $0xC0  }
0xab: {  	_ =	task [dreg:s7], $0x5FFFF  }
0xac: {  	[dreg:$0x1] =	wrdreg $0xFFFFFFFF  }
0xad: {  	[dreg:$0x0] =	wrdreg $0x60  }
0xae: {  	[dreg:$0x2] =	wrdreg s2  }
0xaf: {  	[dreg:$0x3] =	wrdreg s24  }
0xb0: {  	[dreg:$0x4] =	wrdreg $0x5000  }
0xb1: {  	[dreg:$0x5] =	wrdreg $0x9  }
0xb2: {  	_ =	task.clear_ibuf [dreg:s7], $0x6FFFF;
	_ =	strace $0x90000046  }
0xb3: {  	s29 =	simm.s32 $0x9;
	_ =	strace $0x80000048  }
0xb4: {  	_ =	swait.ge [sflag:s29], $0x1  }
0xb5: {  	[sflag:s29] =	ssyncadd.s32 $0xFFFFFFFF  }
0xb6: {  	_ =	strace $0x90000048  }
0xb7: {  	_ =	sfence  }
0xb8: {  	s30 =	sld [smem:$0x0];
	_ =	sdelay $0x2  }
0xb9: {  	s31 =	sshll.u32 s1, $0xD;
	s1 =	sshrl.u32 s1, $0x2  }
0xba: {  	s3 =	sand.u32 $0x4000, s31;
	s1 =	sadd.s32 s1, s30  }
0xbb: {  	s0 =	sor.u32 s3, s0;
	s1 =	sshll.u32 s1, $0x11  }
0xbc: {  	s0 =	sor.u32 s1, s0  }
0xbd: {  	s0 =	sadd.s32 $0x8F2B, s0  }
0xbe: {  	[sflag:s0] =	ssyncadd.remote.s32 $0x1  }
0xbf: {  	_ =	sfence.sel $0xFFFF  }
0xc0: {  	[dreg:$0x0] =	wrdreg $0xFFFFFFFF;
	(pc) =	sbr.abs _section_cstart, $3  }
0xc1: {  	[dreg:$0x1] =	wrdreg $0xFFFFFFFF  }
0xc2: {  	_ =	task.clear_ibuf [dreg:s7], $0x2FFFF;
	_ =	strace $0x9FFFFFFF  }
0xc3: {  	(tm) =	ssettm $0x7FFFFFFF  }
tec
execute0_lowered:
.L_overlay_start_1:
0x0: {  	(tag) =	ssettag $0x1  }
0x1: {  	s8 =	rddreg [dreg:$0x0]  }
0x2: {  	s5 =	rddreg [dreg:$0x1]  }
0x3: {  	s2 =	rddreg [dreg:$0x2]  }
0x4: {  	s0 =	rddreg [dreg:$0x3]  }
0x5: {  	s4 =	srdreg.scid;
	s1 =	stileid.u32;
	s3 =	simm.s32 $0x0  }
0x6: {  	s13 =	simm.s32 $0x100;
	s14 =	simm.s32 $0x180;
	s6 =	smul.u32 $0x280, s1  }
0x7: {  	s15 =	simm.s32 $0x0;
	s4 =	sand.u32 $0x1, s4;
	s11 =	smul.u32 $0x2800, s1  }
0x8: {  	[smem:$0x7FF] =	sst s3;
	s7 =	smul.u32 $0x2800, s4;
	s10 =	ssub.s32 $0x2, s4  }
0x9: {  	_ =	strace $0x80000047;
	s9 =	smul.u32 $0x28000, s4;
	s12 =	sshrl.u32 s10, $0x1  }
0xa: {  	s4 =	sadd.s32 $0x1200, s5;
	s7 =	sadd.s32 s6, s7;
	s10 =	ssub.s32 s10, s12  }
0xb: {  	s9 =	sadd.s32 s11, s9;
	s11 =	simm.s32 $0x80;
	s7 =	sshrl.u32 s7, $0x3  }
0xc: {  	s12 =	simm.s32 $0x200;
	s9 =	sshrl.u32 s9, $0x3;
	s7 =	sadd.s32 s7, s5  }
0xd: {  	s5 =	sadd.s32 s6, s2;
	s8 =	sadd.s32 s9, s8;
	s9 =	simm.s32 $0x280  }
0xe: {  	v0 =	vimm.f32 $1.000000000e+00;
	s6 =	sadd.s32 $0x1800, s7;
	s7 =	smax.u32 s10, $0x1;
	s10 =	simm.s32 $0x1  }
.LBB2_1:
0xf: {  	[tilespmem:s9], [sflag:$0x1] =	stream.linear.gather [hbm4b:s4+s3], $0x280, $0x38;
	[tilespmem:$0x780] =	vst v63  }
0x10: {  	_ =	swait.ge [sflag:s10], $0x280  }
0x11: {  	[sflag:s10] =	ssyncset.done $0x0  }
0x12: {  	[sflag:s10] =	ssyncadd.s32 $0xFFFFFD80  }
0x13: {  	[spmem:s5] =	stream.linear.scatter [tilespmem:s9], [sflag:$0x1], $0x280, $0x38;
	[tilespmem:$0x780] =	vst v63  }
0x14: {  	_ =	swait.ge [sflag:s10], $0x280  }
0x15: {  	[sflag:s10] =	ssyncset.done $0x0  }
0x16: {  	[sflag:s10] =	ssyncadd.s32 $0xFFFFFD80  }
0x17: {  	[tilespmem:$0x200] =	vst v0  }
0x18: {  	[tilespmem:$0x210] =	vst v0  }
0x19: {  	[tilespmem:$0x220] =	vst v0  }
0x1a: {  	[tilespmem:$0x230] =	vst v0  }
0x1b: {  	[tilespmem:$0x240] =	vst v0  }
0x1c: {  	[tilespmem:$0x250] =	vst v0  }
0x1d: {  	[tilespmem:$0x260] =	vst v0  }
0x1e: {  	[tilespmem:$0x270] =	vst v0  }
0x1f: {  	s16 =	sadd.s32 $0x0, s8;
	[bflag:$0x0] =	sbarrier.arrive $0xFFFF  }
0x20: {  	[tilespmem:s3], [sflag:$0x1] =	stream.linear.gather [hbm4b:s16+s3], $0x200, $0x38;
	[tilespmem:$0x780] =	vst v63  }
0x21: {  	_ =	swait.ge [sflag:s10], $0x200  }
0x22: {  	[sflag:s10] =	ssyncset.done $0x0  }
0x23: {  	[sflag:s10] =	ssyncadd.s32 $0xFFFFFE00  }
0x24: {  	[spmem:s2] =	stream.indirect.scatter.add.f32 [tilespmem:s12], [sflag:$0x1], $0x1, s3, s11, $0xb8;
	[tilespmem:$0x780] =	vst v63  }
0x25: {  	_ =	swait.ge [sflag:s10], $0x80  }
0x26: {  	[sflag:s10] =	ssyncset.done $0x0  }
0x27: {  	[sflag:s10] =	ssyncadd.s32 $0xFFFFFF80  }
0x28: {  	[spmem:s2] =	stream.indirect.scatter.add.f32 [tilespmem:s12], [sflag:$0x1], $0x1, s11, s11, $0xb8;
	[tilespmem:$0x780] =	vst v63  }
0x29: {  	_ =	swait.ge [sflag:s10], $0x80  }
0x2a: {  	[sflag:s10] =	ssyncset.done $0x0  }
0x2b: {  	[sflag:s10] =	ssyncadd.s32 $0xFFFFFF80  }
0x2c: {  	[spmem:s2] =	stream.indirect.scatter.add.f32 [tilespmem:s12], [sflag:$0x1], $0x1, s13, s11, $0xb8;
	[tilespmem:$0x780] =	vst v63  }
0x2d: {  	_ =	swait.ge [sflag:s10], $0x80  }
0x2e: {  	[sflag:s10] =	ssyncset.done $0x0  }
0x2f: {  	[sflag:s10] =	ssyncadd.s32 $0xFFFFFF80  }
0x30: {  	[spmem:s2] =	stream.indirect.scatter.add.f32 [tilespmem:s12], [sflag:$0x1], $0x1, s14, s11, $0xb8;
	[tilespmem:$0x780] =	vst v63  }
0x31: {  	_ =	swait.ge [sflag:s10], $0x80  }
0x32: {  	s17 =	simm.s32 $0x80;
	s16 =	simm.s32 $0x40;
	[sflag:s10] =	ssyncset.done $0x0  }
.LBB2_2:
0x33: {  	s18 =	sadd.s32 s16, s8  }
0x34: {  	[sflag:s10] =	ssyncadd.s32 $0xFFFFFF80;
	s16 =	smov.u32 s17;
	s19 =	sadd.s32 $0x40, s17  }
0x35: {  	[tilespmem:s3], [sflag:$0x1] =	stream.linear.gather [hbm4b:s18+s3], $0x200, $0x38;
	[tilespmem:$0x780] =	vst v63  }
0x36: {  	p0 =	sne.s32 s17, $0x4C0;
	_ =	swait.ge [sflag:s10], $0x200  }
0x37: {  	[sflag:s10] =	ssyncset.done $0x0  }
0x38: {  	[sflag:s10] =	ssyncadd.s32 $0xFFFFFE00  }
0x39: {  	[spmem:s2] =	stream.indirect.scatter.add.f32 [tilespmem:s12], [sflag:$0x1], $0x1, s3, s11, $0xb8;
	[tilespmem:$0x780] =	vst v63  }
0x3a: {  	_ =	swait.ge [sflag:s10], $0x80  }
0x3b: {  	[sflag:s10] =	ssyncset.done $0x0  }
0x3c: {  	[sflag:s10] =	ssyncadd.s32 $0xFFFFFF80  }
0x3d: {  	[spmem:s2] =	stream.indirect.scatter.add.f32 [tilespmem:s12], [sflag:$0x1], $0x1, s11, s11, $0xb8;
	[tilespmem:$0x780] =	vst v63  }
0x3e: {  	_ =	swait.ge [sflag:s10], $0x80  }
0x3f: {  	[sflag:s10] =	ssyncset.done $0x0  }
0x40: {  	[sflag:s10] =	ssyncadd.s32 $0xFFFFFF80  }
0x41: {  	[spmem:s2] =	stream.indirect.scatter.add.f32 [tilespmem:s12], [sflag:$0x1], $0x1, s13, s11, $0xb8;
	[tilespmem:$0x780] =	vst v63  }
0x42: {  	_ =	swait.ge [sflag:s10], $0x80  }
.Ltmp0:
0x43: {  	[sflag:s10] =	ssyncset.done $0x0;
	(pc) =	sbr.rel @p0 .LBB2_2-.Ltmp0, $4  }
0x44: {  	[sflag:s10] =	ssyncadd.s32 $0xFFFFFF80  }
0x45: {  	[spmem:s2] =	stream.indirect.scatter.add.f32 [tilespmem:s12], [sflag:$0x1], $0x1, s14, s11, $0xb8;
	[tilespmem:$0x780] =	vst v63  }
0x46: {  	_ =	swait.ge [sflag:s10], $0x80  }
0x47: {  	s17 =	smov.u32 s19;
	[sflag:s10] =	ssyncset.done $0x0  }
0x48: {  	s16 =	sadd.s32 s16, s8;
	[sflag:s10] =	ssyncadd.s32 $0xFFFFFF80  }
0x49: {  	[tilespmem:s3], [sflag:$0x1] =	stream.linear.gather [hbm4b:s16+s3], $0x200, $0x38;
	[tilespmem:$0x780] =	vst v63  }
0x4a: {  	_ =	swait.ge [sflag:s10], $0x200  }
0x4b: {  	[sflag:s10] =	ssyncset.done $0x0  }
0x4c: {  	[sflag:s10] =	ssyncadd.s32 $0xFFFFFE00  }
0x4d: {  	[spmem:s2] =	stream.indirect.scatter.add.f32 [tilespmem:s12], [sflag:$0x1], $0x1, s3, s11, $0xb8;
	[tilespmem:$0x780] =	vst v63  }
0x4e: {  	_ =	swait.ge [sflag:s10], $0x80  }
0x4f: {  	[sflag:s10] =	ssyncset.done $0x0  }
0x50: {  	[sflag:s10] =	ssyncadd.s32 $0xFFFFFF80  }
0x51: {  	[spmem:s2] =	stream.indirect.scatter.add.f32 [tilespmem:s12], [sflag:$0x1], $0x1, s11, s11, $0xb8;
	[tilespmem:$0x780] =	vst v63  }
0x52: {  	_ =	swait.ge [sflag:s10], $0x80  }
0x53: {  	[sflag:s10] =	ssyncset.done $0x0  }
0x54: {  	[sflag:s10] =	ssyncadd.s32 $0xFFFFFF80  }
0x55: {  	[spmem:s2] =	stream.indirect.scatter.add.f32 [tilespmem:s12], [sflag:$0x1], $0x1, s13, s11, $0xb8;
	[tilespmem:$0x780] =	vst v63  }
0x56: {  	_ =	swait.ge [sflag:s10], $0x80  }
0x57: {  	[sflag:s10] =	ssyncset.done $0x0  }
0x58: {  	[sflag:s10] =	ssyncadd.s32 $0xFFFFFF80  }
0x59: {  	[spmem:s2] =	stream.indirect.scatter.add.f32 [tilespmem:s12], [sflag:$0x1], $0x1, s14, s11, $0xb8;
	[tilespmem:$0x780] =	vst v63  }
0x5a: {  	_ =	swait.ge [sflag:s10], $0x80  }
0x5b: {  	[sflag:s10] =	ssyncset.done $0x0  }
0x5c: {  	[sflag:s10] =	ssyncadd.s32 $0xFFFFFF80  }
0x5d: {  	[bflag:$0x0] =	sbarrier.arrive $0xFFFF  }
0x5e: {  	[tilespmem:s9], [sflag:$0x1] =	stream.linear.gather [spmem:s5], $0x280, $0x38;
	[tilespmem:$0x780] =	vst v63  }
0x5f: {  	s15 =	sadd.s32 $0x1, s15;
	_ =	swait.ge [sflag:s10], $0x280  }
0x60: {  	p0 =	sne.s32 s15, s7;
	[sflag:s10] =	ssyncset.done $0x0  }
.Ltmp1:
0x61: {  	[sflag:s10] =	ssyncadd.s32 $0xFFFFFD80;
	(pc) =	sbr.rel @p0 .LBB2_1-.Ltmp1, $4  }
0x62: {  	[hbm4b:s6+s3] =	stream.linear.scatter [tilespmem:s9], [sflag:$0x1], $0x280, $0x38;
	[tilespmem:$0x780] =	vst v63  }
0x63: {  	_ =	swait.ge [sflag:s10], $0x280  }
0x64: {  	[sflag:s10] =	ssyncset.done $0x0  }
0x65: {  	[sflag:s10] =	ssyncadd.s32 $0xFFFFFD80  }
0x66: {  	_ =	sfence.sel $0x180000  }
0x67: {  	[bflag:$0x0] =	sbarrier.arrive $0xFFFF  }
0x68: {  	p0 =	sne.s32 s1, $0x0;
	_ =	strace $0x90000047  }
0x69: {  	s0 =	sadd.s32 @!p0 $0x100000, s0;
	[bflag:$0x2] =	sbarrier.arrive $0xFFFF  }
0x6a: {  	[sflag:s0] =	ssyncadd.tile.s32 @!p0 $0x1;
	_ =	shalt  }
.Lfunc_end2:
_tile_overlayer_lowered:
.L_overlay_start_2:
0x6b: {  	(tag) =	ssettag $0x2  }
0x6c: {  	s0 =	rddreg [dreg:$0x0];
	s2 =	stileid.u32  }
0x6d: {  	s1 =	rddreg [dreg:$0x1];
	p0 =	sne.s32 s2, $0x0  }
0x6e: {  	s3 =	rddreg [dreg:$0x2];
	[bflag:$0x3] =	sbarrier.arrive $0xFFFF;
	s2 =	simm.s32 @!p0 $0x1C01  }
0x6f: {  	[timem:s3], [sflag:s2] =	dma.local @!p0 [hbm:s0], s1  }
0x70: {  	s0 =	simm.s32 @!p0 $0x1  }
0x71: {  	_ =	swait.ge @!p0 [sflag:s0], s1  }
0x72: {  	s1 =	ssub.s32 @!p0 $0x0, s1;
	[sflag:s0] =	ssyncset.done @!p0 $0x0  }
0x73: {  	[sflag:s0] =	ssyncadd.s32 @!p0 s1  }
0x74: {  	[bflag:$0x3] =	sbarrier.arrive $0xFFFF  }
0x75: {  	_ =	shalt  }

</sc_bundles>
